<compile_context>
chip_gen: v7x
topology: tpu7x:2x2x1
jax: 0.10.2.dev20260603
libtpu: 0.0.44.dev20260713+nightly
codegen_flags: <defaults>
</compile_context>

<pallas_src>
import functools

import jax
import jax.numpy as jnp
from jax import lax
from jax.experimental import pallas as pl
from jax.experimental.pallas import tpu as pltpu
from jax.experimental.pallas import tpu_sc as plsc

_NC = 2
_NS = 16
_K = 128
_G = 8


def _sc_aggregate(h, src3, dst3, zeros_np):
    N, D = h.shape
    NW, C, K = src3.shape
    ROWS = -(-N // (_NS * 8)) * 8
    NP = ROWS * _NS
    G = _G
    NGRP = C // G

    mesh = plsc.VectorSubcoreMesh(core_axis_name="c", subcore_axis_name="s")

    @functools.partial(
        pl.kernel,
        out_type=jax.ShapeDtypeStruct((_NC, NP, D), jnp.float32),
        mesh=mesh,
        scratch_types=[
            pltpu.VMEM_SHARED((NP, D), jnp.float32),
            pltpu.VMEM((G, K), jnp.int32),
            pltpu.VMEM((G, K), jnp.int32),
            pltpu.VMEM((G, K), jnp.int32),
            pltpu.VMEM((G, K), jnp.int32),
            pltpu.VMEM((K, D), jnp.float32),
            pltpu.VMEM((K, D), jnp.float32),
            pltpu.SemaphoreType.DMA,
            pltpu.SemaphoreType.DMA,
            pltpu.SemaphoreType.DMA,
            pltpu.SemaphoreType.DMA,
            pltpu.SemaphoreType.DMA,
        ],
    )
    def agg_kernel(h_hbm, src_hbm, dst_hbm, zeros_hbm, out_hbm,
                   agg_sh, srcA, dstA, srcB, dstB, rows0_v, rows1_v,
                   sem0, sem1, semiA, semiB, semz):
        cid = lax.axis_index("c")
        sid = lax.axis_index("s")
        wid = cid * _NS + sid

        base = sid * ROWS
        zd = pltpu.async_copy(zeros_hbm.at[pl.ds(base, ROWS)],
                              agg_sh.at[pl.ds(base, ROWS)], semz)

        def wait_rows(sem):
            pltpu.make_async_copy(h_hbm.at[pl.ds(0, K)], rows0_v, sem).wait()

        def wait_idx(sem):
            pltpu.make_async_copy(src_hbm.at[wid, pl.ds(0, G)], srcA,
                                  sem).wait()

        def steady_pair(sv, dv, j):
            wait_rows(sem0)
            pltpu.sync_copy(rows0_v, agg_sh.at[dv.at[j]], add=True)
            pltpu.async_copy(h_hbm.at[sv.at[j + 2]], rows0_v, sem0)
            wait_rows(sem1)
            pltpu.sync_copy(rows1_v, agg_sh.at[dv.at[j + 1]], add=True)
            pltpu.async_copy(h_hbm.at[sv.at[j + 3]], rows1_v, sem1)

        def group_body(sv, dv, sv_next, dv_next, semi_next, gnext):
            pltpu.async_copy(src_hbm.at[wid, pl.ds(gnext * G, G)], sv_next,
                             semi_next)
            pltpu.async_copy(dst_hbm.at[wid, pl.ds(gnext * G, G)], dv_next,
                             semi_next)

            def ib(i, c):
                steady_pair(sv, dv, i * 2)
                return c

            lax.fori_loop(0, (G - 2) // 2, ib, 0)
            wait_idx(semi_next)
            wait_idx(semi_next)
            wait_rows(sem0)
            pltpu.sync_copy(rows0_v, agg_sh.at[dv.at[G - 2]], add=True)
            pltpu.async_copy(h_hbm.at[sv_next.at[0]], rows0_v, sem0)
            wait_rows(sem1)
            pltpu.sync_copy(rows1_v, agg_sh.at[dv.at[G - 1]], add=True)
            pltpu.async_copy(h_hbm.at[sv_next.at[1]], rows1_v, sem1)

        pltpu.sync_copy(src_hbm.at[wid, pl.ds(0, G)], srcA)
        pltpu.sync_copy(dst_hbm.at[wid, pl.ds(0, G)], dstA)
        pltpu.async_copy(h_hbm.at[srcA.at[0]], rows0_v, sem0)
        pltpu.async_copy(h_hbm.at[srcA.at[1]], rows1_v, sem1)
        zd.wait()
        plsc.subcore_barrier()

        def outer(m, carry):
            g = m * 2
            group_body(srcA, dstA, srcB, dstB, semiB, g + 1)
            group_body(srcB, dstB, srcA, dstA, semiA, lax.rem(g + 2, NGRP))
            return carry

        lax.fori_loop(0, NGRP // 2, outer, 0)
        wait_rows(sem0)
        wait_rows(sem1)
        plsc.subcore_barrier()

        pltpu.sync_copy(agg_sh.at[pl.ds(base, ROWS)],
                        out_hbm.at[cid, pl.ds(base, ROWS)])

    return agg_kernel(h, src3, dst3, zeros_np)


def _row_spec(D):
    return pl.BlockSpec((1, D), lambda i: (0, 0))


def _mat_spec(D):
    return pl.BlockSpec((D, D), lambda i: (0, 0))


def _dot(a, b):
    return jnp.dot(a, b, preferred_element_type=jnp.float32)


def _gin_mlp(z, wa, ba, g, be, rm, rv, wb, bb):
    z = _dot(z, wa[...]) + ba[...]
    scale = g[...] * lax.rsqrt(rv[...] + 1e-5)
    z = (z - rm[...]) * scale + be[...]
    z = jnp.maximum(z, 0.0)
    z = _dot(z, wb[...]) + bb[...]
    return jnp.maximum(z, 0.0)


def _tc_layer1(h, p, Wa, ba, g, be, rm, rv, Wb, bb, blk=2000):
    N, D = h.shape
    grid = N // blk

    def body(h_ref, p_ref, wa, ba_r, g_r, be_r, rm_r, rv_r, wb, bb_r,
             o_ref):
        z = h_ref[...] + p_ref[0] + p_ref[1]
        o_ref[...] = _gin_mlp(z, wa, ba_r, g_r, be_r, rm_r, rv_r, wb, bb_r)

    return pl.pallas_call(
        body,
        grid=(grid,),
        in_specs=[pl.BlockSpec((blk, D), lambda i: (i, 0)),
                  pl.BlockSpec((2, blk, D), lambda i: (0, i, 0))]
        + [_mat_spec(D)] + [_row_spec(D)] * 5 + [_mat_spec(D), _row_spec(D)],
        out_specs=pl.BlockSpec((blk, D), lambda i: (i, 0)),
        out_shape=jax.ShapeDtypeStruct((N, D), jnp.float32),
    )(h, p, Wa, ba.reshape(1, D), g.reshape(1, D), be.reshape(1, D),
      rm.reshape(1, D), rv.reshape(1, D), Wb, bb.reshape(1, D))


def _tc_layer2_head(h, p, Wa, ba, g, be, rm, rv, Wb, bb,
                    W5, b5, W6, b6, blk=2000):
    N, D = h.shape
    OUT = W6.shape[1]
    grid = N // blk

    def body(h_ref, p_ref, wa, ba_r, g_r, be_r, rm_r, rv_r, wb, bb_r,
             w5, b5_r, w6, b6_r, o_ref, acc):
        i = pl.program_id(0)
        z = h_ref[...] + p_ref[0] + p_ref[1]
        z = _gin_mlp(z, wa, ba_r, g_r, be_r, rm_r, rv_r, wb, bb_r)
        psum = jnp.sum(z, axis=0, keepdims=True)

        @pl.when(i == 0)
        def _():
            acc[...] = psum

        @pl.when(i > 0)
        def _():
            acc[...] = acc[...] + psum

        @pl.when(i == grid - 1)
        def _():
            y = jnp.maximum(_dot(acc[...], w5[...]) + b5_r[...], 0.0)
            o_ref[...] = _dot(y, w6[...]) + b6_r[...]

    return pl.pallas_call(
        body,
        grid=(grid,),
        in_specs=[pl.BlockSpec((blk, D), lambda i: (i, 0)),
                  pl.BlockSpec((2, blk, D), lambda i: (0, i, 0))]
        + [_mat_spec(D)] + [_row_spec(D)] * 5 + [_mat_spec(D), _row_spec(D)]
        + [pl.BlockSpec((D, OUT), lambda i: (0, 0)),
           pl.BlockSpec((1, OUT), lambda i: (0, 0)),
           pl.BlockSpec((D, OUT), lambda i: (0, 0)),
           pl.BlockSpec((1, OUT), lambda i: (0, 0))],
        out_specs=pl.BlockSpec((1, OUT), lambda i: (0, 0)),
        out_shape=jax.ShapeDtypeStruct((1, OUT), jnp.float32),
        scratch_shapes=[pltpu.VMEM((1, D), jnp.float32)],
    )(h, p, Wa, ba.reshape(1, D), g.reshape(1, D), be.reshape(1, D),
      rm.reshape(1, D), rv.reshape(1, D), Wb, bb.reshape(1, D),
      W5, b5.reshape(1, OUT), W6, b6.reshape(1, OUT))


def kernel(x, edge_index, W1, b1, g1, be1, W2, b2, W3, b3, g2, be2,
           W4, b4, W5, b5, W6, b6, rm1, rv1, rm2, rv2):
    N, D = x.shape
    E = edge_index.shape[1]
    NW = _NC * _NS
    NP = (-(-N // (_NS * 8)) * 8) * _NS
    zeros_np = jnp.zeros((NP, D), jnp.float32)

    quant = NW * _K * _G * 2
    EP = -(-E // quant) * quant
    pad = EP - E
    src = edge_index[0]
    dst = edge_index[1]
    if pad:
        ar = jnp.arange(pad, dtype=jnp.int32)
        src = jnp.concatenate([src, ar % N])
        dst = jnp.concatenate([dst, N + ar % (NP - N)])
    C = EP // (NW * _K)
    src3 = src.reshape(NW, C, _K)
    dst3 = dst.reshape(NW, C, _K)

    p1 = _sc_aggregate(x, src3, dst3, zeros_np)
    h1 = _tc_layer1(x, p1, W1, b1, g1, be1, rm1, rv1, W2, b2)
    p2 = _sc_aggregate(h1, src3, dst3, zeros_np)
    return _tc_layer2_head(h1, p2, W3, b3, g2, be2, rm2, rv2,
                           W4, b4, W5, b5, W6, b6)

# --- scband reference (transcript-rebuilt; emitter-appended) ---
"""Pipeline reference for scband-gin-64347200028751 (READ-ONLY COPY).

The authoritative reference and input builder live on the scoring server;
editing this copy changes nothing except your own understanding.
"""

import jax, jax.numpy as jnp
import numpy as np

N, E, D, OUT = 10000, 320000, 128, 128


def setup_inputs(seed: int = 0) -> dict:
    key = jax.random.key(seed)
    ks = jax.random.split(key, 16)
    inp = {}
    inp['x'] = jax.random.normal(ks[0], (N, D), dtype=jnp.float32)
    inp['edge_index'] = jax.random.randint(ks[1], (2, E), 0, N, dtype=jnp.int32)
    s = 0.05
    inp['W1'] = jax.random.normal(ks[2], (D, D), dtype=jnp.float32) * s
    inp['b1'] = jnp.zeros((D,), dtype=jnp.float32)
    inp['g1'] = jnp.ones((D,), dtype=jnp.float32)
    inp['be1'] = jnp.zeros((D,), dtype=jnp.float32)
    inp['W2'] = jax.random.normal(ks[3], (D, D), dtype=jnp.float32) * s
    inp['b2'] = jnp.zeros((D,), dtype=jnp.float32)
    inp['W3'] = jax.random.normal(ks[4], (D, D), dtype=jnp.float32) * s
    inp['b3'] = jnp.zeros((D,), dtype=jnp.float32)
    inp['g2'] = jnp.ones((D,), dtype=jnp.float32)
    inp['be2'] = jnp.zeros((D,), dtype=jnp.float32)
    inp['W4'] = jax.random.normal(ks[5], (D, D), dtype=jnp.float32) * s
    inp['b4'] = jnp.zeros((D,), dtype=jnp.float32)
    inp['W5'] = jax.random.normal(ks[6], (D, D), dtype=jnp.float32) * s
    inp['b5'] = jnp.zeros((D,), dtype=jnp.float32)
    inp['W6'] = jax.random.normal(ks[7], (D, OUT), dtype=jnp.float32) * s
    inp['b6'] = jnp.zeros((OUT,), dtype=jnp.float32)
    # BatchNorm running stats (eval mode buffers)
    inp['rm1'] = jnp.zeros((D,), dtype=jnp.float32)
    inp['rv1'] = jnp.ones((D,), dtype=jnp.float32)
    inp['rm2'] = jnp.zeros((D,), dtype=jnp.float32)
    inp['rv2'] = jnp.ones((D,), dtype=jnp.float32)
    return inp


def reference(x, edge_index, W1, b1, g1, be1, W2, b2, W3, b3, g2, be2, W4, b4, W5, b5, W6, b6, rm1, rv1, rm2, rv2):
    src = edge_index[0]
    dst = edge_index[1]

    def gin_conv(h, Wa, ba, g, be, rm, rv, Wb, bb):
        # GINConv with eps=0: nn((1+eps)*x + sum_{j in N(i)} x_j)
        agg = jnp.zeros_like(h).at[dst].add(h[src])
        z = h + agg
        z = z @ Wa + ba
        # BatchNorm1d in eval mode with running stats
        z = (z - rm) / jnp.sqrt(rv + 1e-5) * g + be
        z = jax.nn.relu(z)
        z = z @ Wb + bb
        z = jax.nn.relu(z)
        return z

    h = x.astype(jnp.float32)
    h = gin_conv(h, W1, b1, g1, be1, rm1, rv1, W2, b2)
    h = gin_conv(h, W3, b3, g2, be2, rm2, rv2, W4, b4)
    # global_add_pool with batch=None -> single graph sum
    pooled = jnp.sum(h, axis=0, keepdims=True)
    out = jax.nn.relu(pooled @ W5 + b5)
    # dropout is identity in eval mode
    out = out @ W6 + b6
    return out

if __name__ == "__main__":
    import jax
    _d = setup_inputs()
    print(jax.jit(kernel)(*tuple(_d.values())))

</pallas_src>

<mosaic_0001>
#map = affine_map<(d0, d1) -> (0, 0)>
#map1 = affine_map<(d0, d1) -> (0, 0, 0)>
module attributes {stable_mosaic.version = 14 : i64} {
  func.func @agg_kernel(%arg0: i32, %arg1: i32, %arg2: memref<10000x128xf32, #tpu.memory_space<hbm>>, %arg3: memref<32x80x128xi32, #tpu.memory_space<hbm>>, %arg4: memref<32x80x128xi32, #tpu.memory_space<hbm>>, %arg5: memref<10112x128xf32, #tpu.memory_space<hbm>>, %arg6: memref<2x10112x128xf32, #tpu.memory_space<hbm>>, %arg7: memref<10112x128xf32, #tpu.memory_space<vmem_shared>>, %arg8: memref<8x128xi32, #tpu.memory_space<vmem>>, %arg9: memref<8x128xi32, #tpu.memory_space<vmem>>, %arg10: memref<8x128xi32, #tpu.memory_space<vmem>>, %arg11: memref<8x128xi32, #tpu.memory_space<vmem>>, %arg12: memref<128x128xf32, #tpu.memory_space<vmem>>, %arg13: memref<128x128xf32, #tpu.memory_space<vmem>>, %arg14: memref<!tpu.dma_semaphore, #tpu.memory_space<semaphore_mem>>, %arg15: memref<!tpu.dma_semaphore, #tpu.memory_space<semaphore_mem>>, %arg16: memref<!tpu.dma_semaphore, #tpu.memory_space<semaphore_mem>>, %arg17: memref<!tpu.dma_semaphore, #tpu.memory_space<semaphore_mem>>, %arg18: memref<!tpu.dma_semaphore, #tpu.memory_space<semaphore_mem>>) attributes {dimension_semantics = [#tpu.dimension_semantics<core_parallel>, #tpu.dimension_semantics<subcore_parallel>], iteration_bounds = array<i64: 2, 16>, scalar_prefetch = 0 : i64, scratch_operands = 12 : i64, tpu.core_type = #tpu.core_type<sc_vector_subcore>, window_params = [{transform_indices = #map}, {transform_indices = #map1}, {transform_indices = #map1}, {transform_indices = #map}, {transform_indices = #map1}]} {
    %mul3A = arith.constant 16 : i32
    %mul3A_0 = arith.muli %arg0, %mul3A : i32
    %add3A = arith.addi %mul3A_0, %arg1 : i32
    %mul3A_1 = arith.constant 632 : i32
    %mul3A_2 = arith.muli %arg1, %mul3A_1 : i32
    %dma_start3A = arith.constant 0 : i32
    %dma_start3A_3 = tpu.memref_slice %arg7[%mul3A_2, %dma_start3A] : memref<10112x128xf32, #tpu.memory_space<vmem_shared>> -> memref<632x128xf32, #tpu.memory_space<vmem_shared>>
    %dma_start3A_4 = arith.constant 0 : i32
    %dma_start3A_5 = tpu.memref_slice %arg5[%mul3A_2, %dma_start3A_4] : memref<10112x128xf32, #tpu.memory_space<hbm>> -> memref<632x128xf32, #tpu.memory_space<hbm>>
    tpu.enqueue_dma source(%dma_start3A_5 : memref<632x128xf32, #tpu.memory_space<hbm>>) target(%dma_start3A_3 : memref<632x128xf32, #tpu.memory_space<vmem_shared>>) target_semaphore(%arg18 : memref<!tpu.dma_semaphore, #tpu.memory_space<semaphore_mem>>)
    "tpu.region"() ({
      %run_scoped3A = tpu.sem_alloc : memref<!tpu.dma_semaphore, #tpu.memory_space<semaphore_mem>>
      %dma_start3A_41 = arith.constant 0 : i32
      %dma_start3A_42 = arith.constant 0 : i32
      %dma_start3A_43 = tpu.memref_slice %arg3[%add3A, %dma_start3A_41, %dma_start3A_42] : memref<32x80x128xi32, #tpu.memory_space<hbm>> -> memref<1x8x128xi32, #tpu.memory_space<hbm>>
      %dma_start3A_44 = tpu.memref_squeeze %dma_start3A_43 : memref<1x8x128xi32, #tpu.memory_space<hbm>> -> memref<8x128xi32, #tpu.memory_space<hbm>>
      %dma_start3A_45 = arith.constant 0 : i32
      %dma_start3A_46 = arith.constant 0 : i32
      %dma_start3A_47 = tpu.memref_slice %arg3[%add3A, %dma_start3A_45, %dma_start3A_46] : memref<32x80x128xi32, #tpu.memory_space<hbm>> -> memref<1x8x128xi32, #tpu.memory_space<hbm>>
      %dma_start3A_48 = tpu.memref_squeeze %dma_start3A_47 : memref<1x8x128xi32, #tpu.memory_space<hbm>> -> memref<8x128xi32, #tpu.memory_space<hbm>>
      tpu.enqueue_dma source(%dma_start3A_48 : memref<8x128xi32, #tpu.memory_space<hbm>>) target(%arg8 : memref<8x128xi32, #tpu.memory_space<vmem>>) target_semaphore(%run_scoped3A : memref<!tpu.dma_semaphore, #tpu.memory_space<semaphore_mem>>)
      %dma_wait3A_49 = arith.constant 0 : i32
      %dma_wait3A_50 = arith.constant 0 : i32
      %dma_wait3A_51 = tpu.memref_slice %arg3[%add3A, %dma_wait3A_49, %dma_wait3A_50] : memref<32x80x128xi32, #tpu.memory_space<hbm>> -> memref<1x8x128xi32, #tpu.memory_space<hbm>>
      %dma_wait3A_52 = tpu.memref_squeeze %dma_wait3A_51 : memref<1x8x128xi32, #tpu.memory_space<hbm>> -> memref<8x128xi32, #tpu.memory_space<hbm>>
      %dma_wait3A_53 = arith.constant 0 : i32
      %dma_wait3A_54 = arith.constant 0 : i32
      %dma_wait3A_55 = tpu.memref_slice %arg3[%add3A, %dma_wait3A_53, %dma_wait3A_54] : memref<32x80x128xi32, #tpu.memory_space<hbm>> -> memref<1x8x128xi32, #tpu.memory_space<hbm>>
      %dma_wait3A_56 = tpu.memref_squeeze %dma_wait3A_55 : memref<1x8x128xi32, #tpu.memory_space<hbm>> -> memref<8x128xi32, #tpu.memory_space<hbm>>
      tpu.wait_dma2 semaphore(%run_scoped3A : memref<!tpu.dma_semaphore, #tpu.memory_space<semaphore_mem>>) src(%dma_wait3A_56 : memref<8x128xi32, #tpu.memory_space<hbm>>) dst(%arg8 : memref<8x128xi32, #tpu.memory_space<vmem>>)
      tpu.yield
    }) : () -> ()
    "tpu.region"() ({
      %run_scoped3A = tpu.sem_alloc : memref<!tpu.dma_semaphore, #tpu.memory_space<semaphore_mem>>
      %dma_start3A_41 = arith.constant 0 : i32
      %dma_start3A_42 = arith.constant 0 : i32
      %dma_start3A_43 = tpu.memref_slice %arg4[%add3A, %dma_start3A_41, %dma_start3A_42] : memref<32x80x128xi32, #tpu.memory_space<hbm>> -> memref<1x8x128xi32, #tpu.memory_space<hbm>>
      %dma_start3A_44 = tpu.memref_squeeze %dma_start3A_43 : memref<1x8x128xi32, #tpu.memory_space<hbm>> -> memref<8x128xi32, #tpu.memory_space<hbm>>
      %dma_start3A_45 = arith.constant 0 : i32
      %dma_start3A_46 = arith.constant 0 : i32
      %dma_start3A_47 = tpu.memref_slice %arg4[%add3A, %dma_start3A_45, %dma_start3A_46] : memref<32x80x128xi32, #tpu.memory_space<hbm>> -> memref<1x8x128xi32, #tpu.memory_space<hbm>>
      %dma_start3A_48 = tpu.memref_squeeze %dma_start3A_47 : memref<1x8x128xi32, #tpu.memory_space<hbm>> -> memref<8x128xi32, #tpu.memory_space<hbm>>
      tpu.enqueue_dma source(%dma_start3A_48 : memref<8x128xi32, #tpu.memory_space<hbm>>) target(%arg9 : memref<8x128xi32, #tpu.memory_space<vmem>>) target_semaphore(%run_scoped3A : memref<!tpu.dma_semaphore, #tpu.memory_space<semaphore_mem>>)
      %dma_wait3A_49 = arith.constant 0 : i32
      %dma_wait3A_50 = arith.constant 0 : i32
      %dma_wait3A_51 = tpu.memref_slice %arg4[%add3A, %dma_wait3A_49, %dma_wait3A_50] : memref<32x80x128xi32, #tpu.memory_space<hbm>> -> memref<1x8x128xi32, #tpu.memory_space<hbm>>
      %dma_wait3A_52 = tpu.memref_squeeze %dma_wait3A_51 : memref<1x8x128xi32, #tpu.memory_space<hbm>> -> memref<8x128xi32, #tpu.memory_space<hbm>>
      %dma_wait3A_53 = arith.constant 0 : i32
      %dma_wait3A_54 = arith.constant 0 : i32
      %dma_wait3A_55 = tpu.memref_slice %arg4[%add3A, %dma_wait3A_53, %dma_wait3A_54] : memref<32x80x128xi32, #tpu.memory_space<hbm>> -> memref<1x8x128xi32, #tpu.memory_space<hbm>>
      %dma_wait3A_56 = tpu.memref_squeeze %dma_wait3A_55 : memref<1x8x128xi32, #tpu.memory_space<hbm>> -> memref<8x128xi32, #tpu.memory_space<hbm>>
      tpu.wait_dma2 semaphore(%run_scoped3A : memref<!tpu.dma_semaphore, #tpu.memory_space<semaphore_mem>>) src(%dma_wait3A_56 : memref<8x128xi32, #tpu.memory_space<hbm>>) dst(%arg9 : memref<8x128xi32, #tpu.memory_space<vmem>>)
      tpu.yield
    }) : () -> ()
    %dma_start3A_6 = arith.constant 0 : i32
    %dma_start3A_7 = arith.constant 0 : i32
    %dma_start3A_8 = tpu.memref_slice %arg8[%dma_start3A_6, %dma_start3A_7] : memref<8x128xi32, #tpu.memory_space<vmem>> -> memref<1x128xi32, #tpu.memory_space<vmem>>
    %dma_start3A_9 = tpu.memref_squeeze %dma_start3A_8 : memref<1x128xi32, #tpu.memory_space<vmem>> -> memref<128xi32, #tpu.memory_space<vmem>>
    %dma_start3A_10 = arith.constant 0 : i32
    %dma_start3A_11 = arith.constant 0 : i32
    %dma_start3A_12 = tpu.memref_slice %arg2[%dma_start3A_10, %dma_start3A_11] : memref<10000x128xf32, #tpu.memory_space<hbm>> -> memref<10000x128xf32, #tpu.memory_space<hbm>>
    tpu.enqueue_indirect_dma source(%dma_start3A_12 : memref<10000x128xf32, #tpu.memory_space<hbm>>) target(%arg12 : memref<128x128xf32, #tpu.memory_space<vmem>>) offsets(%dma_start3A_9 : memref<128xi32, #tpu.memory_space<vmem>>) semaphore(%arg14 : memref<!tpu.dma_semaphore, #tpu.memory_space<semaphore_mem>>)
    %dma_start3A_13 = arith.constant 1 : i32
    %dma_start3A_14 = arith.constant 0 : i32
    %dma_start3A_15 = tpu.memref_slice %arg8[%dma_start3A_13, %dma_start3A_14] : memref<8x128xi32, #tpu.memory_space<vmem>> -> memref<1x128xi32, #tpu.memory_space<vmem>>
    %dma_start3A_16 = tpu.memref_squeeze %dma_start3A_15 : memref<1x128xi32, #tpu.memory_space<vmem>> -> memref<128xi32, #tpu.memory_space<vmem>>
    %dma_start3A_17 = arith.constant 0 : i32
    %dma_start3A_18 = arith.constant 0 : i32
    %dma_start3A_19 = tpu.memref_slice %arg2[%dma_start3A_17, %dma_start3A_18] : memref<10000x128xf32, #tpu.memory_space<hbm>> -> memref<10000x128xf32, #tpu.memory_space<hbm>>
    tpu.enqueue_indirect_dma source(%dma_start3A_19 : memref<10000x128xf32, #tpu.memory_space<hbm>>) target(%arg13 : memref<128x128xf32, #tpu.memory_space<vmem>>) offsets(%dma_start3A_16 : memref<128xi32, #tpu.memory_space<vmem>>) semaphore(%arg15 : memref<!tpu.dma_semaphore, #tpu.memory_space<semaphore_mem>>)
    %dma_wait3A = arith.constant 0 : i32
    %dma_wait3A_20 = tpu.memref_slice %arg7[%mul3A_2, %dma_wait3A] : memref<10112x128xf32, #tpu.memory_space<vmem_shared>> -> memref<632x128xf32, #tpu.memory_space<vmem_shared>>
    %dma_wait3A_21 = arith.constant 0 : i32
    %dma_wait3A_22 = tpu.memref_slice %arg5[%mul3A_2, %dma_wait3A_21] : memref<10112x128xf32, #tpu.memory_space<hbm>> -> memref<632x128xf32, #tpu.memory_space<hbm>>
    tpu.wait_dma2 semaphore(%arg18 : memref<!tpu.dma_semaphore, #tpu.memory_space<semaphore_mem>>) src(%dma_wait3A_22 : memref<632x128xf32, #tpu.memory_space<hbm>>) dst(%dma_wait3A_20 : memref<632x128xf32, #tpu.memory_space<vmem_shared>>)
    %barrier3A = arith.constant 0 : index
    tpu.barrier barrier_id(%barrier3A)
    %scan3A = arith.constant 0 : i32
    %scan3A_23 = arith.constant 0 : i32
    %scan3A_24 = arith.constant 5 : i32
    %scan3A_25 = arith.addi %scan3A_23, %scan3A_24 : i32
    %scan3A_26 = arith.constant 1 : i32
    scf.for %scan3A_41 = %scan3A_23 to %scan3A_25 step %scan3A_26  : i32 {
      %mul3A_42 = arith.constant 2 : i32
      %mul3A_43 = arith.muli %scan3A_41, %mul3A_42 : i32
      %add3A_44 = arith.constant 1 : i32
      %add3A_45 = arith.addi %mul3A_43, %add3A_44 : i32
      %mul3A_46 = arith.constant 8 : i32
      %mul3A_47 = arith.muli %add3A_45, %mul3A_46 : i32
      %dma_start3A_48 = arith.constant 0 : i32
      %dma_start3A_49 = tpu.memref_slice %arg3[%add3A, %mul3A_47, %dma_start3A_48] : memref<32x80x128xi32, #tpu.memory_space<hbm>> -> memref<1x8x128xi32, #tpu.memory_space<hbm>>
      %dma_start3A_50 = tpu.memref_squeeze %dma_start3A_49 : memref<1x8x128xi32, #tpu.memory_space<hbm>> -> memref<8x128xi32, #tpu.memory_space<hbm>>
      %dma_start3A_51 = arith.constant 0 : i32
      %dma_start3A_52 = tpu.memref_slice %arg3[%add3A, %mul3A_47, %dma_start3A_51] : memref<32x80x128xi32, #tpu.memory_space<hbm>> -> memref<1x8x128xi32, #tpu.memory_space<hbm>>
      %dma_start3A_53 = tpu.memref_squeeze %dma_start3A_52 : memref<1x8x128xi32, #tpu.memory_space<hbm>> -> memref<8x128xi32, #tpu.memory_space<hbm>>
      tpu.enqueue_dma source(%dma_start3A_53 : memref<8x128xi32, #tpu.memory_space<hbm>>) target(%arg10 : memref<8x128xi32, #tpu.memory_space<vmem>>) target_semaphore(%arg17 : memref<!tpu.dma_semaphore, #tpu.memory_space<semaphore_mem>>)
      %mul3A_54 = arith.constant 8 : i32
      %mul3A_55 = arith.muli %add3A_45, %mul3A_54 : i32
      %dma_start3A_56 = arith.constant 0 : i32
      %dma_start3A_57 = tpu.memref_slice %arg4[%add3A, %mul3A_55, %dma_start3A_56] : memref<32x80x128xi32, #tpu.memory_space<hbm>> -> memref<1x8x128xi32, #tpu.memory_space<hbm>>
      %dma_start3A_58 = tpu.memref_squeeze %dma_start3A_57 : memref<1x8x128xi32, #tpu.memory_space<hbm>> -> memref<8x128xi32, #tpu.memory_space<hbm>>
      %dma_start3A_59 = arith.constant 0 : i32
      %dma_start3A_60 = tpu.memref_slice %arg4[%add3A, %mul3A_55, %dma_start3A_59] : memref<32x80x128xi32, #tpu.memory_space<hbm>> -> memref<1x8x128xi32, #tpu.memory_space<hbm>>
      %dma_start3A_61 = tpu.memref_squeeze %dma_start3A_60 : memref<1x8x128xi32, #tpu.memory_space<hbm>> -> memref<8x128xi32, #tpu.memory_space<hbm>>
      tpu.enqueue_dma source(%dma_start3A_61 : memref<8x128xi32, #tpu.memory_space<hbm>>) target(%arg11 : memref<8x128xi32, #tpu.memory_space<vmem>>) target_semaphore(%arg17 : memref<!tpu.dma_semaphore, #tpu.memory_space<semaphore_mem>>)
      %scan3A_62 = arith.constant 0 : i32
      %scan3A_63 = arith.constant 0 : i32
      %scan3A_64 = arith.constant 3 : i32
      %scan3A_65 = arith.addi %scan3A_63, %scan3A_64 : i32
      %scan3A_66 = arith.constant 1 : i32
      scf.for %scan3A_180 = %scan3A_63 to %scan3A_65 step %scan3A_66  : i32 {
        %mul3A_181 = arith.constant 2 : i32
        %mul3A_182 = arith.muli %scan3A_180, %mul3A_181 : i32
        %dma_wait3A_183 = arith.constant 0 : i32
        %dma_wait3A_184 = arith.constant 0 : i32
        %dma_wait3A_185 = tpu.memref_slice %arg2[%dma_wait3A_183, %dma_wait3A_184] : memref<10000x128xf32, #tpu.memory_space<hbm>> -> memref<128x128xf32, #tpu.memory_space<hbm>>
        %dma_wait3A_186 = arith.constant 0 : i32
        %dma_wait3A_187 = arith.constant 0 : i32
        %dma_wait3A_188 = tpu.memref_slice %arg2[%dma_wait3A_186, %dma_wait3A_187] : memref<10000x128xf32, #tpu.memory_space<hbm>> -> memref<128x128xf32, #tpu.memory_space<hbm>>
        tpu.wait_dma2 semaphore(%arg14 : memref<!tpu.dma_semaphore, #tpu.memory_space<semaphore_mem>>) src(%dma_wait3A_188 : memref<128x128xf32, #tpu.memory_space<hbm>>) dst(%arg12 : memref<128x128xf32, #tpu.memory_space<vmem>>)
        "tpu.region"() ({
          %run_scoped3A_213 = tpu.sem_alloc : memref<!tpu.dma_semaphore, #tpu.memory_space<semaphore_mem>>
          %dma_start3A_214 = arith.constant 0 : i32
          %dma_start3A_215 = tpu.memref_slice %arg9[%mul3A_182, %dma_start3A_214] : memref<8x128xi32, #tpu.memory_space<vmem>> -> memref<1x128xi32, #tpu.memory_space<vmem>>
          %dma_start3A_216 = tpu.memref_squeeze %dma_start3A_215 : memref<1x128xi32, #tpu.memory_space<vmem>> -> memref<128xi32, #tpu.memory_space<vmem>>
          %dma_start3A_217 = arith.constant 0 : i32
          %dma_start3A_218 = arith.constant 0 : i32
          %dma_start3A_219 = tpu.memref_slice %arg7[%dma_start3A_217, %dma_start3A_218] : memref<10112x128xf32, #tpu.memory_space<vmem_shared>> -> memref<10112x128xf32, #tpu.memory_space<vmem_shared>>
          tpu.enqueue_indirect_dma source(%arg12 : memref<128x128xf32, #tpu.memory_space<vmem>>) target(%dma_start3A_219 : memref<10112x128xf32, #tpu.memory_space<vmem_shared>>) offsets(%dma_start3A_216 : memref<128xi32, #tpu.memory_space<vmem>>) semaphore(%run_scoped3A_213 : memref<!tpu.dma_semaphore, #tpu.memory_space<semaphore_mem>>) {add = true}
          %dma_wait3A_220 = arith.constant 0 : i32
          %dma_wait3A_221 = tpu.memref_slice %arg9[%mul3A_182, %dma_wait3A_220] : memref<8x128xi32, #tpu.memory_space<vmem>> -> memref<1x128xi32, #tpu.memory_space<vmem>>
          %dma_wait3A_222 = tpu.memref_squeeze %dma_wait3A_221 : memref<1x128xi32, #tpu.memory_space<vmem>> -> memref<128xi32, #tpu.memory_space<vmem>>
          %dma_wait3A_223 = arith.constant 0 : i32
          %dma_wait3A_224 = arith.constant 0 : i32
          %dma_wait3A_225 = tpu.memref_slice %arg7[%dma_wait3A_223, %dma_wait3A_224] : memref<10112x128xf32, #tpu.memory_space<vmem_shared>> -> memref<10112x128xf32, #tpu.memory_space<vmem_shared>>
          tpu.wait_indirect_dma semaphore(%run_scoped3A_213 : memref<!tpu.dma_semaphore, #tpu.memory_space<semaphore_mem>>) src(%arg12 : memref<128x128xf32, #tpu.memory_space<vmem>>) dst(%dma_wait3A_225 : memref<10112x128xf32, #tpu.memory_space<vmem_shared>>)
          tpu.yield
        }) : () -> ()
        %add3A_189 = arith.constant 2 : i32
        %add3A_190 = arith.addi %mul3A_182, %add3A_189 : i32
        %dma_start3A_191 = arith.constant 0 : i32
        %dma_start3A_192 = tpu.memref_slice %arg8[%add3A_190, %dma_start3A_191] : memref<8x128xi32, #tpu.memory_space<vmem>> -> memref<1x128xi32, #tpu.memory_space<vmem>>
        %dma_start3A_193 = tpu.memref_squeeze %dma_start3A_192 : memref<1x128xi32, #tpu.memory_space<vmem>> -> memref<128xi32, #tpu.memory_space<vmem>>
        %dma_start3A_194 = arith.constant 0 : i32
        %dma_start3A_195 = arith.constant 0 : i32
        %dma_start3A_196 = tpu.memref_slice %arg2[%dma_start3A_194, %dma_start3A_195] : memref<10000x128xf32, #tpu.memory_space<hbm>> -> memref<10000x128xf32, #tpu.memory_space<hbm>>
        tpu.enqueue_indirect_dma source(%dma_start3A_196 : memref<10000x128xf32, #tpu.memory_space<hbm>>) target(%arg12 : memref<128x128xf32, #tpu.memory_space<vmem>>) offsets(%dma_start3A_193 : memref<128xi32, #tpu.memory_space<vmem>>) semaphore(%arg14 : memref<!tpu.dma_semaphore, #tpu.memory_space<semaphore_mem>>)
        %dma_wait3A_197 = arith.constant 0 : i32
        %dma_wait3A_198 = arith.constant 0 : i32
        %dma_wait3A_199 = tpu.memref_slice %arg2[%dma_wait3A_197, %dma_wait3A_198] : memref<10000x128xf32, #tpu.memory_space<hbm>> -> memref<128x128xf32, #tpu.memory_space<hbm>>
        %dma_wait3A_200 = arith.constant 0 : i32
        %dma_wait3A_201 = arith.constant 0 : i32
        %dma_wait3A_202 = tpu.memref_slice %arg2[%dma_wait3A_200, %dma_wait3A_201] : memref<10000x128xf32, #tpu.memory_space<hbm>> -> memref<128x128xf32, #tpu.memory_space<hbm>>
        tpu.wait_dma2 semaphore(%arg15 : memref<!tpu.dma_semaphore, #tpu.memory_space<semaphore_mem>>) src(%dma_wait3A_202 : memref<128x128xf32, #tpu.memory_space<hbm>>) dst(%arg12 : memref<128x128xf32, #tpu.memory_space<vmem>>)
        %add3A_203 = arith.constant 1 : i32
        %add3A_204 = arith.addi %mul3A_182, %add3A_203 : i32
        "tpu.region"() ({
          %run_scoped3A_213 = tpu.sem_alloc : memref<!tpu.dma_semaphore, #tpu.memory_space<semaphore_mem>>
          %dma_start3A_214 = arith.constant 0 : i32
          %dma_start3A_215 = tpu.memref_slice %arg9[%add3A_204, %dma_start3A_214] : memref<8x128xi32, #tpu.memory_space<vmem>> -> memref<1x128xi32, #tpu.memory_space<vmem>>
          %dma_start3A_216 = tpu.memref_squeeze %dma_start3A_215 : memref<1x128xi32, #tpu.memory_space<vmem>> -> memref<128xi32, #tpu.memory_space<vmem>>
          %dma_start3A_217 = arith.constant 0 : i32
          %dma_start3A_218 = arith.constant 0 : i32
          %dma_start3A_219 = tpu.memref_slice %arg7[%dma_start3A_217, %dma_start3A_218] : memref<10112x128xf32, #tpu.memory_space<vmem_shared>> -> memref<10112x128xf32, #tpu.memory_space<vmem_shared>>
          tpu.enqueue_indirect_dma source(%arg13 : memref<128x128xf32, #tpu.memory_space<vmem>>) target(%dma_start3A_219 : memref<10112x128xf32, #tpu.memory_space<vmem_shared>>) offsets(%dma_start3A_216 : memref<128xi32, #tpu.memory_space<vmem>>) semaphore(%run_scoped3A_213 : memref<!tpu.dma_semaphore, #tpu.memory_space<semaphore_mem>>) {add = true}
          %dma_wait3A_220 = arith.constant 0 : i32
          %dma_wait3A_221 = tpu.memref_slice %arg9[%add3A_204, %dma_wait3A_220] : memref<8x128xi32, #tpu.memory_space<vmem>> -> memref<1x128xi32, #tpu.memory_space<vmem>>
          %dma_wait3A_222 = tpu.memref_squeeze %dma_wait3A_221 : memref<1x128xi32, #tpu.memory_space<vmem>> -> memref<128xi32, #tpu.memory_space<vmem>>
          %dma_wait3A_223 = arith.constant 0 : i32
          %dma_wait3A_224 = arith.constant 0 : i32
          %dma_wait3A_225 = tpu.memref_slice %arg7[%dma_wait3A_223, %dma_wait3A_224] : memref<10112x128xf32, #tpu.memory_space<vmem_shared>> -> memref<10112x128xf32, #tpu.memory_space<vmem_shared>>
          tpu.wait_indirect_dma semaphore(%run_scoped3A_213 : memref<!tpu.dma_semaphore, #tpu.memory_space<semaphore_mem>>) src(%arg13 : memref<128x128xf32, #tpu.memory_space<vmem>>) dst(%dma_wait3A_225 : memref<10112x128xf32, #tpu.memory_space<vmem_shared>>)
          tpu.yield
        }) : () -> ()
        %add3A_205 = arith.constant 3 : i32
        %add3A_206 = arith.addi %mul3A_182, %add3A_205 : i32
        %dma_start3A_207 = arith.constant 0 : i32
        %dma_start3A_208 = tpu.memref_slice %arg8[%add3A_206, %dma_start3A_207] : memref<8x128xi32, #tpu.memory_space<vmem>> -> memref<1x128xi32, #tpu.memory_space<vmem>>
        %dma_start3A_209 = tpu.memref_squeeze %dma_start3A_208 : memref<1x128xi32, #tpu.memory_space<vmem>> -> memref<128xi32, #tpu.memory_space<vmem>>
        %dma_start3A_210 = arith.constant 0 : i32
        %dma_start3A_211 = arith.constant 0 : i32
        %dma_start3A_212 = tpu.memref_slice %arg2[%dma_start3A_210, %dma_start3A_211] : memref<10000x128xf32, #tpu.memory_space<hbm>> -> memref<10000x128xf32, #tpu.memory_space<hbm>>
        tpu.enqueue_indirect_dma source(%dma_start3A_212 : memref<10000x128xf32, #tpu.memory_space<hbm>>) target(%arg13 : memref<128x128xf32, #tpu.memory_space<vmem>>) offsets(%dma_start3A_209 : memref<128xi32, #tpu.memory_space<vmem>>) semaphore(%arg15 : memref<!tpu.dma_semaphore, #tpu.memory_space<semaphore_mem>>)
      }
      %scan3A_67 = arith.constant 3 : i32
      %dma_wait3A_68 = arith.constant 0 : i32
      %dma_wait3A_69 = arith.constant 0 : i32
      %dma_wait3A_70 = tpu.memref_slice %arg3[%add3A, %dma_wait3A_68, %dma_wait3A_69] : memref<32x80x128xi32, #tpu.memory_space<hbm>> -> memref<1x8x128xi32, #tpu.memory_space<hbm>>
      %dma_wait3A_71 = tpu.memref_squeeze %dma_wait3A_70 : memref<1x8x128xi32, #tpu.memory_space<hbm>> -> memref<8x128xi32, #tpu.memory_space<hbm>>
      %dma_wait3A_72 = arith.constant 0 : i32
      %dma_wait3A_73 = arith.constant 0 : i32
      %dma_wait3A_74 = tpu.memref_slice %arg3[%add3A, %dma_wait3A_72, %dma_wait3A_73] : memref<32x80x128xi32, #tpu.memory_space<hbm>> -> memref<1x8x128xi32, #tpu.memory_space<hbm>>
      %dma_wait3A_75 = tpu.memref_squeeze %dma_wait3A_74 : memref<1x8x128xi32, #tpu.memory_space<hbm>> -> memref<8x128xi32, #tpu.memory_space<hbm>>
      tpu.wait_dma2 semaphore(%arg17 : memref<!tpu.dma_semaphore, #tpu.memory_space<semaphore_mem>>) src(%dma_wait3A_75 : memref<8x128xi32, #tpu.memory_space<hbm>>) dst(%arg8 : memref<8x128xi32, #tpu.memory_space<vmem>>)
      %dma_wait3A_76 = arith.constant 0 : i32
      %dma_wait3A_77 = arith.constant 0 : i32
      %dma_wait3A_78 = tpu.memref_slice %arg3[%add3A, %dma_wait3A_76, %dma_wait3A_77] : memref<32x80x128xi32, #tpu.memory_space<hbm>> -> memref<1x8x128xi32, #tpu.memory_space<hbm>>
      %dma_wait3A_79 = tpu.memref_squeeze %dma_wait3A_78 : memref<1x8x128xi32, #tpu.memory_space<hbm>> -> memref<8x128xi32, #tpu.memory_space<hbm>>
      %dma_wait3A_80 = arith.constant 0 : i32
      %dma_wait3A_81 = arith.constant 0 : i32
      %dma_wait3A_82 = tpu.memref_slice %arg3[%add3A, %dma_wait3A_80, %dma_wait3A_81] : memref<32x80x128xi32, #tpu.memory_space<hbm>> -> memref<1x8x128xi32, #tpu.memory_space<hbm>>
      %dma_wait3A_83 = tpu.memref_squeeze %dma_wait3A_82 : memref<1x8x128xi32, #tpu.memory_space<hbm>> -> memref<8x128xi32, #tpu.memory_space<hbm>>
      tpu.wait_dma2 semaphore(%arg17 : memref<!tpu.dma_semaphore, #tpu.memory_space<semaphore_mem>>) src(%dma_wait3A_83 : memref<8x128xi32, #tpu.memory_space<hbm>>) dst(%arg8 : memref<8x128xi32, #tpu.memory_space<vmem>>)
      %dma_wait3A_84 = arith.constant 0 : i32
      %dma_wait3A_85 = arith.constant 0 : i32
      %dma_wait3A_86 = tpu.memref_slice %arg2[%dma_wait3A_84, %dma_wait3A_85] : memref<10000x128xf32, #tpu.memory_space<hbm>> -> memref<128x128xf32, #tpu.memory_space<hbm>>
      %dma_wait3A_87 = arith.constant 0 : i32
      %dma_wait3A_88 = arith.constant 0 : i32
      %dma_wait3A_89 = tpu.memref_slice %arg2[%dma_wait3A_87, %dma_wait3A_88] : memref<10000x128xf32, #tpu.memory_space<hbm>> -> memref<128x128xf32, #tpu.memory_space<hbm>>
      tpu.wait_dma2 semaphore(%arg14 : memref<!tpu.dma_semaphore, #tpu.memory_space<semaphore_mem>>) src(%dma_wait3A_89 : memref<128x128xf32, #tpu.memory_space<hbm>>) dst(%arg12 : memref<128x128xf32, #tpu.memory_space<vmem>>)
      %run_scoped3A = arith.constant 6 : i32
      "tpu.region"() ({
        %run_scoped3A_180 = tpu.sem_alloc : memref<!tpu.dma_semaphore, #tpu.memory_space<semaphore_mem>>
        %dma_start3A_181 = arith.constant 0 : i32
        %dma_start3A_182 = tpu.memref_slice %arg9[%run_scoped3A, %dma_start3A_181] : memref<8x128xi32, #tpu.memory_space<vmem>> -> memref<1x128xi32, #tpu.memory_space<vmem>>
        %dma_start3A_183 = tpu.memref_squeeze %dma_start3A_182 : memref<1x128xi32, #tpu.memory_space<vmem>> -> memref<128xi32, #tpu.memory_space<vmem>>
        %dma_start3A_184 = arith.constant 0 : i32
        %dma_start3A_185 = arith.constant 0 : i32
        %dma_start3A_186 = tpu.memref_slice %arg7[%dma_start3A_184, %dma_start3A_185] : memref<10112x128xf32, #tpu.memory_space<vmem_shared>> -> memref<10112x128xf32, #tpu.memory_space<vmem_shared>>
        tpu.enqueue_indirect_dma source(%arg12 : memref<128x128xf32, #tpu.memory_space<vmem>>) target(%dma_start3A_186 : memref<10112x128xf32, #tpu.memory_space<vmem_shared>>) offsets(%dma_start3A_183 : memref<128xi32, #tpu.memory_space<vmem>>) semaphore(%run_scoped3A_180 : memref<!tpu.dma_semaphore, #tpu.memory_space<semaphore_mem>>) {add = true}
        %dma_wait3A_187 = arith.constant 0 : i32
        %dma_wait3A_188 = tpu.memref_slice %arg9[%run_scoped3A, %dma_wait3A_187] : memref<8x128xi32, #tpu.memory_space<vmem>> -> memref<1x128xi32, #tpu.memory_space<vmem>>
        %dma_wait3A_189 = tpu.memref_squeeze %dma_wait3A_188 : memref<1x128xi32, #tpu.memory_space<vmem>> -> memref<128xi32, #tpu.memory_space<vmem>>
        %dma_wait3A_190 = arith.constant 0 : i32
        %dma_wait3A_191 = arith.constant 0 : i32
        %dma_wait3A_192 = tpu.memref_slice %arg7[%dma_wait3A_190, %dma_wait3A_191] : memref<10112x128xf32, #tpu.memory_space<vmem_shared>> -> memref<10112x128xf32, #tpu.memory_space<vmem_shared>>
        tpu.wait_indirect_dma semaphore(%run_scoped3A_180 : memref<!tpu.dma_semaphore, #tpu.memory_space<semaphore_mem>>) src(%arg12 : memref<128x128xf32, #tpu.memory_space<vmem>>) dst(%dma_wait3A_192 : memref<10112x128xf32, #tpu.memory_space<vmem_shared>>)
        tpu.yield
      }) : () -> ()
      %dma_start3A_90 = arith.constant 0 : i32
      %dma_start3A_91 = arith.constant 0 : i32
      %dma_start3A_92 = tpu.memref_slice %arg10[%dma_start3A_90, %dma_start3A_91] : memref<8x128xi32, #tpu.memory_space<vmem>> -> memref<1x128xi32, #tpu.memory_space<vmem>>
      %dma_start3A_93 = tpu.memref_squeeze %dma_start3A_92 : memref<1x128xi32, #tpu.memory_space<vmem>> -> memref<128xi32, #tpu.memory_space<vmem>>
      %dma_start3A_94 = arith.constant 0 : i32
      %dma_start3A_95 = arith.constant 0 : i32
      %dma_start3A_96 = tpu.memref_slice %arg2[%dma_start3A_94, %dma_start3A_95] : memref<10000x128xf32, #tpu.memory_space<hbm>> -> memref<10000x128xf32, #tpu.memory_space<hbm>>
      tpu.enqueue_indirect_dma source(%dma_start3A_96 : memref<10000x128xf32, #tpu.memory_space<hbm>>) target(%arg12 : memref<128x128xf32, #tpu.memory_space<vmem>>) offsets(%dma_start3A_93 : memref<128xi32, #tpu.memory_space<vmem>>) semaphore(%arg14 : memref<!tpu.dma_semaphore, #tpu.memory_space<semaphore_mem>>)
      %dma_wait3A_97 = arith.constant 0 : i32
      %dma_wait3A_98 = arith.constant 0 : i32
      %dma_wait3A_99 = tpu.memref_slice %arg2[%dma_wait3A_97, %dma_wait3A_98] : memref<10000x128xf32, #tpu.memory_space<hbm>> -> memref<128x128xf32, #tpu.memory_space<hbm>>
      %dma_wait3A_100 = arith.constant 0 : i32
      %dma_wait3A_101 = arith.constant 0 : i32
      %dma_wait3A_102 = tpu.memref_slice %arg2[%dma_wait3A_100, %dma_wait3A_101] : memref<10000x128xf32, #tpu.memory_space<hbm>> -> memref<128x128xf32, #tpu.memory_space<hbm>>
      tpu.wait_dma2 semaphore(%arg15 : memref<!tpu.dma_semaphore, #tpu.memory_space<semaphore_mem>>) src(%dma_wait3A_102 : memref<128x128xf32, #tpu.memory_space<hbm>>) dst(%arg12 : memref<128x128xf32, #tpu.memory_space<vmem>>)
      %run_scoped3A_103 = arith.constant 7 : i32
      "tpu.region"() ({
        %run_scoped3A_180 = tpu.sem_alloc : memref<!tpu.dma_semaphore, #tpu.memory_space<semaphore_mem>>
        %dma_start3A_181 = arith.constant 0 : i32
        %dma_start3A_182 = tpu.memref_slice %arg9[%run_scoped3A_103, %dma_start3A_181] : memref<8x128xi32, #tpu.memory_space<vmem>> -> memref<1x128xi32, #tpu.memory_space<vmem>>
        %dma_start3A_183 = tpu.memref_squeeze %dma_start3A_182 : memref<1x128xi32, #tpu.memory_space<vmem>> -> memref<128xi32, #tpu.memory_space<vmem>>
        %dma_start3A_184 = arith.constant 0 : i32
        %dma_start3A_185 = arith.constant 0 : i32
        %dma_start3A_186 = tpu.memref_slice %arg7[%dma_start3A_184, %dma_start3A_185] : memref<10112x128xf32, #tpu.memory_space<vmem_shared>> -> memref<10112x128xf32, #tpu.memory_space<vmem_shared>>
        tpu.enqueue_indirect_dma source(%arg13 : memref<128x128xf32, #tpu.memory_space<vmem>>) target(%dma_start3A_186 : memref<10112x128xf32, #tpu.memory_space<vmem_shared>>) offsets(%dma_start3A_183 : memref<128xi32, #tpu.memory_space<vmem>>) semaphore(%run_scoped3A_180 : memref<!tpu.dma_semaphore, #tpu.memory_space<semaphore_mem>>) {add = true}
        %dma_wait3A_187 = arith.constant 0 : i32
        %dma_wait3A_188 = tpu.memref_slice %arg9[%run_scoped3A_103, %dma_wait3A_187] : memref<8x128xi32, #tpu.memory_space<vmem>> -> memref<1x128xi32, #tpu.memory_space<vmem>>
        %dma_wait3A_189 = tpu.memref_squeeze %dma_wait3A_188 : memref<1x128xi32, #tpu.memory_space<vmem>> -> memref<128xi32, #tpu.memory_space<vmem>>
        %dma_wait3A_190 = arith.constant 0 : i32
        %dma_wait3A_191 = arith.constant 0 : i32
        %dma_wait3A_192 = tpu.memref_slice %arg7[%dma_wait3A_190, %dma_wait3A_191] : memref<10112x128xf32, #tpu.memory_space<vmem_shared>> -> memref<10112x128xf32, #tpu.memory_space<vmem_shared>>
        tpu.wait_indirect_dma semaphore(%run_scoped3A_180 : memref<!tpu.dma_semaphore, #tpu.memory_space<semaphore_mem>>) src(%arg13 : memref<128x128xf32, #tpu.memory_space<vmem>>) dst(%dma_wait3A_192 : memref<10112x128xf32, #tpu.memory_space<vmem_shared>>)
        tpu.yield
      }) : () -> ()
      %dma_start3A_104 = arith.constant 1 : i32
      %dma_start3A_105 = arith.constant 0 : i32
      %dma_start3A_106 = tpu.memref_slice %arg10[%dma_start3A_104, %dma_start3A_105] : memref<8x128xi32, #tpu.memory_space<vmem>> -> memref<1x128xi32, #tpu.memory_space<vmem>>
      %dma_start3A_107 = tpu.memref_squeeze %dma_start3A_106 : memref<1x128xi32, #tpu.memory_space<vmem>> -> memref<128xi32, #tpu.memory_space<vmem>>
      %dma_start3A_108 = arith.constant 0 : i32
      %dma_start3A_109 = arith.constant 0 : i32
      %dma_start3A_110 = tpu.memref_slice %arg2[%dma_start3A_108, %dma_start3A_109] : memref<10000x128xf32, #tpu.memory_space<hbm>> -> memref<10000x128xf32, #tpu.memory_space<hbm>>
      tpu.enqueue_indirect_dma source(%dma_start3A_110 : memref<10000x128xf32, #tpu.memory_space<hbm>>) target(%arg13 : memref<128x128xf32, #tpu.memory_space<vmem>>) offsets(%dma_start3A_107 : memref<128xi32, #tpu.memory_space<vmem>>) semaphore(%arg15 : memref<!tpu.dma_semaphore, #tpu.memory_space<semaphore_mem>>)
      %add3A_111 = arith.constant 2 : i32
      %add3A_112 = arith.addi %mul3A_43, %add3A_111 : i32
      %rem3A = arith.constant 10 : i32
      %rem3A_113 = arith.remsi %add3A_112, %rem3A : i32
      %mul3A_114 = arith.constant 8 : i32
      %mul3A_115 = arith.muli %rem3A_113, %mul3A_114 : i32
      %dma_start3A_116 = arith.constant 0 : i32
      %dma_start3A_117 = tpu.memref_slice %arg3[%add3A, %mul3A_115, %dma_start3A_116] : memref<32x80x128xi32, #tpu.memory_space<hbm>> -> memref<1x8x128xi32, #tpu.memory_space<hbm>>
      %dma_start3A_118 = tpu.memref_squeeze %dma_start3A_117 : memref<1x8x128xi32, #tpu.memory_space<hbm>> -> memref<8x128xi32, #tpu.memory_space<hbm>>
      %dma_start3A_119 = arith.constant 0 : i32
      %dma_start3A_120 = tpu.memref_slice %arg3[%add3A, %mul3A_115, %dma_start3A_119] : memref<32x80x128xi32, #tpu.memory_space<hbm>> -> memref<1x8x128xi32, #tpu.memory_space<hbm>>
      %dma_start3A_121 = tpu.memref_squeeze %dma_start3A_120 : memref<1x8x128xi32, #tpu.memory_space<hbm>> -> memref<8x128xi32, #tpu.memory_space<hbm>>
      tpu.enqueue_dma source(%dma_start3A_121 : memref<8x128xi32, #tpu.memory_space<hbm>>) target(%arg8 : memref<8x128xi32, #tpu.memory_space<vmem>>) target_semaphore(%arg16 : memref<!tpu.dma_semaphore, #tpu.memory_space<semaphore_mem>>)
      %mul3A_122 = arith.constant 8 : i32
      %mul3A_123 = arith.muli %rem3A_113, %mul3A_122 : i32
      %dma_start3A_124 = arith.constant 0 : i32
      %dma_start3A_125 = tpu.memref_slice %arg4[%add3A, %mul3A_123, %dma_start3A_124] : memref<32x80x128xi32, #tpu.memory_space<hbm>> -> memref<1x8x128xi32, #tpu.memory_space<hbm>>
      %dma_start3A_126 = tpu.memref_squeeze %dma_start3A_125 : memref<1x8x128xi32, #tpu.memory_space<hbm>> -> memref<8x128xi32, #tpu.memory_space<hbm>>
      %dma_start3A_127 = arith.constant 0 : i32
      %dma_start3A_128 = tpu.memref_slice %arg4[%add3A, %mul3A_123, %dma_start3A_127] : memref<32x80x128xi32, #tpu.memory_space<hbm>> -> memref<1x8x128xi32, #tpu.memory_space<hbm>>
      %dma_start3A_129 = tpu.memref_squeeze %dma_start3A_128 : memref<1x8x128xi32, #tpu.memory_space<hbm>> -> memref<8x128xi32, #tpu.memory_space<hbm>>
      tpu.enqueue_dma source(%dma_start3A_129 : memref<8x128xi32, #tpu.memory_space<hbm>>) target(%arg9 : memref<8x128xi32, #tpu.memory_space<vmem>>) target_semaphore(%arg16 : memref<!tpu.dma_semaphore, #tpu.memory_space<semaphore_mem>>)
      %scan3A_130 = arith.constant 0 : i32
      %scan3A_131 = arith.constant 0 : i32
      %scan3A_132 = arith.constant 3 : i32
      %scan3A_133 = arith.addi %scan3A_131, %scan3A_132 : i32
      %scan3A_134 = arith.constant 1 : i32
      scf.for %scan3A_180 = %scan3A_131 to %scan3A_133 step %scan3A_134  : i32 {
        %mul3A_181 = arith.constant 2 : i32
        %mul3A_182 = arith.muli %scan3A_180, %mul3A_181 : i32
        %dma_wait3A_183 = arith.constant 0 : i32
        %dma_wait3A_184 = arith.constant 0 : i32
        %dma_wait3A_185 = tpu.memref_slice %arg2[%dma_wait3A_183, %dma_wait3A_184] : memref<10000x128xf32, #tpu.memory_space<hbm>> -> memref<128x128xf32, #tpu.memory_space<hbm>>
        %dma_wait3A_186 = arith.constant 0 : i32
        %dma_wait3A_187 = arith.constant 0 : i32
        %dma_wait3A_188 = tpu.memref_slice %arg2[%dma_wait3A_186, %dma_wait3A_187] : memref<10000x128xf32, #tpu.memory_space<hbm>> -> memref<128x128xf32, #tpu.memory_space<hbm>>
        tpu.wait_dma2 semaphore(%arg14 : memref<!tpu.dma_semaphore, #tpu.memory_space<semaphore_mem>>) src(%dma_wait3A_188 : memref<128x128xf32, #tpu.memory_space<hbm>>) dst(%arg12 : memref<128x128xf32, #tpu.memory_space<vmem>>)
        "tpu.region"() ({
          %run_scoped3A_213 = tpu.sem_alloc : memref<!tpu.dma_semaphore, #tpu.memory_space<semaphore_mem>>
          %dma_start3A_214 = arith.constant 0 : i32
          %dma_start3A_215 = tpu.memref_slice %arg11[%mul3A_182, %dma_start3A_214] : memref<8x128xi32, #tpu.memory_space<vmem>> -> memref<1x128xi32, #tpu.memory_space<vmem>>
          %dma_start3A_216 = tpu.memref_squeeze %dma_start3A_215 : memref<1x128xi32, #tpu.memory_space<vmem>> -> memref<128xi32, #tpu.memory_space<vmem>>
          %dma_start3A_217 = arith.constant 0 : i32
          %dma_start3A_218 = arith.constant 0 : i32
          %dma_start3A_219 = tpu.memref_slice %arg7[%dma_start3A_217, %dma_start3A_218] : memref<10112x128xf32, #tpu.memory_space<vmem_shared>> -> memref<10112x128xf32, #tpu.memory_space<vmem_shared>>
          tpu.enqueue_indirect_dma source(%arg12 : memref<128x128xf32, #tpu.memory_space<vmem>>) target(%dma_start3A_219 : memref<10112x128xf32, #tpu.memory_space<vmem_shared>>) offsets(%dma_start3A_216 : memref<128xi32, #tpu.memory_space<vmem>>) semaphore(%run_scoped3A_213 : memref<!tpu.dma_semaphore, #tpu.memory_space<semaphore_mem>>) {add = true}
          %dma_wait3A_220 = arith.constant 0 : i32
          %dma_wait3A_221 = tpu.memref_slice %arg11[%mul3A_182, %dma_wait3A_220] : memref<8x128xi32, #tpu.memory_space<vmem>> -> memref<1x128xi32, #tpu.memory_space<vmem>>
          %dma_wait3A_222 = tpu.memref_squeeze %dma_wait3A_221 : memref<1x128xi32, #tpu.memory_space<vmem>> -> memref<128xi32, #tpu.memory_space<vmem>>
          %dma_wait3A_223 = arith.constant 0 : i32
          %dma_wait3A_224 = arith.constant 0 : i32
          %dma_wait3A_225 = tpu.memref_slice %arg7[%dma_wait3A_223, %dma_wait3A_224] : memref<10112x128xf32, #tpu.memory_space<vmem_shared>> -> memref<10112x128xf32, #tpu.memory_space<vmem_shared>>
          tpu.wait_indirect_dma semaphore(%run_scoped3A_213 : memref<!tpu.dma_semaphore, #tpu.memory_space<semaphore_mem>>) src(%arg12 : memref<128x128xf32, #tpu.memory_space<vmem>>) dst(%dma_wait3A_225 : memref<10112x128xf32, #tpu.memory_space<vmem_shared>>)
          tpu.yield
        }) : () -> ()
        %add3A_189 = arith.constant 2 : i32
        %add3A_190 = arith.addi %mul3A_182, %add3A_189 : i32
        %dma_start3A_191 = arith.constant 0 : i32
        %dma_start3A_192 = tpu.memref_slice %arg10[%add3A_190, %dma_start3A_191] : memref<8x128xi32, #tpu.memory_space<vmem>> -> memref<1x128xi32, #tpu.memory_space<vmem>>
        %dma_start3A_193 = tpu.memref_squeeze %dma_start3A_192 : memref<1x128xi32, #tpu.memory_space<vmem>> -> memref<128xi32, #tpu.memory_space<vmem>>
        %dma_start3A_194 = arith.constant 0 : i32
        %dma_start3A_195 = arith.constant 0 : i32
        %dma_start3A_196 = tpu.memref_slice %arg2[%dma_start3A_194, %dma_start3A_195] : memref<10000x128xf32, #tpu.memory_space<hbm>> -> memref<10000x128xf32, #tpu.memory_space<hbm>>
        tpu.enqueue_indirect_dma source(%dma_start3A_196 : memref<10000x128xf32, #tpu.memory_space<hbm>>) target(%arg12 : memref<128x128xf32, #tpu.memory_space<vmem>>) offsets(%dma_start3A_193 : memref<128xi32, #tpu.memory_space<vmem>>) semaphore(%arg14 : memref<!tpu.dma_semaphore, #tpu.memory_space<semaphore_mem>>)
        %dma_wait3A_197 = arith.constant 0 : i32
        %dma_wait3A_198 = arith.constant 0 : i32
        %dma_wait3A_199 = tpu.memref_slice %arg2[%dma_wait3A_197, %dma_wait3A_198] : memref<10000x128xf32, #tpu.memory_space<hbm>> -> memref<128x128xf32, #tpu.memory_space<hbm>>
        %dma_wait3A_200 = arith.constant 0 : i32
        %dma_wait3A_201 = arith.constant 0 : i32
        %dma_wait3A_202 = tpu.memref_slice %arg2[%dma_wait3A_200, %dma_wait3A_201] : memref<10000x128xf32, #tpu.memory_space<hbm>> -> memref<128x128xf32, #tpu.memory_space<hbm>>
        tpu.wait_dma2 semaphore(%arg15 : memref<!tpu.dma_semaphore, #tpu.memory_space<semaphore_mem>>) src(%dma_wait3A_202 : memref<128x128xf32, #tpu.memory_space<hbm>>) dst(%arg12 : memref<128x128xf32, #tpu.memory_space<vmem>>)
        %add3A_203 = arith.constant 1 : i32
        %add3A_204 = arith.addi %mul3A_182, %add3A_203 : i32
        "tpu.region"() ({
          %run_scoped3A_213 = tpu.sem_alloc : memref<!tpu.dma_semaphore, #tpu.memory_space<semaphore_mem>>
          %dma_start3A_214 = arith.constant 0 : i32
          %dma_start3A_215 = tpu.memref_slice %arg11[%add3A_204, %dma_start3A_214] : memref<8x128xi32, #tpu.memory_space<vmem>> -> memref<1x128xi32, #tpu.memory_space<vmem>>
          %dma_start3A_216 = tpu.memref_squeeze %dma_start3A_215 : memref<1x128xi32, #tpu.memory_space<vmem>> -> memref<128xi32, #tpu.memory_space<vmem>>
          %dma_start3A_217 = arith.constant 0 : i32
          %dma_start3A_218 = arith.constant 0 : i32
          %dma_start3A_219 = tpu.memref_slice %arg7[%dma_start3A_217, %dma_start3A_218] : memref<10112x128xf32, #tpu.memory_space<vmem_shared>> -> memref<10112x128xf32, #tpu.memory_space<vmem_shared>>
          tpu.enqueue_indirect_dma source(%arg13 : memref<128x128xf32, #tpu.memory_space<vmem>>) target(%dma_start3A_219 : memref<10112x128xf32, #tpu.memory_space<vmem_shared>>) offsets(%dma_start3A_216 : memref<128xi32, #tpu.memory_space<vmem>>) semaphore(%run_scoped3A_213 : memref<!tpu.dma_semaphore, #tpu.memory_space<semaphore_mem>>) {add = true}
          %dma_wait3A_220 = arith.constant 0 : i32
          %dma_wait3A_221 = tpu.memref_slice %arg11[%add3A_204, %dma_wait3A_220] : memref<8x128xi32, #tpu.memory_space<vmem>> -> memref<1x128xi32, #tpu.memory_space<vmem>>
          %dma_wait3A_222 = tpu.memref_squeeze %dma_wait3A_221 : memref<1x128xi32, #tpu.memory_space<vmem>> -> memref<128xi32, #tpu.memory_space<vmem>>
          %dma_wait3A_223 = arith.constant 0 : i32
          %dma_wait3A_224 = arith.constant 0 : i32
          %dma_wait3A_225 = tpu.memref_slice %arg7[%dma_wait3A_223, %dma_wait3A_224] : memref<10112x128xf32, #tpu.memory_space<vmem_shared>> -> memref<10112x128xf32, #tpu.memory_space<vmem_shared>>
          tpu.wait_indirect_dma semaphore(%run_scoped3A_213 : memref<!tpu.dma_semaphore, #tpu.memory_space<semaphore_mem>>) src(%arg13 : memref<128x128xf32, #tpu.memory_space<vmem>>) dst(%dma_wait3A_225 : memref<10112x128xf32, #tpu.memory_space<vmem_shared>>)
          tpu.yield
        }) : () -> ()
        %add3A_205 = arith.constant 3 : i32
        %add3A_206 = arith.addi %mul3A_182, %add3A_205 : i32
        %dma_start3A_207 = arith.constant 0 : i32
        %dma_start3A_208 = tpu.memref_slice %arg10[%add3A_206, %dma_start3A_207] : memref<8x128xi32, #tpu.memory_space<vmem>> -> memref<1x128xi32, #tpu.memory_space<vmem>>
        %dma_start3A_209 = tpu.memref_squeeze %dma_start3A_208 : memref<1x128xi32, #tpu.memory_space<vmem>> -> memref<128xi32, #tpu.memory_space<vmem>>
        %dma_start3A_210 = arith.constant 0 : i32
        %dma_start3A_211 = arith.constant 0 : i32
        %dma_start3A_212 = tpu.memref_slice %arg2[%dma_start3A_210, %dma_start3A_211] : memref<10000x128xf32, #tpu.memory_space<hbm>> -> memref<10000x128xf32, #tpu.memory_space<hbm>>
        tpu.enqueue_indirect_dma source(%dma_start3A_212 : memref<10000x128xf32, #tpu.memory_space<hbm>>) target(%arg13 : memref<128x128xf32, #tpu.memory_space<vmem>>) offsets(%dma_start3A_209 : memref<128xi32, #tpu.memory_space<vmem>>) semaphore(%arg15 : memref<!tpu.dma_semaphore, #tpu.memory_space<semaphore_mem>>)
      }
      %scan3A_135 = arith.constant 3 : i32
      %dma_wait3A_136 = arith.constant 0 : i32
      %dma_wait3A_137 = arith.constant 0 : i32
      %dma_wait3A_138 = tpu.memref_slice %arg3[%add3A, %dma_wait3A_136, %dma_wait3A_137] : memref<32x80x128xi32, #tpu.memory_space<hbm>> -> memref<1x8x128xi32, #tpu.memory_space<hbm>>
      %dma_wait3A_139 = tpu.memref_squeeze %dma_wait3A_138 : memref<1x8x128xi32, #tpu.memory_space<hbm>> -> memref<8x128xi32, #tpu.memory_space<hbm>>
      %dma_wait3A_140 = arith.constant 0 : i32
      %dma_wait3A_141 = arith.constant 0 : i32
      %dma_wait3A_142 = tpu.memref_slice %arg3[%add3A, %dma_wait3A_140, %dma_wait3A_141] : memref<32x80x128xi32, #tpu.memory_space<hbm>> -> memref<1x8x128xi32, #tpu.memory_space<hbm>>
      %dma_wait3A_143 = tpu.memref_squeeze %dma_wait3A_142 : memref<1x8x128xi32, #tpu.memory_space<hbm>> -> memref<8x128xi32, #tpu.memory_space<hbm>>
      tpu.wait_dma2 semaphore(%arg16 : memref<!tpu.dma_semaphore, #tpu.memory_space<semaphore_mem>>) src(%dma_wait3A_143 : memref<8x128xi32, #tpu.memory_space<hbm>>) dst(%arg8 : memref<8x128xi32, #tpu.memory_space<vmem>>)
      %dma_wait3A_144 = arith.constant 0 : i32
      %dma_wait3A_145 = arith.constant 0 : i32
      %dma_wait3A_146 = tpu.memref_slice %arg3[%add3A, %dma_wait3A_144, %dma_wait3A_145] : memref<32x80x128xi32, #tpu.memory_space<hbm>> -> memref<1x8x128xi32, #tpu.memory_space<hbm>>
      %dma_wait3A_147 = tpu.memref_squeeze %dma_wait3A_146 : memref<1x8x128xi32, #tpu.memory_space<hbm>> -> memref<8x128xi32, #tpu.memory_space<hbm>>
      %dma_wait3A_148 = arith.constant 0 : i32
      %dma_wait3A_149 = arith.constant 0 : i32
      %dma_wait3A_150 = tpu.memref_slice %arg3[%add3A, %dma_wait3A_148, %dma_wait3A_149] : memref<32x80x128xi32, #tpu.memory_space<hbm>> -> memref<1x8x128xi32, #tpu.memory_space<hbm>>
      %dma_wait3A_151 = tpu.memref_squeeze %dma_wait3A_150 : memref<1x8x128xi32, #tpu.memory_space<hbm>> -> memref<8x128xi32, #tpu.memory_space<hbm>>
      tpu.wait_dma2 semaphore(%arg16 : memref<!tpu.dma_semaphore, #tpu.memory_space<semaphore_mem>>) src(%dma_wait3A_151 : memref<8x128xi32, #tpu.memory_space<hbm>>) dst(%arg8 : memref<8x128xi32, #tpu.memory_space<vmem>>)
      %dma_wait3A_152 = arith.constant 0 : i32
      %dma_wait3A_153 = arith.constant 0 : i32
      %dma_wait3A_154 = tpu.memref_slice %arg2[%dma_wait3A_152, %dma_wait3A_153] : memref<10000x128xf32, #tpu.memory_space<hbm>> -> memref<128x128xf32, #tpu.memory_space<hbm>>
      %dma_wait3A_155 = arith.constant 0 : i32
      %dma_wait3A_156 = arith.constant 0 : i32
      %dma_wait3A_157 = tpu.memref_slice %arg2[%dma_wait3A_155, %dma_wait3A_156] : memref<10000x128xf32, #tpu.memory_space<hbm>> -> memref<128x128xf32, #tpu.memory_space<hbm>>
      tpu.wait_dma2 semaphore(%arg14 : memref<!tpu.dma_semaphore, #tpu.memory_space<semaphore_mem>>) src(%dma_wait3A_157 : memref<128x128xf32, #tpu.memory_space<hbm>>) dst(%arg12 : memref<128x128xf32, #tpu.memory_space<vmem>>)
      %run_scoped3A_158 = arith.constant 6 : i32
      "tpu.region"() ({
        %run_scoped3A_180 = tpu.sem_alloc : memref<!tpu.dma_semaphore, #tpu.memory_space<semaphore_mem>>
        %dma_start3A_181 = arith.constant 0 : i32
        %dma_start3A_182 = tpu.memref_slice %arg11[%run_scoped3A_158, %dma_start3A_181] : memref<8x128xi32, #tpu.memory_space<vmem>> -> memref<1x128xi32, #tpu.memory_space<vmem>>
        %dma_start3A_183 = tpu.memref_squeeze %dma_start3A_182 : memref<1x128xi32, #tpu.memory_space<vmem>> -> memref<128xi32, #tpu.memory_space<vmem>>
        %dma_start3A_184 = arith.constant 0 : i32
        %dma_start3A_185 = arith.constant 0 : i32
        %dma_start3A_186 = tpu.memref_slice %arg7[%dma_start3A_184, %dma_start3A_185] : memref<10112x128xf32, #tpu.memory_space<vmem_shared>> -> memref<10112x128xf32, #tpu.memory_space<vmem_shared>>
        tpu.enqueue_indirect_dma source(%arg12 : memref<128x128xf32, #tpu.memory_space<vmem>>) target(%dma_start3A_186 : memref<10112x128xf32, #tpu.memory_space<vmem_shared>>) offsets(%dma_start3A_183 : memref<128xi32, #tpu.memory_space<vmem>>) semaphore(%run_scoped3A_180 : memref<!tpu.dma_semaphore, #tpu.memory_space<semaphore_mem>>) {add = true}
        %dma_wait3A_187 = arith.constant 0 : i32
        %dma_wait3A_188 = tpu.memref_slice %arg11[%run_scoped3A_158, %dma_wait3A_187] : memref<8x128xi32, #tpu.memory_space<vmem>> -> memref<1x128xi32, #tpu.memory_space<vmem>>
        %dma_wait3A_189 = tpu.memref_squeeze %dma_wait3A_188 : memref<1x128xi32, #tpu.memory_space<vmem>> -> memref<128xi32, #tpu.memory_space<vmem>>
        %dma_wait3A_190 = arith.constant 0 : i32
        %dma_wait3A_191 = arith.constant 0 : i32
        %dma_wait3A_192 = tpu.memref_slice %arg7[%dma_wait3A_190, %dma_wait3A_191] : memref<10112x128xf32, #tpu.memory_space<vmem_shared>> -> memref<10112x128xf32, #tpu.memory_space<vmem_shared>>
        tpu.wait_indirect_dma semaphore(%run_scoped3A_180 : memref<!tpu.dma_semaphore, #tpu.memory_space<semaphore_mem>>) src(%arg12 : memref<128x128xf32, #tpu.memory_space<vmem>>) dst(%dma_wait3A_192 : memref<10112x128xf32, #tpu.memory_space<vmem_shared>>)
        tpu.yield
      }) : () -> ()
      %dma_start3A_159 = arith.constant 0 : i32
      %dma_start3A_160 = arith.constant 0 : i32
      %dma_start3A_161 = tpu.memref_slice %arg8[%dma_start3A_159, %dma_start3A_160] : memref<8x128xi32, #tpu.memory_space<vmem>> -> memref<1x128xi32, #tpu.memory_space<vmem>>
      %dma_start3A_162 = tpu.memref_squeeze %dma_start3A_161 : memref<1x128xi32, #tpu.memory_space<vmem>> -> memref<128xi32, #tpu.memory_space<vmem>>
      %dma_start3A_163 = arith.constant 0 : i32
      %dma_start3A_164 = arith.constant 0 : i32
      %dma_start3A_165 = tpu.memref_slice %arg2[%dma_start3A_163, %dma_start3A_164] : memref<10000x128xf32, #tpu.memory_space<hbm>> -> memref<10000x128xf32, #tpu.memory_space<hbm>>
      tpu.enqueue_indirect_dma source(%dma_start3A_165 : memref<10000x128xf32, #tpu.memory_space<hbm>>) target(%arg12 : memref<128x128xf32, #tpu.memory_space<vmem>>) offsets(%dma_start3A_162 : memref<128xi32, #tpu.memory_space<vmem>>) semaphore(%arg14 : memref<!tpu.dma_semaphore, #tpu.memory_space<semaphore_mem>>)
      %dma_wait3A_166 = arith.constant 0 : i32
      %dma_wait3A_167 = arith.constant 0 : i32
      %dma_wait3A_168 = tpu.memref_slice %arg2[%dma_wait3A_166, %dma_wait3A_167] : memref<10000x128xf32, #tpu.memory_space<hbm>> -> memref<128x128xf32, #tpu.memory_space<hbm>>
      %dma_wait3A_169 = arith.constant 0 : i32
      %dma_wait3A_170 = arith.constant 0 : i32
      %dma_wait3A_171 = tpu.memref_slice %arg2[%dma_wait3A_169, %dma_wait3A_170] : memref<10000x128xf32, #tpu.memory_space<hbm>> -> memref<128x128xf32, #tpu.memory_space<hbm>>
      tpu.wait_dma2 semaphore(%arg15 : memref<!tpu.dma_semaphore, #tpu.memory_space<semaphore_mem>>) src(%dma_wait3A_171 : memref<128x128xf32, #tpu.memory_space<hbm>>) dst(%arg12 : memref<128x128xf32, #tpu.memory_space<vmem>>)
      %run_scoped3A_172 = arith.constant 7 : i32
      "tpu.region"() ({
        %run_scoped3A_180 = tpu.sem_alloc : memref<!tpu.dma_semaphore, #tpu.memory_space<semaphore_mem>>
        %dma_start3A_181 = arith.constant 0 : i32
        %dma_start3A_182 = tpu.memref_slice %arg11[%run_scoped3A_172, %dma_start3A_181] : memref<8x128xi32, #tpu.memory_space<vmem>> -> memref<1x128xi32, #tpu.memory_space<vmem>>
        %dma_start3A_183 = tpu.memref_squeeze %dma_start3A_182 : memref<1x128xi32, #tpu.memory_space<vmem>> -> memref<128xi32, #tpu.memory_space<vmem>>
        %dma_start3A_184 = arith.constant 0 : i32
        %dma_start3A_185 = arith.constant 0 : i32
        %dma_start3A_186 = tpu.memref_slice %arg7[%dma_start3A_184, %dma_start3A_185] : memref<10112x128xf32, #tpu.memory_space<vmem_shared>> -> memref<10112x128xf32, #tpu.memory_space<vmem_shared>>
        tpu.enqueue_indirect_dma source(%arg13 : memref<128x128xf32, #tpu.memory_space<vmem>>) target(%dma_start3A_186 : memref<10112x128xf32, #tpu.memory_space<vmem_shared>>) offsets(%dma_start3A_183 : memref<128xi32, #tpu.memory_space<vmem>>) semaphore(%run_scoped3A_180 : memref<!tpu.dma_semaphore, #tpu.memory_space<semaphore_mem>>) {add = true}
        %dma_wait3A_187 = arith.constant 0 : i32
        %dma_wait3A_188 = tpu.memref_slice %arg11[%run_scoped3A_172, %dma_wait3A_187] : memref<8x128xi32, #tpu.memory_space<vmem>> -> memref<1x128xi32, #tpu.memory_space<vmem>>
        %dma_wait3A_189 = tpu.memref_squeeze %dma_wait3A_188 : memref<1x128xi32, #tpu.memory_space<vmem>> -> memref<128xi32, #tpu.memory_space<vmem>>
        %dma_wait3A_190 = arith.constant 0 : i32
        %dma_wait3A_191 = arith.constant 0 : i32
        %dma_wait3A_192 = tpu.memref_slice %arg7[%dma_wait3A_190, %dma_wait3A_191] : memref<10112x128xf32, #tpu.memory_space<vmem_shared>> -> memref<10112x128xf32, #tpu.memory_space<vmem_shared>>
        tpu.wait_indirect_dma semaphore(%run_scoped3A_180 : memref<!tpu.dma_semaphore, #tpu.memory_space<semaphore_mem>>) src(%arg13 : memref<128x128xf32, #tpu.memory_space<vmem>>) dst(%dma_wait3A_192 : memref<10112x128xf32, #tpu.memory_space<vmem_shared>>)
        tpu.yield
      }) : () -> ()
      %dma_start3A_173 = arith.constant 1 : i32
      %dma_start3A_174 = arith.constant 0 : i32
      %dma_start3A_175 = tpu.memref_slice %arg8[%dma_start3A_173, %dma_start3A_174] : memref<8x128xi32, #tpu.memory_space<vmem>> -> memref<1x128xi32, #tpu.memory_space<vmem>>
      %dma_start3A_176 = tpu.memref_squeeze %dma_start3A_175 : memref<1x128xi32, #tpu.memory_space<vmem>> -> memref<128xi32, #tpu.memory_space<vmem>>
      %dma_start3A_177 = arith.constant 0 : i32
      %dma_start3A_178 = arith.constant 0 : i32
      %dma_start3A_179 = tpu.memref_slice %arg2[%dma_start3A_177, %dma_start3A_178] : memref<10000x128xf32, #tpu.memory_space<hbm>> -> memref<10000x128xf32, #tpu.memory_space<hbm>>
      tpu.enqueue_indirect_dma source(%dma_start3A_179 : memref<10000x128xf32, #tpu.memory_space<hbm>>) target(%arg13 : memref<128x128xf32, #tpu.memory_space<vmem>>) offsets(%dma_start3A_176 : memref<128xi32, #tpu.memory_space<vmem>>) semaphore(%arg15 : memref<!tpu.dma_semaphore, #tpu.memory_space<semaphore_mem>>)
    }
    %scan3A_27 = arith.constant 5 : i32
    %dma_wait3A_28 = arith.constant 0 : i32
    %dma_wait3A_29 = arith.constant 0 : i32
    %dma_wait3A_30 = tpu.memref_slice %arg2[%dma_wait3A_28, %dma_wait3A_29] : memref<10000x128xf32, #tpu.memory_space<hbm>> -> memref<128x128xf32, #tpu.memory_space<hbm>>
    %dma_wait3A_31 = arith.constant 0 : i32
    %dma_wait3A_32 = arith.constant 0 : i32
    %dma_wait3A_33 = tpu.memref_slice %arg2[%dma_wait3A_31, %dma_wait3A_32] : memref<10000x128xf32, #tpu.memory_space<hbm>> -> memref<128x128xf32, #tpu.memory_space<hbm>>
    tpu.wait_dma2 semaphore(%arg14 : memref<!tpu.dma_semaphore, #tpu.memory_space<semaphore_mem>>) src(%dma_wait3A_33 : memref<128x128xf32, #tpu.memory_space<hbm>>) dst(%arg12 : memref<128x128xf32, #tpu.memory_space<vmem>>)
    %dma_wait3A_34 = arith.constant 0 : i32
    %dma_wait3A_35 = arith.constant 0 : i32
    %dma_wait3A_36 = tpu.memref_slice %arg2[%dma_wait3A_34, %dma_wait3A_35] : memref<10000x128xf32, #tpu.memory_space<hbm>> -> memref<128x128xf32, #tpu.memory_space<hbm>>
    %dma_wait3A_37 = arith.constant 0 : i32
    %dma_wait3A_38 = arith.constant 0 : i32
    %dma_wait3A_39 = tpu.memref_slice %arg2[%dma_wait3A_37, %dma_wait3A_38] : memref<10000x128xf32, #tpu.memory_space<hbm>> -> memref<128x128xf32, #tpu.memory_space<hbm>>
    tpu.wait_dma2 semaphore(%arg15 : memref<!tpu.dma_semaphore, #tpu.memory_space<semaphore_mem>>) src(%dma_wait3A_39 : memref<128x128xf32, #tpu.memory_space<hbm>>) dst(%arg12 : memref<128x128xf32, #tpu.memory_space<vmem>>)
    %barrier3A_40 = arith.constant 0 : index
    tpu.barrier barrier_id(%barrier3A_40)
    "tpu.region"() ({
      %run_scoped3A = tpu.sem_alloc : memref<!tpu.dma_semaphore, #tpu.memory_space<semaphore_mem>>
      %dma_start3A_41 = arith.constant 0 : i32
      %dma_start3A_42 = tpu.memref_slice %arg6[%arg0, %mul3A_2, %dma_start3A_41] : memref<2x10112x128xf32, #tpu.memory_space<hbm>> -> memref<1x632x128xf32, #tpu.memory_space<hbm>>
      %dma_start3A_43 = tpu.memref_squeeze %dma_start3A_42 : memref<1x632x128xf32, #tpu.memory_space<hbm>> -> memref<632x128xf32, #tpu.memory_space<hbm>>
      %dma_start3A_44 = arith.constant 0 : i32
      %dma_start3A_45 = tpu.memref_slice %arg7[%mul3A_2, %dma_start3A_44] : memref<10112x128xf32, #tpu.memory_space<vmem_shared>> -> memref<632x128xf32, #tpu.memory_space<vmem_shared>>
      tpu.enqueue_dma source(%dma_start3A_45 : memref<632x128xf32, #tpu.memory_space<vmem_shared>>) target(%dma_start3A_43 : memref<632x128xf32, #tpu.memory_space<hbm>>) target_semaphore(%run_scoped3A : memref<!tpu.dma_semaphore, #tpu.memory_space<semaphore_mem>>)
      %dma_wait3A_46 = arith.constant 0 : i32
      %dma_wait3A_47 = tpu.memref_slice %arg6[%arg0, %mul3A_2, %dma_wait3A_46] : memref<2x10112x128xf32, #tpu.memory_space<hbm>> -> memref<1x632x128xf32, #tpu.memory_space<hbm>>
      %dma_wait3A_48 = tpu.memref_squeeze %dma_wait3A_47 : memref<1x632x128xf32, #tpu.memory_space<hbm>> -> memref<632x128xf32, #tpu.memory_space<hbm>>
      %dma_wait3A_49 = arith.constant 0 : i32
      %dma_wait3A_50 = tpu.memref_slice %arg7[%mul3A_2, %dma_wait3A_49] : memref<10112x128xf32, #tpu.memory_space<vmem_shared>> -> memref<632x128xf32, #tpu.memory_space<vmem_shared>>
      tpu.wait_dma2 semaphore(%run_scoped3A : memref<!tpu.dma_semaphore, #tpu.memory_space<semaphore_mem>>) src(%dma_wait3A_50 : memref<632x128xf32, #tpu.memory_space<vmem_shared>>) dst(%dma_wait3A_48 : memref<632x128xf32, #tpu.memory_space<hbm>>)
      tpu.yield
    }) : () -> ()
    return
  }
}

#map = affine_map<(d0, d1) -> (0, 0)>
#map1 = affine_map<(d0, d1) -> (0, 0, 0)>
module attributes {stable_mosaic.version = 14 : i64} {
  func.func @agg_kernel(%arg0: i32, %arg1: i32, %arg2: memref<10000x128xf32, #tpu.memory_space<hbm>>, %arg3: memref<32x80x128xi32, #tpu.memory_space<hbm>>, %arg4: memref<32x80x128xi32, #tpu.memory_space<hbm>>, %arg5: memref<10112x128xf32, #tpu.memory_space<hbm>>, %arg6: memref<2x10112x128xf32, #tpu.memory_space<hbm>>, %arg7: memref<10112x128xf32, #tpu.memory_space<vmem_shared>>, %arg8: memref<8x128xi32, #tpu.memory_space<vmem>>, %arg9: memref<8x128xi32, #tpu.memory_space<vmem>>, %arg10: memref<8x128xi32, #tpu.memory_space<vmem>>, %arg11: memref<8x128xi32, #tpu.memory_space<vmem>>, %arg12: memref<128x128xf32, #tpu.memory_space<vmem>>, %arg13: memref<128x128xf32, #tpu.memory_space<vmem>>, %arg14: memref<!tpu.dma_semaphore, #tpu.memory_space<semaphore_mem>>, %arg15: memref<!tpu.dma_semaphore, #tpu.memory_space<semaphore_mem>>, %arg16: memref<!tpu.dma_semaphore, #tpu.memory_space<semaphore_mem>>, %arg17: memref<!tpu.dma_semaphore, #tpu.memory_space<semaphore_mem>>, %arg18: memref<!tpu.dma_semaphore, #tpu.memory_space<semaphore_mem>>) attributes {dimension_semantics = [#tpu.dimension_semantics<core_parallel>, #tpu.dimension_semantics<subcore_parallel>], iteration_bounds = array<i64: 2, 16>, scalar_prefetch = 0 : i64, scratch_operands = 12 : i64, tpu.core_type = #tpu.core_type<sc_vector_subcore>, window_params = [{transform_indices = #map}, {transform_indices = #map1}, {transform_indices = #map1}, {transform_indices = #map}, {transform_indices = #map1}]} {
    %mul3A = arith.constant 16 : i32
    %mul3A_0 = arith.muli %arg0, %mul3A : i32
    %add3A = arith.addi %mul3A_0, %arg1 : i32
    %mul3A_1 = arith.constant 632 : i32
    %mul3A_2 = arith.muli %arg1, %mul3A_1 : i32
    %dma_start3A = arith.constant 0 : i32
    %dma_start3A_3 = tpu.memref_slice %arg7[%mul3A_2, %dma_start3A] : memref<10112x128xf32, #tpu.memory_space<vmem_shared>> -> memref<632x128xf32, #tpu.memory_space<vmem_shared>>
    %dma_start3A_4 = arith.constant 0 : i32
    %dma_start3A_5 = tpu.memref_slice %arg5[%mul3A_2, %dma_start3A_4] : memref<10112x128xf32, #tpu.memory_space<hbm>> -> memref<632x128xf32, #tpu.memory_space<hbm>>
    tpu.enqueue_dma source(%dma_start3A_5 : memref<632x128xf32, #tpu.memory_space<hbm>>) target(%dma_start3A_3 : memref<632x128xf32, #tpu.memory_space<vmem_shared>>) target_semaphore(%arg18 : memref<!tpu.dma_semaphore, #tpu.memory_space<semaphore_mem>>)
    "tpu.region"() ({
      %run_scoped3A = tpu.sem_alloc : memref<!tpu.dma_semaphore, #tpu.memory_space<semaphore_mem>>
      %dma_start3A_41 = arith.constant 0 : i32
      %dma_start3A_42 = arith.constant 0 : i32
      %dma_start3A_43 = tpu.memref_slice %arg3[%add3A, %dma_start3A_41, %dma_start3A_42] : memref<32x80x128xi32, #tpu.memory_space<hbm>> -> memref<1x8x128xi32, #tpu.memory_space<hbm>>
      %dma_start3A_44 = tpu.memref_squeeze %dma_start3A_43 : memref<1x8x128xi32, #tpu.memory_space<hbm>> -> memref<8x128xi32, #tpu.memory_space<hbm>>
      %dma_start3A_45 = arith.constant 0 : i32
      %dma_start3A_46 = arith.constant 0 : i32
      %dma_start3A_47 = tpu.memref_slice %arg3[%add3A, %dma_start3A_45, %dma_start3A_46] : memref<32x80x128xi32, #tpu.memory_space<hbm>> -> memref<1x8x128xi32, #tpu.memory_space<hbm>>
      %dma_start3A_48 = tpu.memref_squeeze %dma_start3A_47 : memref<1x8x128xi32, #tpu.memory_space<hbm>> -> memref<8x128xi32, #tpu.memory_space<hbm>>
      tpu.enqueue_dma source(%dma_start3A_48 : memref<8x128xi32, #tpu.memory_space<hbm>>) target(%arg8 : memref<8x128xi32, #tpu.memory_space<vmem>>) target_semaphore(%run_scoped3A : memref<!tpu.dma_semaphore, #tpu.memory_space<semaphore_mem>>)
      %dma_wait3A_49 = arith.constant 0 : i32
      %dma_wait3A_50 = arith.constant 0 : i32
      %dma_wait3A_51 = tpu.memref_slice %arg3[%add3A, %dma_wait3A_49, %dma_wait3A_50] : memref<32x80x128xi32, #tpu.memory_space<hbm>> -> memref<1x8x128xi32, #tpu.memory_space<hbm>>
      %dma_wait3A_52 = tpu.memref_squeeze %dma_wait3A_51 : memref<1x8x128xi32, #tpu.memory_space<hbm>> -> memref<8x128xi32, #tpu.memory_space<hbm>>
      %dma_wait3A_53 = arith.constant 0 : i32
      %dma_wait3A_54 = arith.constant 0 : i32
      %dma_wait3A_55 = tpu.memref_slice %arg3[%add3A, %dma_wait3A_53, %dma_wait3A_54] : memref<32x80x128xi32, #tpu.memory_space<hbm>> -> memref<1x8x128xi32, #tpu.memory_space<hbm>>
      %dma_wait3A_56 = tpu.memref_squeeze %dma_wait3A_55 : memref<1x8x128xi32, #tpu.memory_space<hbm>> -> memref<8x128xi32, #tpu.memory_space<hbm>>
      tpu.wait_dma2 semaphore(%run_scoped3A : memref<!tpu.dma_semaphore, #tpu.memory_space<semaphore_mem>>) src(%dma_wait3A_56 : memref<8x128xi32, #tpu.memory_space<hbm>>) dst(%arg8 : memref<8x128xi32, #tpu.memory_space<vmem>>)
      tpu.yield
    }) : () -> ()
    "tpu.region"() ({
      %run_scoped3A = tpu.sem_alloc : memref<!tpu.dma_semaphore, #tpu.memory_space<semaphore_mem>>
      %dma_start3A_41 = arith.constant 0 : i32
      %dma_start3A_42 = arith.constant 0 : i32
      %dma_start3A_43 = tpu.memref_slice %arg4[%add3A, %dma_start3A_41, %dma_start3A_42] : memref<32x80x128xi32, #tpu.memory_space<hbm>> -> memref<1x8x128xi32, #tpu.memory_space<hbm>>
      %dma_start3A_44 = tpu.memref_squeeze %dma_start3A_43 : memref<1x8x128xi32, #tpu.memory_space<hbm>> -> memref<8x128xi32, #tpu.memory_space<hbm>>
      %dma_start3A_45 = arith.constant 0 : i32
      %dma_start3A_46 = arith.constant 0 : i32
      %dma_start3A_47 = tpu.memref_slice %arg4[%add3A, %dma_start3A_45, %dma_start3A_46] : memref<32x80x128xi32, #tpu.memory_space<hbm>> -> memref<1x8x128xi32, #tpu.memory_space<hbm>>
      %dma_start3A_48 = tpu.memref_squeeze %dma_start3A_47 : memref<1x8x128xi32, #tpu.memory_space<hbm>> -> memref<8x128xi32, #tpu.memory_space<hbm>>
      tpu.enqueue_dma source(%dma_start3A_48 : memref<8x128xi32, #tpu.memory_space<hbm>>) target(%arg9 : memref<8x128xi32, #tpu.memory_space<vmem>>) target_semaphore(%run_scoped3A : memref<!tpu.dma_semaphore, #tpu.memory_space<semaphore_mem>>)
      %dma_wait3A_49 = arith.constant 0 : i32
      %dma_wait3A_50 = arith.constant 0 : i32
      %dma_wait3A_51 = tpu.memref_slice %arg4[%add3A, %dma_wait3A_49, %dma_wait3A_50] : memref<32x80x128xi32, #tpu.memory_space<hbm>> -> memref<1x8x128xi32, #tpu.memory_space<hbm>>
      %dma_wait3A_52 = tpu.memref_squeeze %dma_wait3A_51 : memref<1x8x128xi32, #tpu.memory_space<hbm>> -> memref<8x128xi32, #tpu.memory_space<hbm>>
      %dma_wait3A_53 = arith.constant 0 : i32
      %dma_wait3A_54 = arith.constant 0 : i32
      %dma_wait3A_55 = tpu.memref_slice %arg4[%add3A, %dma_wait3A_53, %dma_wait3A_54] : memref<32x80x128xi32, #tpu.memory_space<hbm>> -> memref<1x8x128xi32, #tpu.memory_space<hbm>>
      %dma_wait3A_56 = tpu.memref_squeeze %dma_wait3A_55 : memref<1x8x128xi32, #tpu.memory_space<hbm>> -> memref<8x128xi32, #tpu.memory_space<hbm>>
      tpu.wait_dma2 semaphore(%run_scoped3A : memref<!tpu.dma_semaphore, #tpu.memory_space<semaphore_mem>>) src(%dma_wait3A_56 : memref<8x128xi32, #tpu.memory_space<hbm>>) dst(%arg9 : memref<8x128xi32, #tpu.memory_space<vmem>>)
      tpu.yield
    }) : () -> ()
    %dma_start3A_6 = arith.constant 0 : i32
    %dma_start3A_7 = arith.constant 0 : i32
    %dma_start3A_8 = tpu.memref_slice %arg8[%dma_start3A_6, %dma_start3A_7] : memref<8x128xi32, #tpu.memory_space<vmem>> -> memref<1x128xi32, #tpu.memory_space<vmem>>
    %dma_start3A_9 = tpu.memref_squeeze %dma_start3A_8 : memref<1x128xi32, #tpu.memory_space<vmem>> -> memref<128xi32, #tpu.memory_space<vmem>>
    %dma_start3A_10 = arith.constant 0 : i32
    %dma_start3A_11 = arith.constant 0 : i32
    %dma_start3A_12 = tpu.memref_slice %arg2[%dma_start3A_10, %dma_start3A_11] : memref<10000x128xf32, #tpu.memory_space<hbm>> -> memref<10000x128xf32, #tpu.memory_space<hbm>>
    tpu.enqueue_indirect_dma source(%dma_start3A_12 : memref<10000x128xf32, #tpu.memory_space<hbm>>) target(%arg12 : memref<128x128xf32, #tpu.memory_space<vmem>>) offsets(%dma_start3A_9 : memref<128xi32, #tpu.memory_space<vmem>>) semaphore(%arg14 : memref<!tpu.dma_semaphore, #tpu.memory_space<semaphore_mem>>)
    %dma_start3A_13 = arith.constant 1 : i32
    %dma_start3A_14 = arith.constant 0 : i32
    %dma_start3A_15 = tpu.memref_slice %arg8[%dma_start3A_13, %dma_start3A_14] : memref<8x128xi32, #tpu.memory_space<vmem>> -> memref<1x128xi32, #tpu.memory_space<vmem>>
    %dma_start3A_16 = tpu.memref_squeeze %dma_start3A_15 : memref<1x128xi32, #tpu.memory_space<vmem>> -> memref<128xi32, #tpu.memory_space<vmem>>
    %dma_start3A_17 = arith.constant 0 : i32
    %dma_start3A_18 = arith.constant 0 : i32
    %dma_start3A_19 = tpu.memref_slice %arg2[%dma_start3A_17, %dma_start3A_18] : memref<10000x128xf32, #tpu.memory_space<hbm>> -> memref<10000x128xf32, #tpu.memory_space<hbm>>
    tpu.enqueue_indirect_dma source(%dma_start3A_19 : memref<10000x128xf32, #tpu.memory_space<hbm>>) target(%arg13 : memref<128x128xf32, #tpu.memory_space<vmem>>) offsets(%dma_start3A_16 : memref<128xi32, #tpu.memory_space<vmem>>) semaphore(%arg15 : memref<!tpu.dma_semaphore, #tpu.memory_space<semaphore_mem>>)
    %dma_wait3A = arith.constant 0 : i32
    %dma_wait3A_20 = tpu.memref_slice %arg7[%mul3A_2, %dma_wait3A] : memref<10112x128xf32, #tpu.memory_space<vmem_shared>> -> memref<632x128xf32, #tpu.memory_space<vmem_shared>>
    %dma_wait3A_21 = arith.constant 0 : i32
    %dma_wait3A_22 = tpu.memref_slice %arg5[%mul3A_2, %dma_wait3A_21] : memref<10112x128xf32, #tpu.memory_space<hbm>> -> memref<632x128xf32, #tpu.memory_space<hbm>>
    tpu.wait_dma2 semaphore(%arg18 : memref<!tpu.dma_semaphore, #tpu.memory_space<semaphore_mem>>) src(%dma_wait3A_22 : memref<632x128xf32, #tpu.memory_space<hbm>>) dst(%dma_wait3A_20 : memref<632x128xf32, #tpu.memory_space<vmem_shared>>)
    %barrier3A = arith.constant 0 : index
    tpu.barrier barrier_id(%barrier3A)
    %scan3A = arith.constant 0 : i32
    %scan3A_23 = arith.constant 0 : i32
    %scan3A_24 = arith.constant 5 : i32
    %scan3A_25 = arith.addi %scan3A_23, %scan3A_24 : i32
    %scan3A_26 = arith.constant 1 : i32
    scf.for %scan3A_41 = %scan3A_23 to %scan3A_25 step %scan3A_26  : i32 {
      %mul3A_42 = arith.constant 2 : i32
      %mul3A_43 = arith.muli %scan3A_41, %mul3A_42 : i32
      %add3A_44 = arith.constant 1 : i32
      %add3A_45 = arith.addi %mul3A_43, %add3A_44 : i32
      %mul3A_46 = arith.constant 8 : i32
      %mul3A_47 = arith.muli %add3A_45, %mul3A_46 : i32
      %dma_start3A_48 = arith.constant 0 : i32
      %dma_start3A_49 = tpu.memref_slice %arg3[%add3A, %mul3A_47, %dma_start3A_48] : memref<32x80x128xi32, #tpu.memory_space<hbm>> -> memref<1x8x128xi32, #tpu.memory_space<hbm>>
      %dma_start3A_50 = tpu.memref_squeeze %dma_start3A_49 : memref<1x8x128xi32, #tpu.memory_space<hbm>> -> memref<8x128xi32, #tpu.memory_space<hbm>>
      %dma_start3A_51 = arith.constant 0 : i32
      %dma_start3A_52 = tpu.memref_slice %arg3[%add3A, %mul3A_47, %dma_start3A_51] : memref<32x80x128xi32, #tpu.memory_space<hbm>> -> memref<1x8x128xi32, #tpu.memory_space<hbm>>
      %dma_start3A_53 = tpu.memref_squeeze %dma_start3A_52 : memref<1x8x128xi32, #tpu.memory_space<hbm>> -> memref<8x128xi32, #tpu.memory_space<hbm>>
      tpu.enqueue_dma source(%dma_start3A_53 : memref<8x128xi32, #tpu.memory_space<hbm>>) target(%arg10 : memref<8x128xi32, #tpu.memory_space<vmem>>) target_semaphore(%arg17 : memref<!tpu.dma_semaphore, #tpu.memory_space<semaphore_mem>>)
      %mul3A_54 = arith.constant 8 : i32
      %mul3A_55 = arith.muli %add3A_45, %mul3A_54 : i32
      %dma_start3A_56 = arith.constant 0 : i32
      %dma_start3A_57 = tpu.memref_slice %arg4[%add3A, %mul3A_55, %dma_start3A_56] : memref<32x80x128xi32, #tpu.memory_space<hbm>> -> memref<1x8x128xi32, #tpu.memory_space<hbm>>
      %dma_start3A_58 = tpu.memref_squeeze %dma_start3A_57 : memref<1x8x128xi32, #tpu.memory_space<hbm>> -> memref<8x128xi32, #tpu.memory_space<hbm>>
      %dma_start3A_59 = arith.constant 0 : i32
      %dma_start3A_60 = tpu.memref_slice %arg4[%add3A, %mul3A_55, %dma_start3A_59] : memref<32x80x128xi32, #tpu.memory_space<hbm>> -> memref<1x8x128xi32, #tpu.memory_space<hbm>>
      %dma_start3A_61 = tpu.memref_squeeze %dma_start3A_60 : memref<1x8x128xi32, #tpu.memory_space<hbm>> -> memref<8x128xi32, #tpu.memory_space<hbm>>
      tpu.enqueue_dma source(%dma_start3A_61 : memref<8x128xi32, #tpu.memory_space<hbm>>) target(%arg11 : memref<8x128xi32, #tpu.memory_space<vmem>>) target_semaphore(%arg17 : memref<!tpu.dma_semaphore, #tpu.memory_space<semaphore_mem>>)
      %scan3A_62 = arith.constant 0 : i32
      %scan3A_63 = arith.constant 0 : i32
      %scan3A_64 = arith.constant 3 : i32
      %scan3A_65 = arith.addi %scan3A_63, %scan3A_64 : i32
      %scan3A_66 = arith.constant 1 : i32
      scf.for %scan3A_180 = %scan3A_63 to %scan3A_65 step %scan3A_66  : i32 {
        %mul3A_181 = arith.constant 2 : i32
        %mul3A_182 = arith.muli %scan3A_180, %mul3A_181 : i32
        %dma_wait3A_183 = arith.constant 0 : i32
        %dma_wait3A_184 = arith.constant 0 : i32
        %dma_wait3A_185 = tpu.memref_slice %arg2[%dma_wait3A_183, %dma_wait3A_184] : memref<10000x128xf32, #tpu.memory_space<hbm>> -> memref<128x128xf32, #tpu.memory_space<hbm>>
        %dma_wait3A_186 = arith.constant 0 : i32
        %dma_wait3A_187 = arith.constant 0 : i32
        %dma_wait3A_188 = tpu.memref_slice %arg2[%dma_wait3A_186, %dma_wait3A_187] : memref<10000x128xf32, #tpu.memory_space<hbm>> -> memref<128x128xf32, #tpu.memory_space<hbm>>
        tpu.wait_dma2 semaphore(%arg14 : memref<!tpu.dma_semaphore, #tpu.memory_space<semaphore_mem>>) src(%dma_wait3A_188 : memref<128x128xf32, #tpu.memory_space<hbm>>) dst(%arg12 : memref<128x128xf32, #tpu.memory_space<vmem>>)
        "tpu.region"() ({
          %run_scoped3A_213 = tpu.sem_alloc : memref<!tpu.dma_semaphore, #tpu.memory_space<semaphore_mem>>
          %dma_start3A_214 = arith.constant 0 : i32
          %dma_start3A_215 = tpu.memref_slice %arg9[%mul3A_182, %dma_start3A_214] : memref<8x128xi32, #tpu.memory_space<vmem>> -> memref<1x128xi32, #tpu.memory_space<vmem>>
          %dma_start3A_216 = tpu.memref_squeeze %dma_start3A_215 : memref<1x128xi32, #tpu.memory_space<vmem>> -> memref<128xi32, #tpu.memory_space<vmem>>
          %dma_start3A_217 = arith.constant 0 : i32
          %dma_start3A_218 = arith.constant 0 : i32
          %dma_start3A_219 = tpu.memref_slice %arg7[%dma_start3A_217, %dma_start3A_218] : memref<10112x128xf32, #tpu.memory_space<vmem_shared>> -> memref<10112x128xf32, #tpu.memory_space<vmem_shared>>
          tpu.enqueue_indirect_dma source(%arg12 : memref<128x128xf32, #tpu.memory_space<vmem>>) target(%dma_start3A_219 : memref<10112x128xf32, #tpu.memory_space<vmem_shared>>) offsets(%dma_start3A_216 : memref<128xi32, #tpu.memory_space<vmem>>) semaphore(%run_scoped3A_213 : memref<!tpu.dma_semaphore, #tpu.memory_space<semaphore_mem>>) {add = true}
          %dma_wait3A_220 = arith.constant 0 : i32
          %dma_wait3A_221 = tpu.memref_slice %arg9[%mul3A_182, %dma_wait3A_220] : memref<8x128xi32, #tpu.memory_space<vmem>> -> memref<1x128xi32, #tpu.memory_space<vmem>>
          %dma_wait3A_222 = tpu.memref_squeeze %dma_wait3A_221 : memref<1x128xi32, #tpu.memory_space<vmem>> -> memref<128xi32, #tpu.memory_space<vmem>>
          %dma_wait3A_223 = arith.constant 0 : i32
          %dma_wait3A_224 = arith.constant 0 : i32
          %dma_wait3A_225 = tpu.memref_slice %arg7[%dma_wait3A_223, %dma_wait3A_224] : memref<10112x128xf32, #tpu.memory_space<vmem_shared>> -> memref<10112x128xf32, #tpu.memory_space<vmem_shared>>
          tpu.wait_indirect_dma semaphore(%run_scoped3A_213 : memref<!tpu.dma_semaphore, #tpu.memory_space<semaphore_mem>>) src(%arg12 : memref<128x128xf32, #tpu.memory_space<vmem>>) dst(%dma_wait3A_225 : memref<10112x128xf32, #tpu.memory_space<vmem_shared>>)
          tpu.yield
        }) : () -> ()
        %add3A_189 = arith.constant 2 : i32
        %add3A_190 = arith.addi %mul3A_182, %add3A_189 : i32
        %dma_start3A_191 = arith.constant 0 : i32
        %dma_start3A_192 = tpu.memref_slice %arg8[%add3A_190, %dma_start3A_191] : memref<8x128xi32, #tpu.memory_space<vmem>> -> memref<1x128xi32, #tpu.memory_space<vmem>>
        %dma_start3A_193 = tpu.memref_squeeze %dma_start3A_192 : memref<1x128xi32, #tpu.memory_space<vmem>> -> memref<128xi32, #tpu.memory_space<vmem>>
        %dma_start3A_194 = arith.constant 0 : i32
        %dma_start3A_195 = arith.constant 0 : i32
        %dma_start3A_196 = tpu.memref_slice %arg2[%dma_start3A_194, %dma_start3A_195] : memref<10000x128xf32, #tpu.memory_space<hbm>> -> memref<10000x128xf32, #tpu.memory_space<hbm>>
        tpu.enqueue_indirect_dma source(%dma_start3A_196 : memref<10000x128xf32, #tpu.memory_space<hbm>>) target(%arg12 : memref<128x128xf32, #tpu.memory_space<vmem>>) offsets(%dma_start3A_193 : memref<128xi32, #tpu.memory_space<vmem>>) semaphore(%arg14 : memref<!tpu.dma_semaphore, #tpu.memory_space<semaphore_mem>>)
        %dma_wait3A_197 = arith.constant 0 : i32
        %dma_wait3A_198 = arith.constant 0 : i32
        %dma_wait3A_199 = tpu.memref_slice %arg2[%dma_wait3A_197, %dma_wait3A_198] : memref<10000x128xf32, #tpu.memory_space<hbm>> -> memref<128x128xf32, #tpu.memory_space<hbm>>
        %dma_wait3A_200 = arith.constant 0 : i32
        %dma_wait3A_201 = arith.constant 0 : i32
        %dma_wait3A_202 = tpu.memref_slice %arg2[%dma_wait3A_200, %dma_wait3A_201] : memref<10000x128xf32, #tpu.memory_space<hbm>> -> memref<128x128xf32, #tpu.memory_space<hbm>>
        tpu.wait_dma2 semaphore(%arg15 : memref<!tpu.dma_semaphore, #tpu.memory_space<semaphore_mem>>) src(%dma_wait3A_202 : memref<128x128xf32, #tpu.memory_space<hbm>>) dst(%arg12 : memref<128x128xf32, #tpu.memory_space<vmem>>)
        %add3A_203 = arith.constant 1 : i32
        %add3A_204 = arith.addi %mul3A_182, %add3A_203 : i32
        "tpu.region"() ({
          %run_scoped3A_213 = tpu.sem_alloc : memref<!tpu.dma_semaphore, #tpu.memory_space<semaphore_mem>>
          %dma_start3A_214 = arith.constant 0 : i32
          %dma_start3A_215 = tpu.memref_slice %arg9[%add3A_204, %dma_start3A_214] : memref<8x128xi32, #tpu.memory_space<vmem>> -> memref<1x128xi32, #tpu.memory_space<vmem>>
          %dma_start3A_216 = tpu.memref_squeeze %dma_start3A_215 : memref<1x128xi32, #tpu.memory_space<vmem>> -> memref<128xi32, #tpu.memory_space<vmem>>
          %dma_start3A_217 = arith.constant 0 : i32
          %dma_start3A_218 = arith.constant 0 : i32
          %dma_start3A_219 = tpu.memref_slice %arg7[%dma_start3A_217, %dma_start3A_218] : memref<10112x128xf32, #tpu.memory_space<vmem_shared>> -> memref<10112x128xf32, #tpu.memory_space<vmem_shared>>
          tpu.enqueue_indirect_dma source(%arg13 : memref<128x128xf32, #tpu.memory_space<vmem>>) target(%dma_start3A_219 : memref<10112x128xf32, #tpu.memory_space<vmem_shared>>) offsets(%dma_start3A_216 : memref<128xi32, #tpu.memory_space<vmem>>) semaphore(%run_scoped3A_213 : memref<!tpu.dma_semaphore, #tpu.memory_space<semaphore_mem>>) {add = true}
          %dma_wait3A_220 = arith.constant 0 : i32
          %dma_wait3A_221 = tpu.memref_slice %arg9[%add3A_204, %dma_wait3A_220] : memref<8x128xi32, #tpu.memory_space<vmem>> -> memref<1x128xi32, #tpu.memory_space<vmem>>
          %dma_wait3A_222 = tpu.memref_squeeze %dma_wait3A_221 : memref<1x128xi32, #tpu.memory_space<vmem>> -> memref<128xi32, #tpu.memory_space<vmem>>
          %dma_wait3A_223 = arith.constant 0 : i32
          %dma_wait3A_224 = arith.constant 0 : i32
          %dma_wait3A_225 = tpu.memref_slice %arg7[%dma_wait3A_223, %dma_wait3A_224] : memref<10112x128xf32, #tpu.memory_space<vmem_shared>> -> memref<10112x128xf32, #tpu.memory_space<vmem_shared>>
          tpu.wait_indirect_dma semaphore(%run_scoped3A_213 : memref<!tpu.dma_semaphore, #tpu.memory_space<semaphore_mem>>) src(%arg13 : memref<128x128xf32, #tpu.memory_space<vmem>>) dst(%dma_wait3A_225 : memref<10112x128xf32, #tpu.memory_space<vmem_shared>>)
          tpu.yield
        }) : () -> ()
        %add3A_205 = arith.constant 3 : i32
        %add3A_206 = arith.addi %mul3A_182, %add3A_205 : i32
        %dma_start3A_207 = arith.constant 0 : i32
        %dma_start3A_208 = tpu.memref_slice %arg8[%add3A_206, %dma_start3A_207] : memref<8x128xi32, #tpu.memory_space<vmem>> -> memref<1x128xi32, #tpu.memory_space<vmem>>
        %dma_start3A_209 = tpu.memref_squeeze %dma_start3A_208 : memref<1x128xi32, #tpu.memory_space<vmem>> -> memref<128xi32, #tpu.memory_space<vmem>>
        %dma_start3A_210 = arith.constant 0 : i32
        %dma_start3A_211 = arith.constant 0 : i32
        %dma_start3A_212 = tpu.memref_slice %arg2[%dma_start3A_210, %dma_start3A_211] : memref<10000x128xf32, #tpu.memory_space<hbm>> -> memref<10000x128xf32, #tpu.memory_space<hbm>>
        tpu.enqueue_indirect_dma source(%dma_start3A_212 : memref<10000x128xf32, #tpu.memory_space<hbm>>) target(%arg13 : memref<128x128xf32, #tpu.memory_space<vmem>>) offsets(%dma_start3A_209 : memref<128xi32, #tpu.memory_space<vmem>>) semaphore(%arg15 : memref<!tpu.dma_semaphore, #tpu.memory_space<semaphore_mem>>)
      }
      %scan3A_67 = arith.constant 3 : i32
      %dma_wait3A_68 = arith.constant 0 : i32
      %dma_wait3A_69 = arith.constant 0 : i32
      %dma_wait3A_70 = tpu.memref_slice %arg3[%add3A, %dma_wait3A_68, %dma_wait3A_69] : memref<32x80x128xi32, #tpu.memory_space<hbm>> -> memref<1x8x128xi32, #tpu.memory_space<hbm>>
      %dma_wait3A_71 = tpu.memref_squeeze %dma_wait3A_70 : memref<1x8x128xi32, #tpu.memory_space<hbm>> -> memref<8x128xi32, #tpu.memory_space<hbm>>
      %dma_wait3A_72 = arith.constant 0 : i32
      %dma_wait3A_73 = arith.constant 0 : i32
      %dma_wait3A_74 = tpu.memref_slice %arg3[%add3A, %dma_wait3A_72, %dma_wait3A_73] : memref<32x80x128xi32, #tpu.memory_space<hbm>> -> memref<1x8x128xi32, #tpu.memory_space<hbm>>
      %dma_wait3A_75 = tpu.memref_squeeze %dma_wait3A_74 : memref<1x8x128xi32, #tpu.memory_space<hbm>> -> memref<8x128xi32, #tpu.memory_space<hbm>>
      tpu.wait_dma2 semaphore(%arg17 : memref<!tpu.dma_semaphore, #tpu.memory_space<semaphore_mem>>) src(%dma_wait3A_75 : memref<8x128xi32, #tpu.memory_space<hbm>>) dst(%arg8 : memref<8x128xi32, #tpu.memory_space<vmem>>)
      %dma_wait3A_76 = arith.constant 0 : i32
      %dma_wait3A_77 = arith.constant 0 : i32
      %dma_wait3A_78 = tpu.memref_slice %arg3[%add3A, %dma_wait3A_76, %dma_wait3A_77] : memref<32x80x128xi32, #tpu.memory_space<hbm>> -> memref<1x8x128xi32, #tpu.memory_space<hbm>>
      %dma_wait3A_79 = tpu.memref_squeeze %dma_wait3A_78 : memref<1x8x128xi32, #tpu.memory_space<hbm>> -> memref<8x128xi32, #tpu.memory_space<hbm>>
      %dma_wait3A_80 = arith.constant 0 : i32
      %dma_wait3A_81 = arith.constant 0 : i32
      %dma_wait3A_82 = tpu.memref_slice %arg3[%add3A, %dma_wait3A_80, %dma_wait3A_81] : memref<32x80x128xi32, #tpu.memory_space<hbm>> -> memref<1x8x128xi32, #tpu.memory_space<hbm>>
      %dma_wait3A_83 = tpu.memref_squeeze %dma_wait3A_82 : memref<1x8x128xi32, #tpu.memory_space<hbm>> -> memref<8x128xi32, #tpu.memory_space<hbm>>
      tpu.wait_dma2 semaphore(%arg17 : memref<!tpu.dma_semaphore, #tpu.memory_space<semaphore_mem>>) src(%dma_wait3A_83 : memref<8x128xi32, #tpu.memory_space<hbm>>) dst(%arg8 : memref<8x128xi32, #tpu.memory_space<vmem>>)
      %dma_wait3A_84 = arith.constant 0 : i32
      %dma_wait3A_85 = arith.constant 0 : i32
      %dma_wait3A_86 = tpu.memref_slice %arg2[%dma_wait3A_84, %dma_wait3A_85] : memref<10000x128xf32, #tpu.memory_space<hbm>> -> memref<128x128xf32, #tpu.memory_space<hbm>>
      %dma_wait3A_87 = arith.constant 0 : i32
      %dma_wait3A_88 = arith.constant 0 : i32
      %dma_wait3A_89 = tpu.memref_slice %arg2[%dma_wait3A_87, %dma_wait3A_88] : memref<10000x128xf32, #tpu.memory_space<hbm>> -> memref<128x128xf32, #tpu.memory_space<hbm>>
      tpu.wait_dma2 semaphore(%arg14 : memref<!tpu.dma_semaphore, #tpu.memory_space<semaphore_mem>>) src(%dma_wait3A_89 : memref<128x128xf32, #tpu.memory_space<hbm>>) dst(%arg12 : memref<128x128xf32, #tpu.memory_space<vmem>>)
      %run_scoped3A = arith.constant 6 : i32
      "tpu.region"() ({
        %run_scoped3A_180 = tpu.sem_alloc : memref<!tpu.dma_semaphore, #tpu.memory_space<semaphore_mem>>
        %dma_start3A_181 = arith.constant 0 : i32
        %dma_start3A_182 = tpu.memref_slice %arg9[%run_scoped3A, %dma_start3A_181] : memref<8x128xi32, #tpu.memory_space<vmem>> -> memref<1x128xi32, #tpu.memory_space<vmem>>
        %dma_start3A_183 = tpu.memref_squeeze %dma_start3A_182 : memref<1x128xi32, #tpu.memory_space<vmem>> -> memref<128xi32, #tpu.memory_space<vmem>>
        %dma_start3A_184 = arith.constant 0 : i32
        %dma_start3A_185 = arith.constant 0 : i32
        %dma_start3A_186 = tpu.memref_slice %arg7[%dma_start3A_184, %dma_start3A_185] : memref<10112x128xf32, #tpu.memory_space<vmem_shared>> -> memref<10112x128xf32, #tpu.memory_space<vmem_shared>>
        tpu.enqueue_indirect_dma source(%arg12 : memref<128x128xf32, #tpu.memory_space<vmem>>) target(%dma_start3A_186 : memref<10112x128xf32, #tpu.memory_space<vmem_shared>>) offsets(%dma_start3A_183 : memref<128xi32, #tpu.memory_space<vmem>>) semaphore(%run_scoped3A_180 : memref<!tpu.dma_semaphore, #tpu.memory_space<semaphore_mem>>) {add = true}
        %dma_wait3A_187 = arith.constant 0 : i32
        %dma_wait3A_188 = tpu.memref_slice %arg9[%run_scoped3A, %dma_wait3A_187] : memref<8x128xi32, #tpu.memory_space<vmem>> -> memref<1x128xi32, #tpu.memory_space<vmem>>
        %dma_wait3A_189 = tpu.memref_squeeze %dma_wait3A_188 : memref<1x128xi32, #tpu.memory_space<vmem>> -> memref<128xi32, #tpu.memory_space<vmem>>
        %dma_wait3A_190 = arith.constant 0 : i32
        %dma_wait3A_191 = arith.constant 0 : i32
        %dma_wait3A_192 = tpu.memref_slice %arg7[%dma_wait3A_190, %dma_wait3A_191] : memref<10112x128xf32, #tpu.memory_space<vmem_shared>> -> memref<10112x128xf32, #tpu.memory_space<vmem_shared>>
        tpu.wait_indirect_dma semaphore(%run_scoped3A_180 : memref<!tpu.dma_semaphore, #tpu.memory_space<semaphore_mem>>) src(%arg12 : memref<128x128xf32, #tpu.memory_space<vmem>>) dst(%dma_wait3A_192 : memref<10112x128xf32, #tpu.memory_space<vmem_shared>>)
        tpu.yield
      }) : () -> ()
      %dma_start3A_90 = arith.constant 0 : i32
      %dma_start3A_91 = arith.constant 0 : i32
      %dma_start3A_92 = tpu.memref_slice %arg10[%dma_start3A_90, %dma_start3A_91] : memref<8x128xi32, #tpu.memory_space<vmem>> -> memref<1x128xi32, #tpu.memory_space<vmem>>
      %dma_start3A_93 = tpu.memref_squeeze %dma_start3A_92 : memref<1x128xi32, #tpu.memory_space<vmem>> -> memref<128xi32, #tpu.memory_space<vmem>>
      %dma_start3A_94 = arith.constant 0 : i32
      %dma_start3A_95 = arith.constant 0 : i32
      %dma_start3A_96 = tpu.memref_slice %arg2[%dma_start3A_94, %dma_start3A_95] : memref<10000x128xf32, #tpu.memory_space<hbm>> -> memref<10000x128xf32, #tpu.memory_space<hbm>>
      tpu.enqueue_indirect_dma source(%dma_start3A_96 : memref<10000x128xf32, #tpu.memory_space<hbm>>) target(%arg12 : memref<128x128xf32, #tpu.memory_space<vmem>>) offsets(%dma_start3A_93 : memref<128xi32, #tpu.memory_space<vmem>>) semaphore(%arg14 : memref<!tpu.dma_semaphore, #tpu.memory_space<semaphore_mem>>)
      %dma_wait3A_97 = arith.constant 0 : i32
      %dma_wait3A_98 = arith.constant 0 : i32
      %dma_wait3A_99 = tpu.memref_slice %arg2[%dma_wait3A_97, %dma_wait3A_98] : memref<10000x128xf32, #tpu.memory_space<hbm>> -> memref<128x128xf32, #tpu.memory_space<hbm>>
      %dma_wait3A_100 = arith.constant 0 : i32
      %dma_wait3A_101 = arith.constant 0 : i32
      %dma_wait3A_102 = tpu.memref_slice %arg2[%dma_wait3A_100, %dma_wait3A_101] : memref<10000x128xf32, #tpu.memory_space<hbm>> -> memref<128x128xf32, #tpu.memory_space<hbm>>
      tpu.wait_dma2 semaphore(%arg15 : memref<!tpu.dma_semaphore, #tpu.memory_space<semaphore_mem>>) src(%dma_wait3A_102 : memref<128x128xf32, #tpu.memory_space<hbm>>) dst(%arg12 : memref<128x128xf32, #tpu.memory_space<vmem>>)
      %run_scoped3A_103 = arith.constant 7 : i32
      "tpu.region"() ({
        %run_scoped3A_180 = tpu.sem_alloc : memref<!tpu.dma_semaphore, #tpu.memory_space<semaphore_mem>>
        %dma_start3A_181 = arith.constant 0 : i32
        %dma_start3A_182 = tpu.memref_slice %arg9[%run_scoped3A_103, %dma_start3A_181] : memref<8x128xi32, #tpu.memory_space<vmem>> -> memref<1x128xi32, #tpu.memory_space<vmem>>
        %dma_start3A_183 = tpu.memref_squeeze %dma_start3A_182 : memref<1x128xi32, #tpu.memory_space<vmem>> -> memref<128xi32, #tpu.memory_space<vmem>>
        %dma_start3A_184 = arith.constant 0 : i32
        %dma_start3A_185 = arith.constant 0 : i32
        %dma_start3A_186 = tpu.memref_slice %arg7[%dma_start3A_184, %dma_start3A_185] : memref<10112x128xf32, #tpu.memory_space<vmem_shared>> -> memref<10112x128xf32, #tpu.memory_space<vmem_shared>>
        tpu.enqueue_indirect_dma source(%arg13 : memref<128x128xf32, #tpu.memory_space<vmem>>) target(%dma_start3A_186 : memref<10112x128xf32, #tpu.memory_space<vmem_shared>>) offsets(%dma_start3A_183 : memref<128xi32, #tpu.memory_space<vmem>>) semaphore(%run_scoped3A_180 : memref<!tpu.dma_semaphore, #tpu.memory_space<semaphore_mem>>) {add = true}
        %dma_wait3A_187 = arith.constant 0 : i32
        %dma_wait3A_188 = tpu.memref_slice %arg9[%run_scoped3A_103, %dma_wait3A_187] : memref<8x128xi32, #tpu.memory_space<vmem>> -> memref<1x128xi32, #tpu.memory_space<vmem>>
        %dma_wait3A_189 = tpu.memref_squeeze %dma_wait3A_188 : memref<1x128xi32, #tpu.memory_space<vmem>> -> memref<128xi32, #tpu.memory_space<vmem>>
        %dma_wait3A_190 = arith.constant 0 : i32
        %dma_wait3A_191 = arith.constant 0 : i32
        %dma_wait3A_192 = tpu.memref_slice %arg7[%dma_wait3A_190, %dma_wait3A_191] : memref<10112x128xf32, #tpu.memory_space<vmem_shared>> -> memref<10112x128xf32, #tpu.memory_space<vmem_shared>>
        tpu.wait_indirect_dma semaphore(%run_scoped3A_180 : memref<!tpu.dma_semaphore, #tpu.memory_space<semaphore_mem>>) src(%arg13 : memref<128x128xf32, #tpu.memory_space<vmem>>) dst(%dma_wait3A_192 : memref<10112x128xf32, #tpu.memory_space<vmem_shared>>)
        tpu.yield
      }) : () -> ()
      %dma_start3A_104 = arith.constant 1 : i32
      %dma_start3A_105 = arith.constant 0 : i32
      %dma_start3A_106 = tpu.memref_slice %arg10[%dma_start3A_104, %dma_start3A_105] : memref<8x128xi32, #tpu.memory_space<vmem>> -> memref<1x128xi32, #tpu.memory_space<vmem>>
      %dma_start3A_107 = tpu.memref_squeeze %dma_start3A_106 : memref<1x128xi32, #tpu.memory_space<vmem>> -> memref<128xi32, #tpu.memory_space<vmem>>
      %dma_start3A_108 = arith.constant 0 : i32
      %dma_start3A_109 = arith.constant 0 : i32
      %dma_start3A_110 = tpu.memref_slice %arg2[%dma_start3A_108, %dma_start3A_109] : memref<10000x128xf32, #tpu.memory_space<hbm>> -> memref<10000x128xf32, #tpu.memory_space<hbm>>
      tpu.enqueue_indirect_dma source(%dma_start3A_110 : memref<10000x128xf32, #tpu.memory_space<hbm>>) target(%arg13 : memref<128x128xf32, #tpu.memory_space<vmem>>) offsets(%dma_start3A_107 : memref<128xi32, #tpu.memory_space<vmem>>) semaphore(%arg15 : memref<!tpu.dma_semaphore, #tpu.memory_space<semaphore_mem>>)
      %add3A_111 = arith.constant 2 : i32
      %add3A_112 = arith.addi %mul3A_43, %add3A_111 : i32
      %rem3A = arith.constant 10 : i32
      %rem3A_113 = arith.remsi %add3A_112, %rem3A : i32
      %mul3A_114 = arith.constant 8 : i32
      %mul3A_115 = arith.muli %rem3A_113, %mul3A_114 : i32
      %dma_start3A_116 = arith.constant 0 : i32
      %dma_start3A_117 = tpu.memref_slice %arg3[%add3A, %mul3A_115, %dma_start3A_116] : memref<32x80x128xi32, #tpu.memory_space<hbm>> -> memref<1x8x128xi32, #tpu.memory_space<hbm>>
      %dma_start3A_118 = tpu.memref_squeeze %dma_start3A_117 : memref<1x8x128xi32, #tpu.memory_space<hbm>> -> memref<8x128xi32, #tpu.memory_space<hbm>>
      %dma_start3A_119 = arith.constant 0 : i32
      %dma_start3A_120 = tpu.memref_slice %arg3[%add3A, %mul3A_115, %dma_start3A_119] : memref<32x80x128xi32, #tpu.memory_space<hbm>> -> memref<1x8x128xi32, #tpu.memory_space<hbm>>
      %dma_start3A_121 = tpu.memref_squeeze %dma_start3A_120 : memref<1x8x128xi32, #tpu.memory_space<hbm>> -> memref<8x128xi32, #tpu.memory_space<hbm>>
      tpu.enqueue_dma source(%dma_start3A_121 : memref<8x128xi32, #tpu.memory_space<hbm>>) target(%arg8 : memref<8x128xi32, #tpu.memory_space<vmem>>) target_semaphore(%arg16 : memref<!tpu.dma_semaphore, #tpu.memory_space<semaphore_mem>>)
      %mul3A_122 = arith.constant 8 : i32
      %mul3A_123 = arith.muli %rem3A_113, %mul3A_122 : i32
      %dma_start3A_124 = arith.constant 0 : i32
      %dma_start3A_125 = tpu.memref_slice %arg4[%add3A, %mul3A_123, %dma_start3A_124] : memref<32x80x128xi32, #tpu.memory_space<hbm>> -> memref<1x8x128xi32, #tpu.memory_space<hbm>>
      %dma_start3A_126 = tpu.memref_squeeze %dma_start3A_125 : memref<1x8x128xi32, #tpu.memory_space<hbm>> -> memref<8x128xi32, #tpu.memory_space<hbm>>
      %dma_start3A_127 = arith.constant 0 : i32
      %dma_start3A_128 = tpu.memref_slice %arg4[%add3A, %mul3A_123, %dma_start3A_127] : memref<32x80x128xi32, #tpu.memory_space<hbm>> -> memref<1x8x128xi32, #tpu.memory_space<hbm>>
      %dma_start3A_129 = tpu.memref_squeeze %dma_start3A_128 : memref<1x8x128xi32, #tpu.memory_space<hbm>> -> memref<8x128xi32, #tpu.memory_space<hbm>>
      tpu.enqueue_dma source(%dma_start3A_129 : memref<8x128xi32, #tpu.memory_space<hbm>>) target(%arg9 : memref<8x128xi32, #tpu.memory_space<vmem>>) target_semaphore(%arg16 : memref<!tpu.dma_semaphore, #tpu.memory_space<semaphore_mem>>)
      %scan3A_130 = arith.constant 0 : i32
      %scan3A_131 = arith.constant 0 : i32
      %scan3A_132 = arith.constant 3 : i32
      %scan3A_133 = arith.addi %scan3A_131, %scan3A_132 : i32
      %scan3A_134 = arith.constant 1 : i32
      scf.for %scan3A_180 = %scan3A_131 to %scan3A_133 step %scan3A_134  : i32 {
        %mul3A_181 = arith.constant 2 : i32
        %mul3A_182 = arith.muli %scan3A_180, %mul3A_181 : i32
        %dma_wait3A_183 = arith.constant 0 : i32
        %dma_wait3A_184 = arith.constant 0 : i32
        %dma_wait3A_185 = tpu.memref_slice %arg2[%dma_wait3A_183, %dma_wait3A_184] : memref<10000x128xf32, #tpu.memory_space<hbm>> -> memref<128x128xf32, #tpu.memory_space<hbm>>
        %dma_wait3A_186 = arith.constant 0 : i32
        %dma_wait3A_187 = arith.constant 0 : i32
        %dma_wait3A_188 = tpu.memref_slice %arg2[%dma_wait3A_186, %dma_wait3A_187] : memref<10000x128xf32, #tpu.memory_space<hbm>> -> memref<128x128xf32, #tpu.memory_space<hbm>>
        tpu.wait_dma2 semaphore(%arg14 : memref<!tpu.dma_semaphore, #tpu.memory_space<semaphore_mem>>) src(%dma_wait3A_188 : memref<128x128xf32, #tpu.memory_space<hbm>>) dst(%arg12 : memref<128x128xf32, #tpu.memory_space<vmem>>)
        "tpu.region"() ({
          %run_scoped3A_213 = tpu.sem_alloc : memref<!tpu.dma_semaphore, #tpu.memory_space<semaphore_mem>>
          %dma_start3A_214 = arith.constant 0 : i32
          %dma_start3A_215 = tpu.memref_slice %arg11[%mul3A_182, %dma_start3A_214] : memref<8x128xi32, #tpu.memory_space<vmem>> -> memref<1x128xi32, #tpu.memory_space<vmem>>
          %dma_start3A_216 = tpu.memref_squeeze %dma_start3A_215 : memref<1x128xi32, #tpu.memory_space<vmem>> -> memref<128xi32, #tpu.memory_space<vmem>>
          %dma_start3A_217 = arith.constant 0 : i32
          %dma_start3A_218 = arith.constant 0 : i32
          %dma_start3A_219 = tpu.memref_slice %arg7[%dma_start3A_217, %dma_start3A_218] : memref<10112x128xf32, #tpu.memory_space<vmem_shared>> -> memref<10112x128xf32, #tpu.memory_space<vmem_shared>>
          tpu.enqueue_indirect_dma source(%arg12 : memref<128x128xf32, #tpu.memory_space<vmem>>) target(%dma_start3A_219 : memref<10112x128xf32, #tpu.memory_space<vmem_shared>>) offsets(%dma_start3A_216 : memref<128xi32, #tpu.memory_space<vmem>>) semaphore(%run_scoped3A_213 : memref<!tpu.dma_semaphore, #tpu.memory_space<semaphore_mem>>) {add = true}
          %dma_wait3A_220 = arith.constant 0 : i32
          %dma_wait3A_221 = tpu.memref_slice %arg11[%mul3A_182, %dma_wait3A_220] : memref<8x128xi32, #tpu.memory_space<vmem>> -> memref<1x128xi32, #tpu.memory_space<vmem>>
          %dma_wait3A_222 = tpu.memref_squeeze %dma_wait3A_221 : memref<1x128xi32, #tpu.memory_space<vmem>> -> memref<128xi32, #tpu.memory_space<vmem>>
          %dma_wait3A_223 = arith.constant 0 : i32
          %dma_wait3A_224 = arith.constant 0 : i32
          %dma_wait3A_225 = tpu.memref_slice %arg7[%dma_wait3A_223, %dma_wait3A_224] : memref<10112x128xf32, #tpu.memory_space<vmem_shared>> -> memref<10112x128xf32, #tpu.memory_space<vmem_shared>>
          tpu.wait_indirect_dma semaphore(%run_scoped3A_213 : memref<!tpu.dma_semaphore, #tpu.memory_space<semaphore_mem>>) src(%arg12 : memref<128x128xf32, #tpu.memory_space<vmem>>) dst(%dma_wait3A_225 : memref<10112x128xf32, #tpu.memory_space<vmem_shared>>)
          tpu.yield
        }) : () -> ()
        %add3A_189 = arith.constant 2 : i32
        %add3A_190 = arith.addi %mul3A_182, %add3A_189 : i32
        %dma_start3A_191 = arith.constant 0 : i32
        %dma_start3A_192 = tpu.memref_slice %arg10[%add3A_190, %dma_start3A_191] : memref<8x128xi32, #tpu.memory_space<vmem>> -> memref<1x128xi32, #tpu.memory_space<vmem>>
        %dma_start3A_193 = tpu.memref_squeeze %dma_start3A_192 : memref<1x128xi32, #tpu.memory_space<vmem>> -> memref<128xi32, #tpu.memory_space<vmem>>
        %dma_start3A_194 = arith.constant 0 : i32
        %dma_start3A_195 = arith.constant 0 : i32
        %dma_start3A_196 = tpu.memref_slice %arg2[%dma_start3A_194, %dma_start3A_195] : memref<10000x128xf32, #tpu.memory_space<hbm>> -> memref<10000x128xf32, #tpu.memory_space<hbm>>
        tpu.enqueue_indirect_dma source(%dma_start3A_196 : memref<10000x128xf32, #tpu.memory_space<hbm>>) target(%arg12 : memref<128x128xf32, #tpu.memory_space<vmem>>) offsets(%dma_start3A_193 : memref<128xi32, #tpu.memory_space<vmem>>) semaphore(%arg14 : memref<!tpu.dma_semaphore, #tpu.memory_space<semaphore_mem>>)
        %dma_wait3A_197 = arith.constant 0 : i32
        %dma_wait3A_198 = arith.constant 0 : i32
        %dma_wait3A_199 = tpu.memref_slice %arg2[%dma_wait3A_197, %dma_wait3A_198] : memref<10000x128xf32, #tpu.memory_space<hbm>> -> memref<128x128xf32, #tpu.memory_space<hbm>>
        %dma_wait3A_200 = arith.constant 0 : i32
        %dma_wait3A_201 = arith.constant 0 : i32
        %dma_wait3A_202 = tpu.memref_slice %arg2[%dma_wait3A_200, %dma_wait3A_201] : memref<10000x128xf32, #tpu.memory_space<hbm>> -> memref<128x128xf32, #tpu.memory_space<hbm>>
        tpu.wait_dma2 semaphore(%arg15 : memref<!tpu.dma_semaphore, #tpu.memory_space<semaphore_mem>>) src(%dma_wait3A_202 : memref<128x128xf32, #tpu.memory_space<hbm>>) dst(%arg12 : memref<128x128xf32, #tpu.memory_space<vmem>>)
        %add3A_203 = arith.constant 1 : i32
        %add3A_204 = arith.addi %mul3A_182, %add3A_203 : i32
        "tpu.region"() ({
          %run_scoped3A_213 = tpu.sem_alloc : memref<!tpu.dma_semaphore, #tpu.memory_space<semaphore_mem>>
          %dma_start3A_214 = arith.constant 0 : i32
          %dma_start3A_215 = tpu.memref_slice %arg11[%add3A_204, %dma_start3A_214] : memref<8x128xi32, #tpu.memory_space<vmem>> -> memref<1x128xi32, #tpu.memory_space<vmem>>
          %dma_start3A_216 = tpu.memref_squeeze %dma_start3A_215 : memref<1x128xi32, #tpu.memory_space<vmem>> -> memref<128xi32, #tpu.memory_space<vmem>>
          %dma_start3A_217 = arith.constant 0 : i32
          %dma_start3A_218 = arith.constant 0 : i32
          %dma_start3A_219 = tpu.memref_slice %arg7[%dma_start3A_217, %dma_start3A_218] : memref<10112x128xf32, #tpu.memory_space<vmem_shared>> -> memref<10112x128xf32, #tpu.memory_space<vmem_shared>>
          tpu.enqueue_indirect_dma source(%arg13 : memref<128x128xf32, #tpu.memory_space<vmem>>) target(%dma_start3A_219 : memref<10112x128xf32, #tpu.memory_space<vmem_shared>>) offsets(%dma_start3A_216 : memref<128xi32, #tpu.memory_space<vmem>>) semaphore(%run_scoped3A_213 : memref<!tpu.dma_semaphore, #tpu.memory_space<semaphore_mem>>) {add = true}
          %dma_wait3A_220 = arith.constant 0 : i32
          %dma_wait3A_221 = tpu.memref_slice %arg11[%add3A_204, %dma_wait3A_220] : memref<8x128xi32, #tpu.memory_space<vmem>> -> memref<1x128xi32, #tpu.memory_space<vmem>>
          %dma_wait3A_222 = tpu.memref_squeeze %dma_wait3A_221 : memref<1x128xi32, #tpu.memory_space<vmem>> -> memref<128xi32, #tpu.memory_space<vmem>>
          %dma_wait3A_223 = arith.constant 0 : i32
          %dma_wait3A_224 = arith.constant 0 : i32
          %dma_wait3A_225 = tpu.memref_slice %arg7[%dma_wait3A_223, %dma_wait3A_224] : memref<10112x128xf32, #tpu.memory_space<vmem_shared>> -> memref<10112x128xf32, #tpu.memory_space<vmem_shared>>
          tpu.wait_indirect_dma semaphore(%run_scoped3A_213 : memref<!tpu.dma_semaphore, #tpu.memory_space<semaphore_mem>>) src(%arg13 : memref<128x128xf32, #tpu.memory_space<vmem>>) dst(%dma_wait3A_225 : memref<10112x128xf32, #tpu.memory_space<vmem_shared>>)
          tpu.yield
        }) : () -> ()
        %add3A_205 = arith.constant 3 : i32
        %add3A_206 = arith.addi %mul3A_182, %add3A_205 : i32
        %dma_start3A_207 = arith.constant 0 : i32
        %dma_start3A_208 = tpu.memref_slice %arg10[%add3A_206, %dma_start3A_207] : memref<8x128xi32, #tpu.memory_space<vmem>> -> memref<1x128xi32, #tpu.memory_space<vmem>>
        %dma_start3A_209 = tpu.memref_squeeze %dma_start3A_208 : memref<1x128xi32, #tpu.memory_space<vmem>> -> memref<128xi32, #tpu.memory_space<vmem>>
        %dma_start3A_210 = arith.constant 0 : i32
        %dma_start3A_211 = arith.constant 0 : i32
        %dma_start3A_212 = tpu.memref_slice %arg2[%dma_start3A_210, %dma_start3A_211] : memref<10000x128xf32, #tpu.memory_space<hbm>> -> memref<10000x128xf32, #tpu.memory_space<hbm>>
        tpu.enqueue_indirect_dma source(%dma_start3A_212 : memref<10000x128xf32, #tpu.memory_space<hbm>>) target(%arg13 : memref<128x128xf32, #tpu.memory_space<vmem>>) offsets(%dma_start3A_209 : memref<128xi32, #tpu.memory_space<vmem>>) semaphore(%arg15 : memref<!tpu.dma_semaphore, #tpu.memory_space<semaphore_mem>>)
      }
      %scan3A_135 = arith.constant 3 : i32
      %dma_wait3A_136 = arith.constant 0 : i32
      %dma_wait3A_137 = arith.constant 0 : i32
      %dma_wait3A_138 = tpu.memref_slice %arg3[%add3A, %dma_wait3A_136, %dma_wait3A_137] : memref<32x80x128xi32, #tpu.memory_space<hbm>> -> memref<1x8x128xi32, #tpu.memory_space<hbm>>
      %dma_wait3A_139 = tpu.memref_squeeze %dma_wait3A_138 : memref<1x8x128xi32, #tpu.memory_space<hbm>> -> memref<8x128xi32, #tpu.memory_space<hbm>>
      %dma_wait3A_140 = arith.constant 0 : i32
      %dma_wait3A_141 = arith.constant 0 : i32
      %dma_wait3A_142 = tpu.memref_slice %arg3[%add3A, %dma_wait3A_140, %dma_wait3A_141] : memref<32x80x128xi32, #tpu.memory_space<hbm>> -> memref<1x8x128xi32, #tpu.memory_space<hbm>>
      %dma_wait3A_143 = tpu.memref_squeeze %dma_wait3A_142 : memref<1x8x128xi32, #tpu.memory_space<hbm>> -> memref<8x128xi32, #tpu.memory_space<hbm>>
      tpu.wait_dma2 semaphore(%arg16 : memref<!tpu.dma_semaphore, #tpu.memory_space<semaphore_mem>>) src(%dma_wait3A_143 : memref<8x128xi32, #tpu.memory_space<hbm>>) dst(%arg8 : memref<8x128xi32, #tpu.memory_space<vmem>>)
      %dma_wait3A_144 = arith.constant 0 : i32
      %dma_wait3A_145 = arith.constant 0 : i32
      %dma_wait3A_146 = tpu.memref_slice %arg3[%add3A, %dma_wait3A_144, %dma_wait3A_145] : memref<32x80x128xi32, #tpu.memory_space<hbm>> -> memref<1x8x128xi32, #tpu.memory_space<hbm>>
      %dma_wait3A_147 = tpu.memref_squeeze %dma_wait3A_146 : memref<1x8x128xi32, #tpu.memory_space<hbm>> -> memref<8x128xi32, #tpu.memory_space<hbm>>
      %dma_wait3A_148 = arith.constant 0 : i32
      %dma_wait3A_149 = arith.constant 0 : i32
      %dma_wait3A_150 = tpu.memref_slice %arg3[%add3A, %dma_wait3A_148, %dma_wait3A_149] : memref<32x80x128xi32, #tpu.memory_space<hbm>> -> memref<1x8x128xi32, #tpu.memory_space<hbm>>
      %dma_wait3A_151 = tpu.memref_squeeze %dma_wait3A_150 : memref<1x8x128xi32, #tpu.memory_space<hbm>> -> memref<8x128xi32, #tpu.memory_space<hbm>>
      tpu.wait_dma2 semaphore(%arg16 : memref<!tpu.dma_semaphore, #tpu.memory_space<semaphore_mem>>) src(%dma_wait3A_151 : memref<8x128xi32, #tpu.memory_space<hbm>>) dst(%arg8 : memref<8x128xi32, #tpu.memory_space<vmem>>)
      %dma_wait3A_152 = arith.constant 0 : i32
      %dma_wait3A_153 = arith.constant 0 : i32
      %dma_wait3A_154 = tpu.memref_slice %arg2[%dma_wait3A_152, %dma_wait3A_153] : memref<10000x128xf32, #tpu.memory_space<hbm>> -> memref<128x128xf32, #tpu.memory_space<hbm>>
      %dma_wait3A_155 = arith.constant 0 : i32
      %dma_wait3A_156 = arith.constant 0 : i32
      %dma_wait3A_157 = tpu.memref_slice %arg2[%dma_wait3A_155, %dma_wait3A_156] : memref<10000x128xf32, #tpu.memory_space<hbm>> -> memref<128x128xf32, #tpu.memory_space<hbm>>
      tpu.wait_dma2 semaphore(%arg14 : memref<!tpu.dma_semaphore, #tpu.memory_space<semaphore_mem>>) src(%dma_wait3A_157 : memref<128x128xf32, #tpu.memory_space<hbm>>) dst(%arg12 : memref<128x128xf32, #tpu.memory_space<vmem>>)
      %run_scoped3A_158 = arith.constant 6 : i32
      "tpu.region"() ({
        %run_scoped3A_180 = tpu.sem_alloc : memref<!tpu.dma_semaphore, #tpu.memory_space<semaphore_mem>>
        %dma_start3A_181 = arith.constant 0 : i32
        %dma_start3A_182 = tpu.memref_slice %arg11[%run_scoped3A_158, %dma_start3A_181] : memref<8x128xi32, #tpu.memory_space<vmem>> -> memref<1x128xi32, #tpu.memory_space<vmem>>
        %dma_start3A_183 = tpu.memref_squeeze %dma_start3A_182 : memref<1x128xi32, #tpu.memory_space<vmem>> -> memref<128xi32, #tpu.memory_space<vmem>>
        %dma_start3A_184 = arith.constant 0 : i32
        %dma_start3A_185 = arith.constant 0 : i32
        %dma_start3A_186 = tpu.memref_slice %arg7[%dma_start3A_184, %dma_start3A_185] : memref<10112x128xf32, #tpu.memory_space<vmem_shared>> -> memref<10112x128xf32, #tpu.memory_space<vmem_shared>>
        tpu.enqueue_indirect_dma source(%arg12 : memref<128x128xf32, #tpu.memory_space<vmem>>) target(%dma_start3A_186 : memref<10112x128xf32, #tpu.memory_space<vmem_shared>>) offsets(%dma_start3A_183 : memref<128xi32, #tpu.memory_space<vmem>>) semaphore(%run_scoped3A_180 : memref<!tpu.dma_semaphore, #tpu.memory_space<semaphore_mem>>) {add = true}
        %dma_wait3A_187 = arith.constant 0 : i32
        %dma_wait3A_188 = tpu.memref_slice %arg11[%run_scoped3A_158, %dma_wait3A_187] : memref<8x128xi32, #tpu.memory_space<vmem>> -> memref<1x128xi32, #tpu.memory_space<vmem>>
        %dma_wait3A_189 = tpu.memref_squeeze %dma_wait3A_188 : memref<1x128xi32, #tpu.memory_space<vmem>> -> memref<128xi32, #tpu.memory_space<vmem>>
        %dma_wait3A_190 = arith.constant 0 : i32
        %dma_wait3A_191 = arith.constant 0 : i32
        %dma_wait3A_192 = tpu.memref_slice %arg7[%dma_wait3A_190, %dma_wait3A_191] : memref<10112x128xf32, #tpu.memory_space<vmem_shared>> -> memref<10112x128xf32, #tpu.memory_space<vmem_shared>>
        tpu.wait_indirect_dma semaphore(%run_scoped3A_180 : memref<!tpu.dma_semaphore, #tpu.memory_space<semaphore_mem>>) src(%arg12 : memref<128x128xf32, #tpu.memory_space<vmem>>) dst(%dma_wait3A_192 : memref<10112x128xf32, #tpu.memory_space<vmem_shared>>)
        tpu.yield
      }) : () -> ()
      %dma_start3A_159 = arith.constant 0 : i32
      %dma_start3A_160 = arith.constant 0 : i32
      %dma_start3A_161 = tpu.memref_slice %arg8[%dma_start3A_159, %dma_start3A_160] : memref<8x128xi32, #tpu.memory_space<vmem>> -> memref<1x128xi32, #tpu.memory_space<vmem>>
      %dma_start3A_162 = tpu.memref_squeeze %dma_start3A_161 : memref<1x128xi32, #tpu.memory_space<vmem>> -> memref<128xi32, #tpu.memory_space<vmem>>
      %dma_start3A_163 = arith.constant 0 : i32
      %dma_start3A_164 = arith.constant 0 : i32
      %dma_start3A_165 = tpu.memref_slice %arg2[%dma_start3A_163, %dma_start3A_164] : memref<10000x128xf32, #tpu.memory_space<hbm>> -> memref<10000x128xf32, #tpu.memory_space<hbm>>
      tpu.enqueue_indirect_dma source(%dma_start3A_165 : memref<10000x128xf32, #tpu.memory_space<hbm>>) target(%arg12 : memref<128x128xf32, #tpu.memory_space<vmem>>) offsets(%dma_start3A_162 : memref<128xi32, #tpu.memory_space<vmem>>) semaphore(%arg14 : memref<!tpu.dma_semaphore, #tpu.memory_space<semaphore_mem>>)
      %dma_wait3A_166 = arith.constant 0 : i32
      %dma_wait3A_167 = arith.constant 0 : i32
      %dma_wait3A_168 = tpu.memref_slice %arg2[%dma_wait3A_166, %dma_wait3A_167] : memref<10000x128xf32, #tpu.memory_space<hbm>> -> memref<128x128xf32, #tpu.memory_space<hbm>>
      %dma_wait3A_169 = arith.constant 0 : i32
      %dma_wait3A_170 = arith.constant 0 : i32
      %dma_wait3A_171 = tpu.memref_slice %arg2[%dma_wait3A_169, %dma_wait3A_170] : memref<10000x128xf32, #tpu.memory_space<hbm>> -> memref<128x128xf32, #tpu.memory_space<hbm>>
      tpu.wait_dma2 semaphore(%arg15 : memref<!tpu.dma_semaphore, #tpu.memory_space<semaphore_mem>>) src(%dma_wait3A_171 : memref<128x128xf32, #tpu.memory_space<hbm>>) dst(%arg12 : memref<128x128xf32, #tpu.memory_space<vmem>>)
      %run_scoped3A_172 = arith.constant 7 : i32
      "tpu.region"() ({
        %run_scoped3A_180 = tpu.sem_alloc : memref<!tpu.dma_semaphore, #tpu.memory_space<semaphore_mem>>
        %dma_start3A_181 = arith.constant 0 : i32
        %dma_start3A_182 = tpu.memref_slice %arg11[%run_scoped3A_172, %dma_start3A_181] : memref<8x128xi32, #tpu.memory_space<vmem>> -> memref<1x128xi32, #tpu.memory_space<vmem>>
        %dma_start3A_183 = tpu.memref_squeeze %dma_start3A_182 : memref<1x128xi32, #tpu.memory_space<vmem>> -> memref<128xi32, #tpu.memory_space<vmem>>
        %dma_start3A_184 = arith.constant 0 : i32
        %dma_start3A_185 = arith.constant 0 : i32
        %dma_start3A_186 = tpu.memref_slice %arg7[%dma_start3A_184, %dma_start3A_185] : memref<10112x128xf32, #tpu.memory_space<vmem_shared>> -> memref<10112x128xf32, #tpu.memory_space<vmem_shared>>
        tpu.enqueue_indirect_dma source(%arg13 : memref<128x128xf32, #tpu.memory_space<vmem>>) target(%dma_start3A_186 : memref<10112x128xf32, #tpu.memory_space<vmem_shared>>) offsets(%dma_start3A_183 : memref<128xi32, #tpu.memory_space<vmem>>) semaphore(%run_scoped3A_180 : memref<!tpu.dma_semaphore, #tpu.memory_space<semaphore_mem>>) {add = true}
        %dma_wait3A_187 = arith.constant 0 : i32
        %dma_wait3A_188 = tpu.memref_slice %arg11[%run_scoped3A_172, %dma_wait3A_187] : memref<8x128xi32, #tpu.memory_space<vmem>> -> memref<1x128xi32, #tpu.memory_space<vmem>>
        %dma_wait3A_189 = tpu.memref_squeeze %dma_wait3A_188 : memref<1x128xi32, #tpu.memory_space<vmem>> -> memref<128xi32, #tpu.memory_space<vmem>>
        %dma_wait3A_190 = arith.constant 0 : i32
        %dma_wait3A_191 = arith.constant 0 : i32
        %dma_wait3A_192 = tpu.memref_slice %arg7[%dma_wait3A_190, %dma_wait3A_191] : memref<10112x128xf32, #tpu.memory_space<vmem_shared>> -> memref<10112x128xf32, #tpu.memory_space<vmem_shared>>
        tpu.wait_indirect_dma semaphore(%run_scoped3A_180 : memref<!tpu.dma_semaphore, #tpu.memory_space<semaphore_mem>>) src(%arg13 : memref<128x128xf32, #tpu.memory_space<vmem>>) dst(%dma_wait3A_192 : memref<10112x128xf32, #tpu.memory_space<vmem_shared>>)
        tpu.yield
      }) : () -> ()
      %dma_start3A_173 = arith.constant 1 : i32
      %dma_start3A_174 = arith.constant 0 : i32
      %dma_start3A_175 = tpu.memref_slice %arg8[%dma_start3A_173, %dma_start3A_174] : memref<8x128xi32, #tpu.memory_space<vmem>> -> memref<1x128xi32, #tpu.memory_space<vmem>>
      %dma_start3A_176 = tpu.memref_squeeze %dma_start3A_175 : memref<1x128xi32, #tpu.memory_space<vmem>> -> memref<128xi32, #tpu.memory_space<vmem>>
      %dma_start3A_177 = arith.constant 0 : i32
      %dma_start3A_178 = arith.constant 0 : i32
      %dma_start3A_179 = tpu.memref_slice %arg2[%dma_start3A_177, %dma_start3A_178] : memref<10000x128xf32, #tpu.memory_space<hbm>> -> memref<10000x128xf32, #tpu.memory_space<hbm>>
      tpu.enqueue_indirect_dma source(%dma_start3A_179 : memref<10000x128xf32, #tpu.memory_space<hbm>>) target(%arg13 : memref<128x128xf32, #tpu.memory_space<vmem>>) offsets(%dma_start3A_176 : memref<128xi32, #tpu.memory_space<vmem>>) semaphore(%arg15 : memref<!tpu.dma_semaphore, #tpu.memory_space<semaphore_mem>>)
    }
    %scan3A_27 = arith.constant 5 : i32
    %dma_wait3A_28 = arith.constant 0 : i32
    %dma_wait3A_29 = arith.constant 0 : i32
    %dma_wait3A_30 = tpu.memref_slice %arg2[%dma_wait3A_28, %dma_wait3A_29] : memref<10000x128xf32, #tpu.memory_space<hbm>> -> memref<128x128xf32, #tpu.memory_space<hbm>>
    %dma_wait3A_31 = arith.constant 0 : i32
    %dma_wait3A_32 = arith.constant 0 : i32
    %dma_wait3A_33 = tpu.memref_slice %arg2[%dma_wait3A_31, %dma_wait3A_32] : memref<10000x128xf32, #tpu.memory_space<hbm>> -> memref<128x128xf32, #tpu.memory_space<hbm>>
    tpu.wait_dma2 semaphore(%arg14 : memref<!tpu.dma_semaphore, #tpu.memory_space<semaphore_mem>>) src(%dma_wait3A_33 : memref<128x128xf32, #tpu.memory_space<hbm>>) dst(%arg12 : memref<128x128xf32, #tpu.memory_space<vmem>>)
    %dma_wait3A_34 = arith.constant 0 : i32
    %dma_wait3A_35 = arith.constant 0 : i32
    %dma_wait3A_36 = tpu.memref_slice %arg2[%dma_wait3A_34, %dma_wait3A_35] : memref<10000x128xf32, #tpu.memory_space<hbm>> -> memref<128x128xf32, #tpu.memory_space<hbm>>
    %dma_wait3A_37 = arith.constant 0 : i32
    %dma_wait3A_38 = arith.constant 0 : i32
    %dma_wait3A_39 = tpu.memref_slice %arg2[%dma_wait3A_37, %dma_wait3A_38] : memref<10000x128xf32, #tpu.memory_space<hbm>> -> memref<128x128xf32, #tpu.memory_space<hbm>>
    tpu.wait_dma2 semaphore(%arg15 : memref<!tpu.dma_semaphore, #tpu.memory_space<semaphore_mem>>) src(%dma_wait3A_39 : memref<128x128xf32, #tpu.memory_space<hbm>>) dst(%arg12 : memref<128x128xf32, #tpu.memory_space<vmem>>)
    %barrier3A_40 = arith.constant 0 : index
    tpu.barrier barrier_id(%barrier3A_40)
    "tpu.region"() ({
      %run_scoped3A = tpu.sem_alloc : memref<!tpu.dma_semaphore, #tpu.memory_space<semaphore_mem>>
      %dma_start3A_41 = arith.constant 0 : i32
      %dma_start3A_42 = tpu.memref_slice %arg6[%arg0, %mul3A_2, %dma_start3A_41] : memref<2x10112x128xf32, #tpu.memory_space<hbm>> -> memref<1x632x128xf32, #tpu.memory_space<hbm>>
      %dma_start3A_43 = tpu.memref_squeeze %dma_start3A_42 : memref<1x632x128xf32, #tpu.memory_space<hbm>> -> memref<632x128xf32, #tpu.memory_space<hbm>>
      %dma_start3A_44 = arith.constant 0 : i32
      %dma_start3A_45 = tpu.memref_slice %arg7[%mul3A_2, %dma_start3A_44] : memref<10112x128xf32, #tpu.memory_space<vmem_shared>> -> memref<632x128xf32, #tpu.memory_space<vmem_shared>>
      tpu.enqueue_dma source(%dma_start3A_45 : memref<632x128xf32, #tpu.memory_space<vmem_shared>>) target(%dma_start3A_43 : memref<632x128xf32, #tpu.memory_space<hbm>>) target_semaphore(%run_scoped3A : memref<!tpu.dma_semaphore, #tpu.memory_space<semaphore_mem>>)
      %dma_wait3A_46 = arith.constant 0 : i32
      %dma_wait3A_47 = tpu.memref_slice %arg6[%arg0, %mul3A_2, %dma_wait3A_46] : memref<2x10112x128xf32, #tpu.memory_space<hbm>> -> memref<1x632x128xf32, #tpu.memory_space<hbm>>
      %dma_wait3A_48 = tpu.memref_squeeze %dma_wait3A_47 : memref<1x632x128xf32, #tpu.memory_space<hbm>> -> memref<632x128xf32, #tpu.memory_space<hbm>>
      %dma_wait3A_49 = arith.constant 0 : i32
      %dma_wait3A_50 = tpu.memref_slice %arg7[%mul3A_2, %dma_wait3A_49] : memref<10112x128xf32, #tpu.memory_space<vmem_shared>> -> memref<632x128xf32, #tpu.memory_space<vmem_shared>>
      tpu.wait_dma2 semaphore(%run_scoped3A : memref<!tpu.dma_semaphore, #tpu.memory_space<semaphore_mem>>) src(%dma_wait3A_50 : memref<632x128xf32, #tpu.memory_space<vmem_shared>>) dst(%dma_wait3A_48 : memref<632x128xf32, #tpu.memory_space<hbm>>)
      tpu.yield
    }) : () -> ()
    return
  }
}

module attributes {stable_mosaic.version = 14 : i64} {
  func.func @body(%arg0: i32, %arg1: memref<2000x128xf32, #tpu.memory_space<vmem>>, %arg2: memref<2x2000x128xf32, #tpu.memory_space<vmem>>, %arg3: memref<128x128xf32, #tpu.memory_space<vmem>>, %arg4: memref<1x128xf32, #tpu.memory_space<vmem>>, %arg5: memref<1x128xf32, #tpu.memory_space<vmem>>, %arg6: memref<1x128xf32, #tpu.memory_space<vmem>>, %arg7: memref<1x128xf32, #tpu.memory_space<vmem>>, %arg8: memref<1x128xf32, #tpu.memory_space<vmem>>, %arg9: memref<128x128xf32, #tpu.memory_space<vmem>>, %arg10: memref<1x128xf32, #tpu.memory_space<vmem>>, %arg11: memref<2000x128xf32, #tpu.memory_space<vmem>>) attributes {dimension_semantics = [#tpu.dimension_semantics<arbitrary>], iteration_bounds = array<i64: 5>, scalar_prefetch = 0 : i64, scratch_operands = 0 : i64, tpu.core_type = #tpu.core_type<tc>, window_params = [{transform_indices = @transform_0, window_bounds = array<i64: 2000, 128>}, {transform_indices = @transform_1, window_bounds = array<i64: 2, 2000, 128>}, {pipeline_mode = #tpu.pipeline_mode<synchronous>, transform_indices = @transform_2, window_bounds = array<i64: 128, 128>}, {pipeline_mode = #tpu.pipeline_mode<synchronous>, transform_indices = @transform_3, window_bounds = array<i64: 1, 128>}, {pipeline_mode = #tpu.pipeline_mode<synchronous>, transform_indices = @transform_4, window_bounds = array<i64: 1, 128>}, {pipeline_mode = #tpu.pipeline_mode<synchronous>, transform_indices = @transform_5, window_bounds = array<i64: 1, 128>}, {pipeline_mode = #tpu.pipeline_mode<synchronous>, transform_indices = @transform_6, window_bounds = array<i64: 1, 128>}, {pipeline_mode = #tpu.pipeline_mode<synchronous>, transform_indices = @transform_7, window_bounds = array<i64: 1, 128>}, {pipeline_mode = #tpu.pipeline_mode<synchronous>, transform_indices = @transform_8, window_bounds = array<i64: 128, 128>}, {pipeline_mode = #tpu.pipeline_mode<synchronous>, transform_indices = @transform_9, window_bounds = array<i64: 1, 128>}, {transform_indices = @transform_10, window_bounds = array<i64: 2000, 128>}]} {
    %get3A = arith.constant 0 : index
    %get3A_0 = arith.constant 0 : index
    %get3A_1 = vector.load %arg1[%get3A, %get3A_0] : memref<2000x128xf32, #tpu.memory_space<vmem>>, vector<2000x128xf32>
    %get3A_2 = arith.constant 0 : index
    %get3A_3 = arith.constant 0 : index
    %get3A_4 = arith.constant 0 : index
    %get3A_5 = vector.load %arg2[%get3A_2, %get3A_3, %get3A_4] : memref<2x2000x128xf32, #tpu.memory_space<vmem>>, vector<1x2000x128xf32>
    %get3A_6 = vector.shape_cast %get3A_5 : vector<1x2000x128xf32> to vector<2000x128xf32>
    %add3A = arith.addf %get3A_1, %get3A_6 : vector<2000x128xf32>
    %get3A_7 = arith.constant 1 : index
    %get3A_8 = arith.constant 0 : index
    %get3A_9 = arith.constant 0 : index
    %get3A_10 = vector.load %arg2[%get3A_7, %get3A_8, %get3A_9] : memref<2x2000x128xf32, #tpu.memory_space<vmem>>, vector<1x2000x128xf32>
    %get3A_11 = vector.shape_cast %get3A_10 : vector<1x2000x128xf32> to vector<2000x128xf32>
    %add3A_12 = arith.addf %add3A, %get3A_11 : vector<2000x128xf32>
    %get3A_13 = arith.constant 0 : index
    %get3A_14 = arith.constant 0 : index
    %get3A_15 = vector.load %arg3[%get3A_13, %get3A_14] : memref<128x128xf32, #tpu.memory_space<vmem>>, vector<128x128xf32>
    %dot_general3A = arith.constant dense<0.000000e+00> : vector<2000x128xf32>
    %dot_general3A_16 = tpu.matmul %add3A_12, %get3A_15, %dot_general3A {dimension_numbers = #tpu.dot_dimension_numbers<[1], [0], [0], [1], [0, 0, 1, 1], [], []>, transpose_lhs_hint = false} : vector<2000x128xf32>, vector<128x128xf32>, vector<2000x128xf32> -> vector<2000x128xf32>
    %get3A_17 = arith.constant 0 : index
    %get3A_18 = arith.constant 0 : index
    %get3A_19 = vector.load %arg4[%get3A_17, %get3A_18] : memref<1x128xf32, #tpu.memory_space<vmem>>, vector<1x128xf32>
    %add3A_20 = vector.broadcast %get3A_19 : vector<1x128xf32> to vector<2000x128xf32>
    %add3A_21 = arith.addf %dot_general3A_16, %add3A_20 : vector<2000x128xf32>
    %get3A_22 = arith.constant 0 : index
    %get3A_23 = arith.constant 0 : index
    %get3A_24 = vector.load %arg5[%get3A_22, %get3A_23] : memref<1x128xf32, #tpu.memory_space<vmem>>, vector<1x128xf32>
    %get3A_25 = arith.constant 0 : index
    %get3A_26 = arith.constant 0 : index
    %get3A_27 = vector.load %arg8[%get3A_25, %get3A_26] : memref<1x128xf32, #tpu.memory_space<vmem>>, vector<1x128xf32>
    %add3A_28 = arith.constant 9.99999974E-6 : f32
    %add3A_29 = vector.broadcast %add3A_28 : f32 to vector<1x128xf32>
    %add3A_30 = arith.addf %get3A_27, %add3A_29 : vector<1x128xf32>
    %rsqrt3A = math.rsqrt %add3A_30 : vector<1x128xf32>
    %mul3A = arith.mulf %get3A_24, %rsqrt3A : vector<1x128xf32>
    %get3A_31 = arith.constant 0 : index
    %get3A_32 = arith.constant 0 : index
    %get3A_33 = vector.load %arg7[%get3A_31, %get3A_32] : memref<1x128xf32, #tpu.memory_space<vmem>>, vector<1x128xf32>
    %sub3A = vector.broadcast %get3A_33 : vector<1x128xf32> to vector<2000x128xf32>
    %sub3A_34 = arith.subf %add3A_21, %sub3A : vector<2000x128xf32>
    %mul3A_35 = vector.broadcast %mul3A : vector<1x128xf32> to vector<2000x128xf32>
    %mul3A_36 = arith.mulf %sub3A_34, %mul3A_35 : vector<2000x128xf32>
    %get3A_37 = arith.constant 0 : index
    %get3A_38 = arith.constant 0 : index
    %get3A_39 = vector.load %arg6[%get3A_37, %get3A_38] : memref<1x128xf32, #tpu.memory_space<vmem>>, vector<1x128xf32>
    %add3A_40 = vector.broadcast %get3A_39 : vector<1x128xf32> to vector<2000x128xf32>
    %add3A_41 = arith.addf %mul3A_36, %add3A_40 : vector<2000x128xf32>
    %max3A = arith.constant 0.000000e+00 : f32
    %max3A_42 = vector.broadcast %max3A : f32 to vector<2000x128xf32>
    %max3A_43 = arith.maximumf %add3A_41, %max3A_42 : vector<2000x128xf32>
    %get3A_44 = arith.constant 0 : index
    %get3A_45 = arith.constant 0 : index
    %get3A_46 = vector.load %arg9[%get3A_44, %get3A_45] : memref<128x128xf32, #tpu.memory_space<vmem>>, vector<128x128xf32>
    %dot_general3A_47 = arith.constant dense<0.000000e+00> : vector<2000x128xf32>
    %dot_general3A_48 = tpu.matmul %max3A_43, %get3A_46, %dot_general3A_47 {dimension_numbers = #tpu.dot_dimension_numbers<[1], [0], [0], [1], [0, 0, 1, 1], [], []>, transpose_lhs_hint = false} : vector<2000x128xf32>, vector<128x128xf32>, vector<2000x128xf32> -> vector<2000x128xf32>
    %get3A_49 = arith.constant 0 : index
    %get3A_50 = arith.constant 0 : index
    %get3A_51 = vector.load %arg10[%get3A_49, %get3A_50] : memref<1x128xf32, #tpu.memory_space<vmem>>, vector<1x128xf32>
    %add3A_52 = vector.broadcast %get3A_51 : vector<1x128xf32> to vector<2000x128xf32>
    %add3A_53 = arith.addf %dot_general3A_48, %add3A_52 : vector<2000x128xf32>
    %max3A_54 = arith.constant 0.000000e+00 : f32
    %max3A_55 = vector.broadcast %max3A_54 : f32 to vector<2000x128xf32>
    %max3A_56 = arith.maximumf %add3A_53, %max3A_55 : vector<2000x128xf32>
    %swap3A = arith.constant 0 : index
    %swap3A_57 = arith.constant 0 : index
    %swap3A_58 = vector.load %arg11[%swap3A, %swap3A_57] : memref<2000x128xf32, #tpu.memory_space<vmem>>, vector<2000x128xf32>
    tpu.vector_store %arg11[%swap3A, %swap3A_57], %max3A_56 {strides = array<i32>} : memref<2000x128xf32, #tpu.memory_space<vmem>>, vector<2000x128xf32>,
    return
  }
  func.func @transform_0(%arg0: i32) -> (i32, i32) {
    %c0_i32 = arith.constant 0 : i32
    %c0_i32_0 = arith.constant 0 : i32
    return %arg0, %c0_i32 : i32, i32
  }
  func.func @transform_1(%arg0: i32) -> (i32, i32, i32) {
    %c0_i32 = arith.constant 0 : i32
    %c0_i32_0 = arith.constant 0 : i32
    %c0_i32_1 = arith.constant 0 : i32
    return %c0_i32, %arg0, %c0_i32_0 : i32, i32, i32
  }
  func.func @transform_2(%arg0: i32) -> (i32, i32) {
    %c0_i32 = arith.constant 0 : i32
    %c0_i32_0 = arith.constant 0 : i32
    %c0_i32_1 = arith.constant 0 : i32
    return %c0_i32, %c0_i32_0 : i32, i32
  }
  func.func @transform_3(%arg0: i32) -> (i32, i32) {
    %c0_i32 = arith.constant 0 : i32
    %c0_i32_0 = arith.constant 0 : i32
    %c0_i32_1 = arith.constant 0 : i32
    return %c0_i32, %c0_i32_0 : i32, i32
  }
  func.func @transform_4(%arg0: i32) -> (i32, i32) {
    %c0_i32 = arith.constant 0 : i32
    %c0_i32_0 = arith.constant 0 : i32
    %c0_i32_1 = arith.constant 0 : i32
    return %c0_i32, %c0_i32_0 : i32, i32
  }
  func.func @transform_5(%arg0: i32) -> (i32, i32) {
    %c0_i32 = arith.constant 0 : i32
    %c0_i32_0 = arith.constant 0 : i32
    %c0_i32_1 = arith.constant 0 : i32
    return %c0_i32, %c0_i32_0 : i32, i32
  }
  func.func @transform_6(%arg0: i32) -> (i32, i32) {
    %c0_i32 = arith.constant 0 : i32
    %c0_i32_0 = arith.constant 0 : i32
    %c0_i32_1 = arith.constant 0 : i32
    return %c0_i32, %c0_i32_0 : i32, i32
  }
  func.func @transform_7(%arg0: i32) -> (i32, i32) {
    %c0_i32 = arith.constant 0 : i32
    %c0_i32_0 = arith.constant 0 : i32
    %c0_i32_1 = arith.constant 0 : i32
    return %c0_i32, %c0_i32_0 : i32, i32
  }
  func.func @transform_8(%arg0: i32) -> (i32, i32) {
    %c0_i32 = arith.constant 0 : i32
    %c0_i32_0 = arith.constant 0 : i32
    %c0_i32_1 = arith.constant 0 : i32
    return %c0_i32, %c0_i32_0 : i32, i32
  }
  func.func @transform_9(%arg0: i32) -> (i32, i32) {
    %c0_i32 = arith.constant 0 : i32
    %c0_i32_0 = arith.constant 0 : i32
    %c0_i32_1 = arith.constant 0 : i32
    return %c0_i32, %c0_i32_0 : i32, i32
  }
  func.func @transform_10(%arg0: i32) -> (i32, i32) {
    %c0_i32 = arith.constant 0 : i32
    %c0_i32_0 = arith.constant 0 : i32
    return %arg0, %c0_i32 : i32, i32
  }
}

module attributes {stable_mosaic.version = 14 : i64} {
  func.func @body(%arg0: i32, %arg1: memref<2000x128xf32, #tpu.memory_space<vmem>>, %arg2: memref<2x2000x128xf32, #tpu.memory_space<vmem>>, %arg3: memref<128x128xf32, #tpu.memory_space<vmem>>, %arg4: memref<1x128xf32, #tpu.memory_space<vmem>>, %arg5: memref<1x128xf32, #tpu.memory_space<vmem>>, %arg6: memref<1x128xf32, #tpu.memory_space<vmem>>, %arg7: memref<1x128xf32, #tpu.memory_space<vmem>>, %arg8: memref<1x128xf32, #tpu.memory_space<vmem>>, %arg9: memref<128x128xf32, #tpu.memory_space<vmem>>, %arg10: memref<1x128xf32, #tpu.memory_space<vmem>>, %arg11: memref<128x128xf32, #tpu.memory_space<vmem>>, %arg12: memref<1x128xf32, #tpu.memory_space<vmem>>, %arg13: memref<128x128xf32, #tpu.memory_space<vmem>>, %arg14: memref<1x128xf32, #tpu.memory_space<vmem>>, %arg15: memref<1x128xf32, #tpu.memory_space<vmem>>, %arg16: memref<1x128xf32, #tpu.memory_space<vmem>>) attributes {dimension_semantics = [#tpu.dimension_semantics<arbitrary>], iteration_bounds = array<i64: 5>, scalar_prefetch = 0 : i64, scratch_operands = 1 : i64, tpu.core_type = #tpu.core_type<tc>, window_params = [{transform_indices = @transform_0, window_bounds = array<i64: 2000, 128>}, {transform_indices = @transform_1, window_bounds = array<i64: 2, 2000, 128>}, {pipeline_mode = #tpu.pipeline_mode<synchronous>, transform_indices = @transform_2, window_bounds = array<i64: 128, 128>}, {pipeline_mode = #tpu.pipeline_mode<synchronous>, transform_indices = @transform_3, window_bounds = array<i64: 1, 128>}, {pipeline_mode = #tpu.pipeline_mode<synchronous>, transform_indices = @transform_4, window_bounds = array<i64: 1, 128>}, {pipeline_mode = #tpu.pipeline_mode<synchronous>, transform_indices = @transform_5, window_bounds = array<i64: 1, 128>}, {pipeline_mode = #tpu.pipeline_mode<synchronous>, transform_indices = @transform_6, window_bounds = array<i64: 1, 128>}, {pipeline_mode = #tpu.pipeline_mode<synchronous>, transform_indices = @transform_7, window_bounds = array<i64: 1, 128>}, {pipeline_mode = #tpu.pipeline_mode<synchronous>, transform_indices = @transform_8, window_bounds = array<i64: 128, 128>}, {pipeline_mode = #tpu.pipeline_mode<synchronous>, transform_indices = @transform_9, window_bounds = array<i64: 1, 128>}, {pipeline_mode = #tpu.pipeline_mode<synchronous>, transform_indices = @transform_10, window_bounds = array<i64: 128, 128>}, {pipeline_mode = #tpu.pipeline_mode<synchronous>, transform_indices = @transform_11, window_bounds = array<i64: 1, 128>}, {pipeline_mode = #tpu.pipeline_mode<synchronous>, transform_indices = @transform_12, window_bounds = array<i64: 128, 128>}, {pipeline_mode = #tpu.pipeline_mode<synchronous>, transform_indices = @transform_13, window_bounds = array<i64: 1, 128>}, {pipeline_mode = #tpu.pipeline_mode<synchronous>, transform_indices = @transform_14, window_bounds = array<i64: 1, 128>}]} {
    %get3A = arith.constant 0 : index
    %get3A_0 = arith.constant 0 : index
    %get3A_1 = vector.load %arg1[%get3A, %get3A_0] : memref<2000x128xf32, #tpu.memory_space<vmem>>, vector<2000x128xf32>
    %get3A_2 = arith.constant 0 : index
    %get3A_3 = arith.constant 0 : index
    %get3A_4 = arith.constant 0 : index
    %get3A_5 = vector.load %arg2[%get3A_2, %get3A_3, %get3A_4] : memref<2x2000x128xf32, #tpu.memory_space<vmem>>, vector<1x2000x128xf32>
    %get3A_6 = vector.shape_cast %get3A_5 : vector<1x2000x128xf32> to vector<2000x128xf32>
    %add3A = arith.addf %get3A_1, %get3A_6 : vector<2000x128xf32>
    %get3A_7 = arith.constant 1 : index
    %get3A_8 = arith.constant 0 : index
    %get3A_9 = arith.constant 0 : index
    %get3A_10 = vector.load %arg2[%get3A_7, %get3A_8, %get3A_9] : memref<2x2000x128xf32, #tpu.memory_space<vmem>>, vector<1x2000x128xf32>
    %get3A_11 = vector.shape_cast %get3A_10 : vector<1x2000x128xf32> to vector<2000x128xf32>
    %add3A_12 = arith.addf %add3A, %get3A_11 : vector<2000x128xf32>
    %get3A_13 = arith.constant 0 : index
    %get3A_14 = arith.constant 0 : index
    %get3A_15 = vector.load %arg3[%get3A_13, %get3A_14] : memref<128x128xf32, #tpu.memory_space<vmem>>, vector<128x128xf32>
    %dot_general3A = arith.constant dense<0.000000e+00> : vector<2000x128xf32>
    %dot_general3A_16 = tpu.matmul %add3A_12, %get3A_15, %dot_general3A {dimension_numbers = #tpu.dot_dimension_numbers<[1], [0], [0], [1], [0, 0, 1, 1], [], []>, transpose_lhs_hint = false} : vector<2000x128xf32>, vector<128x128xf32>, vector<2000x128xf32> -> vector<2000x128xf32>
    %get3A_17 = arith.constant 0 : index
    %get3A_18 = arith.constant 0 : index
    %get3A_19 = vector.load %arg4[%get3A_17, %get3A_18] : memref<1x128xf32, #tpu.memory_space<vmem>>, vector<1x128xf32>
    %add3A_20 = vector.broadcast %get3A_19 : vector<1x128xf32> to vector<2000x128xf32>
    %add3A_21 = arith.addf %dot_general3A_16, %add3A_20 : vector<2000x128xf32>
    %get3A_22 = arith.constant 0 : index
    %get3A_23 = arith.constant 0 : index
    %get3A_24 = vector.load %arg5[%get3A_22, %get3A_23] : memref<1x128xf32, #tpu.memory_space<vmem>>, vector<1x128xf32>
    %get3A_25 = arith.constant 0 : index
    %get3A_26 = arith.constant 0 : index
    %get3A_27 = vector.load %arg8[%get3A_25, %get3A_26] : memref<1x128xf32, #tpu.memory_space<vmem>>, vector<1x128xf32>
    %add3A_28 = arith.constant 9.99999974E-6 : f32
    %add3A_29 = vector.broadcast %add3A_28 : f32 to vector<1x128xf32>
    %add3A_30 = arith.addf %get3A_27, %add3A_29 : vector<1x128xf32>
    %rsqrt3A = math.rsqrt %add3A_30 : vector<1x128xf32>
    %mul3A = arith.mulf %get3A_24, %rsqrt3A : vector<1x128xf32>
    %get3A_31 = arith.constant 0 : index
    %get3A_32 = arith.constant 0 : index
    %get3A_33 = vector.load %arg7[%get3A_31, %get3A_32] : memref<1x128xf32, #tpu.memory_space<vmem>>, vector<1x128xf32>
    %sub3A = vector.broadcast %get3A_33 : vector<1x128xf32> to vector<2000x128xf32>
    %sub3A_34 = arith.subf %add3A_21, %sub3A : vector<2000x128xf32>
    %mul3A_35 = vector.broadcast %mul3A : vector<1x128xf32> to vector<2000x128xf32>
    %mul3A_36 = arith.mulf %sub3A_34, %mul3A_35 : vector<2000x128xf32>
    %get3A_37 = arith.constant 0 : index
    %get3A_38 = arith.constant 0 : index
    %get3A_39 = vector.load %arg6[%get3A_37, %get3A_38] : memref<1x128xf32, #tpu.memory_space<vmem>>, vector<1x128xf32>
    %add3A_40 = vector.broadcast %get3A_39 : vector<1x128xf32> to vector<2000x128xf32>
    %add3A_41 = arith.addf %mul3A_36, %add3A_40 : vector<2000x128xf32>
    %max3A = arith.constant 0.000000e+00 : f32
    %max3A_42 = vector.broadcast %max3A : f32 to vector<2000x128xf32>
    %max3A_43 = arith.maximumf %add3A_41, %max3A_42 : vector<2000x128xf32>
    %get3A_44 = arith.constant 0 : index
    %get3A_45 = arith.constant 0 : index
    %get3A_46 = vector.load %arg9[%get3A_44, %get3A_45] : memref<128x128xf32, #tpu.memory_space<vmem>>, vector<128x128xf32>
    %dot_general3A_47 = arith.constant dense<0.000000e+00> : vector<2000x128xf32>
    %dot_general3A_48 = tpu.matmul %max3A_43, %get3A_46, %dot_general3A_47 {dimension_numbers = #tpu.dot_dimension_numbers<[1], [0], [0], [1], [0, 0, 1, 1], [], []>, transpose_lhs_hint = false} : vector<2000x128xf32>, vector<128x128xf32>, vector<2000x128xf32> -> vector<2000x128xf32>
    %get3A_49 = arith.constant 0 : index
    %get3A_50 = arith.constant 0 : index
    %get3A_51 = vector.load %arg10[%get3A_49, %get3A_50] : memref<1x128xf32, #tpu.memory_space<vmem>>, vector<1x128xf32>
    %add3A_52 = vector.broadcast %get3A_51 : vector<1x128xf32> to vector<2000x128xf32>
    %add3A_53 = arith.addf %dot_general3A_48, %add3A_52 : vector<2000x128xf32>
    %max3A_54 = arith.constant 0.000000e+00 : f32
    %max3A_55 = vector.broadcast %max3A_54 : f32 to vector<2000x128xf32>
    %max3A_56 = arith.maximumf %add3A_53, %max3A_55 : vector<2000x128xf32>
    %reduce_sum3A = arith.constant dense<0.000000e+00> : vector<128xf32>
    %reduce_sum3A_57 = vector.multi_reduction <add>, %max3A_56, %reduce_sum3A [0] : vector<2000x128xf32> to vector<128xf32>
    %broadcast_in_dim3A = vector.shape_cast %reduce_sum3A_57 : vector<128xf32> to vector<1x128xf32>
    %eq3A = arith.constant 0 : i32
    %eq3A_58 = arith.cmpi eq, %arg0, %eq3A : i32
    %convert_element_type3A = arith.extui %eq3A_58 : i1 to i32
    %cond3A = arith.constant 0 : i32
    %cond3A_59 = arith.cmpi ne, %convert_element_type3A, %cond3A : i32
    scf.if %cond3A_59 {
      %swap3A = arith.constant 0 : index
      %swap3A_69 = arith.constant 0 : index
      %swap3A_70 = vector.load %arg16[%swap3A, %swap3A_69] : memref<1x128xf32, #tpu.memory_space<vmem>>, vector<1x128xf32>
      tpu.vector_store %arg16[%swap3A, %swap3A_69], %broadcast_in_dim3A {strides = array<i32>} : memref<1x128xf32, #tpu.memory_space<vmem>>, vector<1x128xf32>,
    } else {
    }
    %gt3A = arith.constant 0 : i32
    %gt3A_60 = arith.cmpi sgt, %arg0, %gt3A : i32
    %convert_element_type3A_61 = arith.extui %gt3A_60 : i1 to i32
    %cond3A_62 = arith.constant 0 : i32
    %cond3A_63 = arith.cmpi ne, %convert_element_type3A_61, %cond3A_62 : i32
    scf.if %cond3A_63 {
      %get3A_69 = arith.constant 0 : index
      %get3A_70 = arith.constant 0 : index
      %get3A_71 = vector.load %arg16[%get3A_69, %get3A_70] : memref<1x128xf32, #tpu.memory_space<vmem>>, vector<1x128xf32>
      %add3A_72 = arith.addf %get3A_71, %broadcast_in_dim3A : vector<1x128xf32>
      %swap3A = arith.constant 0 : index
      %swap3A_73 = arith.constant 0 : index
      %swap3A_74 = vector.load %arg16[%swap3A, %swap3A_73] : memref<1x128xf32, #tpu.memory_space<vmem>>, vector<1x128xf32>
      tpu.vector_store %arg16[%swap3A, %swap3A_73], %add3A_72 {strides = array<i32>} : memref<1x128xf32, #tpu.memory_space<vmem>>, vector<1x128xf32>,
    } else {
    }
    %eq3A_64 = arith.constant 4 : i32
    %eq3A_65 = arith.cmpi eq, %arg0, %eq3A_64 : i32
    %convert_element_type3A_66 = arith.extui %eq3A_65 : i1 to i32
    %cond3A_67 = arith.constant 0 : i32
    %cond3A_68 = arith.cmpi ne, %convert_element_type3A_66, %cond3A_67 : i32
    scf.if %cond3A_68 {
      %get3A_69 = arith.constant 0 : index
      %get3A_70 = arith.constant 0 : index
      %get3A_71 = vector.load %arg16[%get3A_69, %get3A_70] : memref<1x128xf32, #tpu.memory_space<vmem>>, vector<1x128xf32>
      %get3A_72 = arith.constant 0 : index
      %get3A_73 = arith.constant 0 : index
      %get3A_74 = vector.load %arg11[%get3A_72, %get3A_73] : memref<128x128xf32, #tpu.memory_space<vmem>>, vector<128x128xf32>
      %dot_general3A_75 = arith.constant dense<0.000000e+00> : vector<1x128xf32>
      %dot_general3A_76 = tpu.matmul %get3A_71, %get3A_74, %dot_general3A_75 {dimension_numbers = #tpu.dot_dimension_numbers<[1], [0], [0], [1], [0, 0, 1, 1], [], []>, transpose_lhs_hint = false} : vector<1x128xf32>, vector<128x128xf32>, vector<1x128xf32> -> vector<1x128xf32>
      %get3A_77 = arith.constant 0 : index
      %get3A_78 = arith.constant 0 : index
      %get3A_79 = vector.load %arg12[%get3A_77, %get3A_78] : memref<1x128xf32, #tpu.memory_space<vmem>>, vector<1x128xf32>
      %add3A_80 = arith.addf %dot_general3A_76, %get3A_79 : vector<1x128xf32>
      %max3A_81 = arith.constant 0.000000e+00 : f32
      %max3A_82 = vector.broadcast %max3A_81 : f32 to vector<1x128xf32>
      %max3A_83 = arith.maximumf %add3A_80, %max3A_82 : vector<1x128xf32>
      %get3A_84 = arith.constant 0 : index
      %get3A_85 = arith.constant 0 : index
      %get3A_86 = vector.load %arg13[%get3A_84, %get3A_85] : memref<128x128xf32, #tpu.memory_space<vmem>>, vector<128x128xf32>
      %dot_general3A_87 = arith.constant dense<0.000000e+00> : vector<1x128xf32>
      %dot_general3A_88 = tpu.matmul %max3A_83, %get3A_86, %dot_general3A_87 {dimension_numbers = #tpu.dot_dimension_numbers<[1], [0], [0], [1], [0, 0, 1, 1], [], []>, transpose_lhs_hint = false} : vector<1x128xf32>, vector<128x128xf32>, vector<1x128xf32> -> vector<1x128xf32>
      %get3A_89 = arith.constant 0 : index
      %get3A_90 = arith.constant 0 : index
      %get3A_91 = vector.load %arg14[%get3A_89, %get3A_90] : memref<1x128xf32, #tpu.memory_space<vmem>>, vector<1x128xf32>
      %add3A_92 = arith.addf %dot_general3A_88, %get3A_91 : vector<1x128xf32>
      %swap3A = arith.constant 0 : index
      %swap3A_93 = arith.constant 0 : index
      %swap3A_94 = vector.load %arg15[%swap3A, %swap3A_93] : memref<1x128xf32, #tpu.memory_space<vmem>>, vector<1x128xf32>
      tpu.vector_store %arg15[%swap3A, %swap3A_93], %add3A_92 {strides = array<i32>} : memref<1x128xf32, #tpu.memory_space<vmem>>, vector<1x128xf32>,
    } else {
    }
    return
  }
  func.func @transform_0(%arg0: i32) -> (i32, i32) {
    %c0_i32 = arith.constant 0 : i32
    %c0_i32_0 = arith.constant 0 : i32
    return %arg0, %c0_i32 : i32, i32
  }
  func.func @transform_1(%arg0: i32) -> (i32, i32, i32) {
    %c0_i32 = arith.constant 0 : i32
    %c0_i32_0 = arith.constant 0 : i32
    %c0_i32_1 = arith.constant 0 : i32
    return %c0_i32, %arg0, %c0_i32_0 : i32, i32, i32
  }
  func.func @transform_2(%arg0: i32) -> (i32, i32) {
    %c0_i32 = arith.constant 0 : i32
    %c0_i32_0 = arith.constant 0 : i32
    %c0_i32_1 = arith.constant 0 : i32
    return %c0_i32, %c0_i32_0 : i32, i32
  }
  func.func @transform_3(%arg0: i32) -> (i32, i32) {
    %c0_i32 = arith.constant 0 : i32
    %c0_i32_0 = arith.constant 0 : i32
    %c0_i32_1 = arith.constant 0 : i32
    return %c0_i32, %c0_i32_0 : i32, i32
  }
  func.func @transform_4(%arg0: i32) -> (i32, i32) {
    %c0_i32 = arith.constant 0 : i32
    %c0_i32_0 = arith.constant 0 : i32
    %c0_i32_1 = arith.constant 0 : i32
    return %c0_i32, %c0_i32_0 : i32, i32
  }
  func.func @transform_5(%arg0: i32) -> (i32, i32) {
    %c0_i32 = arith.constant 0 : i32
    %c0_i32_0 = arith.constant 0 : i32
    %c0_i32_1 = arith.constant 0 : i32
    return %c0_i32, %c0_i32_0 : i32, i32
  }
  func.func @transform_6(%arg0: i32) -> (i32, i32) {
    %c0_i32 = arith.constant 0 : i32
    %c0_i32_0 = arith.constant 0 : i32
    %c0_i32_1 = arith.constant 0 : i32
    return %c0_i32, %c0_i32_0 : i32, i32
  }
  func.func @transform_7(%arg0: i32) -> (i32, i32) {
    %c0_i32 = arith.constant 0 : i32
    %c0_i32_0 = arith.constant 0 : i32
    %c0_i32_1 = arith.constant 0 : i32
    return %c0_i32, %c0_i32_0 : i32, i32
  }
  func.func @transform_8(%arg0: i32) -> (i32, i32) {
    %c0_i32 = arith.constant 0 : i32
    %c0_i32_0 = arith.constant 0 : i32
    %c0_i32_1 = arith.constant 0 : i32
    return %c0_i32, %c0_i32_0 : i32, i32
  }
  func.func @transform_9(%arg0: i32) -> (i32, i32) {
    %c0_i32 = arith.constant 0 : i32
    %c0_i32_0 = arith.constant 0 : i32
    %c0_i32_1 = arith.constant 0 : i32
    return %c0_i32, %c0_i32_0 : i32, i32
  }
  func.func @transform_10(%arg0: i32) -> (i32, i32) {
    %c0_i32 = arith.constant 0 : i32
    %c0_i32_0 = arith.constant 0 : i32
    %c0_i32_1 = arith.constant 0 : i32
    return %c0_i32, %c0_i32_0 : i32, i32
  }
  func.func @transform_11(%arg0: i32) -> (i32, i32) {
    %c0_i32 = arith.constant 0 : i32
    %c0_i32_0 = arith.constant 0 : i32
    %c0_i32_1 = arith.constant 0 : i32
    return %c0_i32, %c0_i32_0 : i32, i32
  }
  func.func @transform_12(%arg0: i32) -> (i32, i32) {
    %c0_i32 = arith.constant 0 : i32
    %c0_i32_0 = arith.constant 0 : i32
    %c0_i32_1 = arith.constant 0 : i32
    return %c0_i32, %c0_i32_0 : i32, i32
  }
  func.func @transform_13(%arg0: i32) -> (i32, i32) {
    %c0_i32 = arith.constant 0 : i32
    %c0_i32_0 = arith.constant 0 : i32
    %c0_i32_1 = arith.constant 0 : i32
    return %c0_i32, %c0_i32_0 : i32, i32
  }
  func.func @transform_14(%arg0: i32) -> (i32, i32) {
    %c0_i32 = arith.constant 0 : i32
    %c0_i32_0 = arith.constant 0 : i32
    %c0_i32_1 = arith.constant 0 : i32
    return %c0_i32, %c0_i32_0 : i32, i32
  }
}

</mosaic_0001>

<sc_bundles>
// kernel: kernel.6.cloned.1.call-start
scs
__scs_entry_jumppad:
0x0: {  	(pc) =	sbr.rel $0x88, $3  }
0x1: {  	(tag) =	ssettag $0x0;
	lr =	simm.s32 $0x1  }
0x2: {  	[smem:$0x3F8B] =	sst lr;
	_ =	strace $0xD0000000  }
0x3: {  	_ = 	snop  }
0x4: {  	_ = 	snop  }
0x5: {  	_ = 	snop  }
0x6: {  	_ = 	snop  }
0x7: {  	_ = 	snop  }
__scs_overlays_trampoline_lowered:
0x8: {  	[smem:$0x3F9A] =	sst s0  }
0x9: {  	[smem:$0x3F9B] =	sst s1  }
0xa: {  	[smem:$0x3F9C] =	sst s2  }
0xb: {  	[smem:$0x3F9D] =	sst s3  }
0xc: {  	[smem:$0x3F9E] =	sst s4  }
0xd: {  	[smem:$0x3F9F] =	sst s5  }
0xe: {  	[smem:$0x3FA0] =	sst s6  }
0xf: {  	[smem:$0x3FA1] =	sst s7  }
0x10: {  	[smem:$0x3FA2] =	sst s8  }
0x11: {  	[smem:$0x3FA3] =	sst s9;
	s0 =	simm.s32 @!p0 $0x0  }
0x12: {  	s1 =	sld [smem:$0x3F89];
	s0 =	simm.s32 @p0 $0x1  }
0x13: {  	[smem:$0x3FA4] =	sst s0;
	s0 =	simm.s32 @!p1 $0x0  }
0x14: {  	s2 =	sld [smem:$0x3F88];
	s0 =	simm.s32 @p1 $0x1  }
0x15: {  	[smem:$0x3FA5] =	sst s0;
	s0 =	simm.s32 @!p2 $0x0  }
0x16: {  	s3 =	sld [smem:$0x3FDB];
	s0 =	simm.s32 @p2 $0x1  }
0x17: {  	s4 =	simm.s32 $0x1BF5;
	[smem:$0x3FA7] =	sst s0  }
0x18: {  	s0 =	sld [smem:$0x3F8A];
	_ =	swait.ge [sflag:s4], $0x0  }
0x19: {  	s7 =	sld [smem:$0x3F8B]  }
0x1a: {  	s8 =	sadd.s32 $0xFFFFE003, lr  }
0x1b: {  	s9 =	sadd.s32 $0xFFFFFEF7, lr;
	s5 =	simm.s32 $0xFFFFFFFF;
	p2 =	slt.u32 s8, $0xFFFFF086  }
0x1c: {  	p1 =	slt.u32 s9, $0xF7A;
	s5 =	simm.s32 @!p2 $0x0  }
0x1d: {  	s5 =	simm.s32 @p1 $0x1;
	p0 =	seq.s32 s7, s2  }
0x1e: {  	s7 =	smul.u32 @!p0 $0xF7A, s2;
	p2 =	seq.s32 @!p0 s5, $0x0  }
0x1f: {  	s9 =	smul.u32 $0xF7A, s1;
	s8 =	simm.s32 @!p0 $0x1BF5;
	p2 =	por !p2, p0  }
0x20: {  	[sflag:s8] =	ssyncset.s32 @!p0 $0xFFFFF086;
	s6 =	sadd.s32 @!p0 s3, s7;
	s7 =	simm.s32 @!p0 $0x108  }
0x21: {  	s3 =	sadd.s32 s3, s9;
	s6 =	sadd.s32 @!p0 $0x88, s6;
	s7 =	simm.s32 @p2 $0x1082  }
0x22: {  	[simem:s7], [sflag:s8] =	dma.local @!p0 [hbm:s6], $0xF7A  }
0x23: {  	s9 =	sor.u32 $0xD0000000, s2;
	s6 =	simm.s32 $0x108;
	_ =	swait.ge @!p0 [sflag:s8], $0x0  }
0x24: {  	s3 =	sadd.s32 $0x88, s3;
	s6 =	simm.s32 @!p1 $0x1082;
	[sflag:s4] =	ssyncset.s32 $0xFFFFF086  }
0x25: {  	[simem:s6], [sflag:s4] =	dma.local [hbm:s3], $0xF7A  }
0x26: {  	[smem:$0x3F8B] =	sst s1;
	(tag) =	ssettag s2;
	_ =	strace s9  }
0x27: {  	s1 =	sld [smem:$0x3F9B]  }
0x28: {  	s2 =	sld [smem:$0x3F9C]  }
0x29: {  	s4 =	sld [smem:$0x3F9E]  }
0x2a: {  	p0 =	seq.s32 s5, $0x0;
	s5 =	sld [smem:$0x3F9F]  }
0x2b: {  	s6 =	sld [smem:$0x3FA0]  }
0x2c: {  	s7 =	sld [smem:$0x3FA1]  }
0x2d: {  	s3 =	simm.s32 $0x108;
	s8 =	sld [smem:$0x3FA2]  }
0x2e: {  	s3 =	simm.s32 @!p0 $0x1082;
	s9 =	sld [smem:$0x3FA3]  }
0x2f: {  	lr =	sadd.s32 s0, s3;
	s0 =	sld [smem:$0x3F9A]  }
0x30: {  	s3 =	sld [smem:$0x3F9D]  }
0x31: {  	[smem:$0x3FA6] =	sst s10  }
0x32: {  	s10 =	sld [smem:$0x3FA4];
	_ =	sdelay $0x3  }
0x33: {  	p0 =	seq.s32 s10, $0x1;
	s10 =	sld [smem:$0x3FA6];
	_ =	sdelay $0x3  }
0x34: {  	[smem:$0x3FA6] =	sst s10  }
0x35: {  	s10 =	sld [smem:$0x3FA5];
	_ =	sdelay $0x3  }
0x36: {  	p1 =	seq.s32 s10, $0x1;
	s10 =	sld [smem:$0x3FA6];
	_ =	sdelay $0x3  }
0x37: {  	[smem:$0x3FA6] =	sst s10  }
0x38: {  	s10 =	sld [smem:$0x3FA7]  }
0x39: {  	_ = 	snop;
	(pc) =	sbr.ind lr, $3  }
0x3a: {  	_ = 	snop  }
0x3b: {  	_ = 	snop  }
0x3c: {  	p2 =	seq.s32 s10, $0x1;
	s10 =	sld [smem:$0x3FA6]  }
0x3d: {  	_ =	shalt  }
0x3e: {  	_ =	shalt  }
0x3f: {  	_ =	shalt  }
0x40: {  	_ =	shalt  }
0x41: {  	_ =	shalt  }
0x42: {  	_ =	shalt  }
0x43: {  	_ =	shalt  }
0x44: {  	_ =	shalt  }
0x45: {  	_ =	shalt  }
0x46: {  	_ =	shalt  }
0x47: {  	_ =	shalt  }
0x48: {  	_ =	shalt  }
0x49: {  	_ =	shalt  }
0x4a: {  	_ =	shalt  }
0x4b: {  	_ =	shalt  }
0x4c: {  	_ =	shalt  }
0x4d: {  	_ =	shalt  }
0x4e: {  	_ =	shalt  }
0x4f: {  	_ =	shalt  }
0x50: {  	_ =	shalt  }
0x51: {  	_ =	shalt  }
0x52: {  	_ =	shalt  }
0x53: {  	_ =	shalt  }
0x54: {  	_ =	shalt  }
0x55: {  	_ =	shalt  }
0x56: {  	_ =	shalt  }
0x57: {  	_ =	shalt  }
0x58: {  	_ =	shalt  }
0x59: {  	_ =	shalt  }
0x5a: {  	_ =	shalt  }
0x5b: {  	_ =	shalt  }
0x5c: {  	_ =	shalt  }
0x5d: {  	_ =	shalt  }
0x5e: {  	_ =	shalt  }
0x5f: {  	_ =	shalt  }
0x60: {  	_ =	shalt  }
0x61: {  	_ =	shalt  }
0x62: {  	_ =	shalt  }
0x63: {  	_ =	shalt  }
0x64: {  	_ =	shalt  }
0x65: {  	_ =	shalt  }
0x66: {  	_ =	shalt  }
0x67: {  	_ =	shalt  }
0x68: {  	_ =	shalt  }
0x69: {  	_ =	shalt  }
0x6a: {  	_ =	shalt  }
0x6b: {  	_ =	shalt  }
0x6c: {  	_ =	shalt  }
0x6d: {  	_ =	shalt  }
0x6e: {  	_ =	shalt  }
0x6f: {  	_ =	shalt  }
0x70: {  	_ =	shalt  }
0x71: {  	_ =	shalt  }
0x72: {  	_ =	shalt  }
0x73: {  	_ =	shalt  }
0x74: {  	_ =	shalt  }
0x75: {  	_ =	shalt  }
0x76: {  	_ =	shalt  }
0x77: {  	_ =	shalt  }
0x78: {  	_ =	shalt  }
0x79: {  	_ =	shalt  }
0x7a: {  	_ =	shalt  }
0x7b: {  	_ =	shalt  }
0x7c: {  	_ =	shalt  }
0x7d: {  	_ =	shalt  }
0x7e: {  	_ =	shalt  }
0x7f: {  	_ =	shalt  }
0x80: {  	_ =	shalt  }
0x81: {  	_ =	shalt  }
0x82: {  	_ =	shalt  }
0x83: {  	_ =	shalt  }
0x84: {  	_ =	shalt  }
0x85: {  	_ =	shalt  }
0x86: {  	_ =	shalt  }
0x87: {  	_ =	shalt  }
.Lfunc_end0:
.L_simem_size_0:
called_computation_lowered:
.L_overlay_start_0:
0x88: {  	s2 =	sld [smem:$0x3FD9]  }
0x89: {  	s3 =	sld [smem:$0x3FFE];
	_ =	sdelay $0x1  }
0x8a: {  	s1 =	srdreg.scid  }
0x8b: {  	s0 =	sand.u32 $0x1, s1  }
0x8c: {  	s17 =	sshll.u32 s0, $0xA;
	s2 =	sadd.s32 s3, s2  }
0x8d: {  	s2 =	sadd.s32 s2, s17  }
0x8e: {  	[smem:$0x3FB2] =	sst s2  }
0x8f: {  	_ = 	snop  }
0x90: {  	s2 =	sld [smem:$0x3FC9];
	(tm) =	ssettm $0x1  }
0x91: {  	s18 =	sld [smem:$0x3FFB];
	_ =	sdelay $0x3  }
0x92: {  	_ =	strace s18  }
0x93: {  	s3 =	sld [smem:$0x3FFC];
	_ =	sdelay $0x3  }
0x94: {  	_ =	strace s3  }
0x95: {  	s3 =	sld [smem:$0x3FFD];
	_ =	sdelay $0x3  }
0x96: {  	_ =	strace s3  }
0x97: {  	_ =	strace $0x8FFFFFFF  }
0x98: {  	s19 =	sld [smem:$0x3FDB];
	_ =	sdelay $0x1  }
0x99: {  	s4 =	simm.s32 $_scs_section_size  }
0x9a: {  	s5 =	simm.s32 $_size__tile_overlayer_lowered;
	s6 =	simm.s32 $_tile_overlayer_lowered  }
0x9b: {  	s22 =	simm.s32 $0x1BFF;
	s21 =	sshll.u32 s6, $0x1;
	s3 =	sadd.s32 s4, s19  }
0x9c: {  	s7 =	simm.s32 $0x0;
	s20 =	sshll.u32 s5, $0x1;
	s5 =	sadd.s32 s21, s3  }
0x9d: {  	[timem:s7], [sflag:s22] =	dma.local [hbm:s5], s20  }
0x9e: {  	_ =	swait.ge [sflag:s22], s20  }
0x9f: {  	s4 =	ssub.s32 $0x0, s20;
	[sflag:s22] =	ssyncset.done $0x0  }
0xa0: {  	[sflag:s22] =	ssyncadd.s32 s4;
	_ =	sdelay $0x1  }
0xa1: {  	s23 =	simm.s32 $0x1B8B  }
0xa2: {  	_ =	swait.ge [sflag:s23], $0x1  }
0xa3: {  	[sflag:s23] =	ssyncset.done $0x0  }
0xa4: {  	s25 =	simm.s32 $0x1B8E;
	s24 =	sld [smem:$0x3FFE];
	[sflag:s23] =	ssyncadd.s32 $0xFFFFFFFF  }
0xa5: {  	s26 =	simm.s32 $execute0_lowered;
	[smem:$0x3FD2] =	sst s25  }
0xa6: {  	s5 =	sshll.u32 s26, $0x1;
	_ =	strace $0x80000046;
	[dreg:$0x1] =	wrdreg $0xFFFFFFFF  }
0xa7: {  	s28 =	simm.s32 $_size_execute0_lowered;
	s3 =	sadd.s32 s3, s5;
	[dreg:$0x0] =	wrdreg $0x0  }
0xa8: {  	s5 =	sshll.u32 s28, $0x1;
	[dreg:$0x2] =	wrdreg s3  }
0xa9: {  	[dreg:$0x3] =	wrdreg s5  }
0xaa: {  	[dreg:$0x4] =	wrdreg $0xC0  }
0xab: {  	_ =	task [dreg:s7], $0x5FFFF  }
0xac: {  	[dreg:$0x1] =	wrdreg $0xFFFFFFFF  }
0xad: {  	[dreg:$0x0] =	wrdreg $0x60  }
0xae: {  	[dreg:$0x2] =	wrdreg s2  }
0xaf: {  	[dreg:$0x3] =	wrdreg s24  }
0xb0: {  	[dreg:$0x4] =	wrdreg $0x0  }
0xb1: {  	[dreg:$0x5] =	wrdreg $0x9  }
0xb2: {  	_ =	task.clear_ibuf [dreg:s7], $0x6FFFF;
	_ =	strace $0x90000046  }
0xb3: {  	s29 =	simm.s32 $0x9;
	_ =	strace $0x80000048  }
0xb4: {  	_ =	swait.ge [sflag:s29], $0x1  }
0xb5: {  	[sflag:s29] =	ssyncadd.s32 $0xFFFFFFFF  }
0xb6: {  	_ =	strace $0x90000048  }
0xb7: {  	_ =	sfence  }
0xb8: {  	s30 =	sld [smem:$0x0];
	_ =	sdelay $0x2  }
0xb9: {  	s31 =	sshll.u32 s1, $0xD;
	s1 =	sshrl.u32 s1, $0x2  }
0xba: {  	s3 =	sand.u32 $0x4000, s31;
	s1 =	sadd.s32 s1, s30  }
0xbb: {  	s0 =	sor.u32 s3, s0;
	s1 =	sshll.u32 s1, $0x11  }
0xbc: {  	s0 =	sor.u32 s1, s0  }
0xbd: {  	s0 =	sadd.s32 $0x8F2B, s0  }
0xbe: {  	[sflag:s0] =	ssyncadd.remote.s32 $0x1  }
0xbf: {  	_ =	sfence.sel $0xFFFF  }
0xc0: {  	[dreg:$0x0] =	wrdreg $0xFFFFFFFF;
	(pc) =	sbr.abs _section_cstart, $3  }
0xc1: {  	[dreg:$0x1] =	wrdreg $0xFFFFFFFF  }
0xc2: {  	_ =	task.clear_ibuf [dreg:s7], $0x2FFFF;
	_ =	strace $0x9FFFFFFF  }
0xc3: {  	(tm) =	ssettm $0x7FFFFFFF  }
tec
execute0_lowered:
.L_overlay_start_1:
0x0: {  	(tag) =	ssettag $0x1  }
0x1: {  	s1 =	rddreg [dreg:$0x0]  }
0x2: {  	s0 =	rddreg [dreg:$0x1]  }
0x3: {  	s3 =	rddreg [dreg:$0x2]  }
0x4: {  	s4 =	simm.s32 $0x0;
	s12 =	stileid.u32;
	s2 =	srdreg.scid  }
0x5: {  	s15 =	simm.s32 $0x13D00;
	s16 =	simm.s32 $0x14080;
	s17 =	simm.s32 $0x13D80  }
0x6: {  	s18 =	simm.s32 $0x14100;
	s19 =	simm.s32 $0x13E00;
	[smem:$0x7FF] =	sst s4  }
0x7: {  	s21 =	simm.s32 $0x14180;
	_ =	strace $0x80000047;
	[dreg:$0x4] =	wrdreg s15  }
0x8: {  	s23 =	simm.s32 $0x13E80;
	s25 =	simm.s32 $0x14200;
	[dreg:$0x5] =	wrdreg s16  }
0x9: {  	s28 =	simm.s32 $0x14800;
	s29 =	simm.s32 $0x1;
	[dreg:$0x6] =	wrdreg s17  }
0xa: {  	s30 =	simm.s32 $0x2;
	s31 =	simm.s32 $0x4;
	[dreg:$0x7] =	wrdreg s18  }
0xb: {  	s7 =	smul.u32 $0x13C00, s12;
	s2 =	sand.u32 $0x1, s2;
	[dreg:$0x8] =	wrdreg s19  }
0xc: {  	s5 =	sadd.s32 $0x3A00, s0;
	s10 =	smul.u32 $0x4F000, s12;
	[dreg:$0x9] =	wrdreg s21  }
0xd: {  	s6 =	sadd.s32 $0xDA00, s0;
	s8 =	smul.u32 $0x13C000, s2;
	[dreg:$0xa] =	wrdreg s23  }
0xe: {  	s26 =	ssub.s32 $0x2, s2;
	s14 =	sshll.u32 s2, $0x4;
	[dreg:$0xb] =	wrdreg s25  }
0xf: {  	s2 =	smul.u32 $0x28000, s2;
	s15 =	simm.s32 $0x14480;
	s16 =	simm.s32 $0x14500  }
0x10: {  	s17 =	simm.s32 $0x14880;
	s18 =	simm.s32 $0x14580;
	[dreg:$0x11] =	wrdreg s15  }
0x11: {  	s19 =	simm.s32 $0x14900;
	s21 =	simm.s32 $0x14980;
	[dreg:$0x12] =	wrdreg s16  }
0x12: {  	s23 =	simm.s32 $0x14A00;
	s25 =	simm.s32 $0x14A80;
	[dreg:$0x13] =	wrdreg s17  }
0x13: {  	s9 =	sshrl.u32 s7, $0x3;
	s11 =	sshrl.u32 s26, $0x1;
	[dreg:$0x14] =	wrdreg s18  }
0x14: {  	s13 =	sshrl.u32 s10, $0x2;
	s10 =	sor.u32 s12, s14;
	[dreg:$0x15] =	wrdreg s19  }
0x15: {  	s14 =	simm.s32 $0x14380;
	s18 =	simm.s32 $0x13C00;
	[dreg:$0x17] =	wrdreg s21  }
0x16: {  	s19 =	simm.s32 $0x6;
	s21 =	simm.s32 $0x80;
	[dreg:$0x19] =	wrdreg s23  }
0x17: {  	s23 =	simm.s32 $0x13C80;
	[dreg:$0x1b] =	wrdreg s25;
	s25 =	simm.s32 $0x5  }
0x18: {  	s7 =	sadd.s32 s7, s8;
	s9 =	sadd.s32 s9, s0;
	s8 =	sadd.s32 s13, s3  }
0x19: {  	s13 =	sshll.u32 s12, $0x6;
	s12 =	smul.u32 $0x2800, s12;
	[dreg:$0x10] =	wrdreg s14  }
0x1a: {  	s7 =	sshrl.u32 s7, $0x3;
	s9 =	sadd.s32 $0x17A00, s9;
	[dreg:$0x1e] =	wrdreg s13  }
0x1b: {  	s20 =	sor.u32 $0x1C05, s13;
	s13 =	simm.s32 $0x14300;
	[dreg:$0x1d] =	wrdreg s9  }
0x1c: {  	s17 =	sshrl.u32 s8, $0x3;
	s0 =	sadd.s32 s7, s0;
	[dreg:$0x1f] =	wrdreg s20  }
0x1d: {  	s7 =	ssub.s32 s26, s11;
	s26 =	simm.s32 $0x13F00;
	[dreg:$0xf] =	wrdreg s13  }
0x1e: {  	s9 =	smul.u32 $0x2800, s10;
	s10 =	simm.s32 $0x14280;
	[dreg:$0xc] =	wrdreg s26  }
0x1f: {  	s2 =	sadd.s32 s12, s2;
	s20 =	simm.s32 $0x14600;
	[dreg:$0xd] =	wrdreg s10  }
0x20: {  	s0 =	sadd.s32 $0x3F200, s0;
	s7 =	smax.u32 s7, $0x1;
	[dreg:$0x16] =	wrdreg s20  }
0x21: {  	s2 =	sor.u32 $0x400, s2;
	s20 =	simm.s32 $0x14000;
	[smem:$0x7FC] =	sst s0  }
0x22: {  	s26 =	simm.s32 $0x14780;
	s10 =	simm.s32 $0x0;
	[smem:$0x7FD] =	sst s7  }
0x23: {  	s22 =	sshrl.u32 s9, $0x3;
	s2 =	sshrl.u32 s2, $0x3;
	[dreg:$0x1c] =	wrdreg s26  }
0x24: {  	s26 =	simm.s32 $0x14400;
	s0 =	simm.s32 $0x3;
	s24 =	sadd.s32 s5, s22  }
0x25: {  	s7 =	simm.s32 $0x14B80;
	s11 =	sadd.s32 s6, s22;
	[smem:$0x7FA] =	sst s24  }
0x26: {  	s15 =	sadd.s32 s2, s6;
	s22 =	simm.s32 $0x14680;
	[smem:$0x7FB] =	sst s11  }
0x27: {  	s16 =	sadd.s32 s2, s5;
	s11 =	simm.s32 $0x13F80;
	[dreg:$0x18] =	wrdreg s22  }
0x28: {  	s2 =	simm.s32 $0x14B00;
	s24 =	simm.s32 $0x14700;
	[dreg:$0xe] =	wrdreg s11  }
0x29: {  	s22 =	simm.s32 $0x14C00;
	[dreg:$0x1a] =	wrdreg s24;
	s24 =	simm.s32 $0x18C00  }
.LBB2_1:
0x2a: {  	s8 =	rddreg [dreg:$0x1d]  }
0x2b: {  	s11 =	rddreg [dreg:$0x1f]  }
0x2c: {  	[spmem:s17], [sflag:s11] =	dma.local [hbm:s8], $0x2780  }
0x2d: {  	s8 =	sld [smem:$0x7FA];
	_ =	sdelay $0x2  }
0x2e: {  	[tilespmem:s18], [sflag:$0x6] =	stream.linear.gather [hbm4b:s8+s4], $0x400, $0x38;
	[tilespmem:$0x1CC00] =	vst v63  }
0x2f: {  	_ =	swait.ge [sflag:s19], $0x400  }
0x30: {  	s11 =	sld [smem:$0x7FB]  }
0x31: {  	[sflag:s19] =	ssyncset.done $0x0  }
0x32: {  	[sflag:s19] =	ssyncadd.s32 $0xFFFFFC00  }
0x33: {  	[tilespmem:s20], [sflag:$0x6] =	stream.linear.gather [hbm4b:s11+s4], $0x400, $0x38;
	[tilespmem:$0x1CC00] =	vst v63  }
0x34: {  	_ =	swait.ge [sflag:s19], $0x400  }
0x35: {  	[sflag:s19] =	ssyncset.done $0x0  }
0x36: {  	[sflag:s19] =	ssyncadd.s32 $0xFFFFFC00  }
0x37: {  	[tilespmem:s22], [sflag:$0x1] =	stream.indirect.gather [hbm4b:s1+s21], $0x80, s18, s21, $0xb8;
	[tilespmem:$0x1CC00] =	vst v63  }
0x38: {  	_ = 	snop  }
0x39: {  	[tilespmem:s24], [sflag:$0x2] =	stream.indirect.gather [hbm4b:s1+s21], $0x80, s23, s21, $0xb8;
	[tilespmem:$0x1CC00] =	vst v63  }
0x3a: {  	_ =	swait.ge [sflag:s25], $0x2780  }
0x3b: {  	[sflag:s25] =	ssyncset.done $0x0  }
0x3c: {  	[sflag:s25] =	ssyncadd.s32 $0xFFFFD880  }
0x3d: {  	[bflag:$0x0] =	sbarrier.arrive $0xFFFF  }
0x3e: {  	[tilespmem:s26], [sflag:$0x4] =	stream.linear.gather [hbm4b:s16+s4], $0x400, $0x38;
	[tilespmem:$0x1CC00] =	vst v63  }
0x3f: {  	_ = 	snop  }
0x40: {  	[tilespmem:s28], [sflag:$0x4] =	stream.linear.gather [hbm4b:s15+s4], $0x400, $0x38;
	[tilespmem:$0x1CC00] =	vst v63  }
0x41: {  	_ =	swait.ge [sflag:s29], $0x4000  }
0x42: {  	[sflag:s29] =	ssyncset.done $0x0  }
0x43: {  	[sflag:s29] =	ssyncadd.s32 $0xFFFFC000  }
0x44: {  	[spmem:s3] =	stream.indirect.scatter.add.f32 [tilespmem:s22], [sflag:$0x6], $0x80, s20, s21, $0xb8;
	[tilespmem:$0x1CC00] =	vst v63  }
0x45: {  	_ =	swait.ge [sflag:s19], $0x4000  }
0x46: {  	[sflag:s19] =	ssyncset.done $0x0  }
0x47: {  	s12 =	rddreg [dreg:$0x4];
	[sflag:s19] =	ssyncadd.s32 $0xFFFFC000  }
0x48: {  	[tilespmem:s22], [sflag:$0x1] =	stream.indirect.gather [hbm4b:s1+s21], $0x80, s12, s21, $0xb8;
	[tilespmem:$0x1CC00] =	vst v63  }
0x49: {  	_ =	swait.ge [sflag:s30], $0x4000  }
0x4a: {  	[sflag:s30] =	ssyncset.done $0x0  }
0x4b: {  	s13 =	rddreg [dreg:$0x5];
	[sflag:s30] =	ssyncadd.s32 $0xFFFFC000  }
0x4c: {  	[spmem:s3] =	stream.indirect.scatter.add.f32 [tilespmem:s24], [sflag:$0x6], $0x80, s13, s21, $0xb8;
	[tilespmem:$0x1CC00] =	vst v63  }
0x4d: {  	_ =	swait.ge [sflag:s19], $0x4000  }
0x4e: {  	[sflag:s19] =	ssyncset.done $0x0  }
0x4f: {  	s14 =	rddreg [dreg:$0x6];
	[sflag:s19] =	ssyncadd.s32 $0xFFFFC000  }
0x50: {  	[tilespmem:s24], [sflag:$0x2] =	stream.indirect.gather [hbm4b:s1+s21], $0x80, s14, s21, $0xb8;
	[tilespmem:$0x1CC00] =	vst v63  }
0x51: {  	_ =	swait.ge [sflag:s29], $0x4000  }
0x52: {  	[sflag:s29] =	ssyncset.done $0x0  }
0x53: {  	s11 =	rddreg [dreg:$0x7];
	[sflag:s29] =	ssyncadd.s32 $0xFFFFC000  }
0x54: {  	[spmem:s3] =	stream.indirect.scatter.add.f32 [tilespmem:s22], [sflag:$0x6], $0x80, s11, s21, $0xb8;
	[tilespmem:$0x1CC00] =	vst v63  }
0x55: {  	_ =	swait.ge [sflag:s19], $0x4000  }
0x56: {  	[sflag:s19] =	ssyncset.done $0x0  }
0x57: {  	s12 =	rddreg [dreg:$0x8];
	[sflag:s19] =	ssyncadd.s32 $0xFFFFC000  }
0x58: {  	[tilespmem:s22], [sflag:$0x1] =	stream.indirect.gather [hbm4b:s1+s21], $0x80, s12, s21, $0xb8;
	[tilespmem:$0x1CC00] =	vst v63  }
0x59: {  	_ =	swait.ge [sflag:s30], $0x4000  }
0x5a: {  	[sflag:s30] =	ssyncset.done $0x0  }
0x5b: {  	s13 =	rddreg [dreg:$0x9];
	[sflag:s30] =	ssyncadd.s32 $0xFFFFC000  }
0x5c: {  	[spmem:s3] =	stream.indirect.scatter.add.f32 [tilespmem:s24], [sflag:$0x6], $0x80, s13, s21, $0xb8;
	[tilespmem:$0x1CC00] =	vst v63  }
0x5d: {  	_ =	swait.ge [sflag:s19], $0x4000  }
0x5e: {  	[sflag:s19] =	ssyncset.done $0x0  }
0x5f: {  	s14 =	rddreg [dreg:$0xa];
	[sflag:s19] =	ssyncadd.s32 $0xFFFFC000  }
0x60: {  	[tilespmem:s24], [sflag:$0x2] =	stream.indirect.gather [hbm4b:s1+s21], $0x80, s14, s21, $0xb8;
	[tilespmem:$0x1CC00] =	vst v63  }
0x61: {  	_ =	swait.ge [sflag:s29], $0x4000  }
0x62: {  	[sflag:s29] =	ssyncset.done $0x0  }
0x63: {  	s11 =	rddreg [dreg:$0xb];
	[sflag:s29] =	ssyncadd.s32 $0xFFFFC000  }
0x64: {  	[spmem:s3] =	stream.indirect.scatter.add.f32 [tilespmem:s22], [sflag:$0x6], $0x80, s11, s21, $0xb8;
	[tilespmem:$0x1CC00] =	vst v63  }
0x65: {  	_ =	swait.ge [sflag:s19], $0x4000  }
0x66: {  	[sflag:s19] =	ssyncset.done $0x0  }
0x67: {  	s12 =	rddreg [dreg:$0xc];
	[sflag:s19] =	ssyncadd.s32 $0xFFFFC000  }
0x68: {  	[tilespmem:s22], [sflag:$0x1] =	stream.indirect.gather [hbm4b:s1+s21], $0x80, s12, s21, $0xb8;
	[tilespmem:$0x1CC00] =	vst v63  }
0x69: {  	_ =	swait.ge [sflag:s30], $0x4000  }
0x6a: {  	[sflag:s30] =	ssyncset.done $0x0  }
0x6b: {  	s13 =	rddreg [dreg:$0xd];
	[sflag:s30] =	ssyncadd.s32 $0xFFFFC000  }
0x6c: {  	[spmem:s3] =	stream.indirect.scatter.add.f32 [tilespmem:s24], [sflag:$0x6], $0x80, s13, s21, $0xb8;
	[tilespmem:$0x1CC00] =	vst v63  }
0x6d: {  	_ =	swait.ge [sflag:s19], $0x4000  }
0x6e: {  	[sflag:s19] =	ssyncset.done $0x0  }
0x6f: {  	s14 =	rddreg [dreg:$0xe];
	[sflag:s19] =	ssyncadd.s32 $0xFFFFC000  }
0x70: {  	[tilespmem:s24], [sflag:$0x2] =	stream.indirect.gather [hbm4b:s1+s21], $0x80, s14, s21, $0xb8;
	[tilespmem:$0x1CC00] =	vst v63  }
0x71: {  	_ =	swait.ge [sflag:s31], $0x400  }
0x72: {  	[sflag:s31] =	ssyncset.done $0x0  }
0x73: {  	[sflag:s31] =	ssyncadd.s32 $0xFFFFFC00  }
0x74: {  	_ =	swait.ge [sflag:s31], $0x400  }
0x75: {  	[sflag:s31] =	ssyncset.done $0x0  }
0x76: {  	[sflag:s31] =	ssyncadd.s32 $0xFFFFFC00  }
0x77: {  	_ =	swait.ge [sflag:s29], $0x4000  }
0x78: {  	[sflag:s29] =	ssyncset.done $0x0  }
0x79: {  	s11 =	rddreg [dreg:$0xf];
	[sflag:s29] =	ssyncadd.s32 $0xFFFFC000  }
0x7a: {  	[spmem:s3] =	stream.indirect.scatter.add.f32 [tilespmem:s22], [sflag:$0x6], $0x80, s11, s21, $0xb8;
	[tilespmem:$0x1CC00] =	vst v63  }
0x7b: {  	_ =	swait.ge [sflag:s19], $0x4000  }
0x7c: {  	[sflag:s19] =	ssyncset.done $0x0  }
0x7d: {  	[sflag:s19] =	ssyncadd.s32 $0xFFFFC000  }
0x7e: {  	[tilespmem:s22], [sflag:$0x1] =	stream.indirect.gather [hbm4b:s1+s21], $0x80, s26, s21, $0xb8;
	[tilespmem:$0x1CC00] =	vst v63  }
0x7f: {  	_ =	swait.ge [sflag:s30], $0x4000  }
0x80: {  	p0 =	por $0x0, $0x0;
	[sflag:s30] =	ssyncset.done $0x0  }
0x81: {  	s8 =	simm.s32 $0x800;
	s12 =	rddreg [dreg:$0x10];
	[sflag:s30] =	ssyncadd.s32 $0xFFFFC000  }
0x82: {  	[spmem:s3] =	stream.indirect.scatter.add.f32 [tilespmem:s24], [sflag:$0x6], $0x80, s12, s21, $0xb8;
	[tilespmem:$0x1CC00] =	vst v63  }
0x83: {  	s8 =	simm.s32 @p0 $0x0;
	_ =	swait.ge [sflag:s19], $0x4000  }
0x84: {  	s8 =	sadd.s32 s9, s8;
	[sflag:s19] =	ssyncset.done $0x0  }
0x85: {  	s8 =	sshrl.u32 s8, $0x3;
	s13 =	rddreg [dreg:$0x11];
	[sflag:s19] =	ssyncadd.s32 $0xFFFFC000  }
0x86: {  	[tilespmem:s24], [sflag:$0x2] =	stream.indirect.gather [hbm4b:s1+s21], $0x80, s13, s21, $0xb8;
	[tilespmem:$0x1CC00] =	vst v63  }
0x87: {  	s14 =	sadd.s32 s5, s8  }
0x88: {  	[tilespmem:s18], [sflag:$0x3] =	stream.linear.gather [hbm4b:s14+s4], $0x400, $0x38;
	[tilespmem:$0x1CC00] =	vst v63  }
0x89: {  	s8 =	sadd.s32 s6, s8  }
0x8a: {  	[tilespmem:s20], [sflag:$0x3] =	stream.linear.gather [hbm4b:s8+s4], $0x400, $0x38;
	[tilespmem:$0x1CC00] =	vst v63  }
0x8b: {  	_ =	swait.ge [sflag:s29], $0x4000  }
0x8c: {  	[sflag:s29] =	ssyncset.done $0x0  }
0x8d: {  	[sflag:s29] =	ssyncadd.s32 $0xFFFFC000  }
0x8e: {  	[spmem:s3] =	stream.indirect.scatter.add.f32 [tilespmem:s22], [sflag:$0x6], $0x80, s28, s21, $0xb8;
	[tilespmem:$0x1CC00] =	vst v63  }
0x8f: {  	_ =	swait.ge [sflag:s19], $0x4000  }
0x90: {  	[sflag:s19] =	ssyncset.done $0x0  }
0x91: {  	s12 =	rddreg [dreg:$0x12];
	[sflag:s19] =	ssyncadd.s32 $0xFFFFC000  }
0x92: {  	[tilespmem:s22], [sflag:$0x1] =	stream.indirect.gather [hbm4b:s1+s21], $0x80, s12, s21, $0xb8;
	[tilespmem:$0x1CC00] =	vst v63  }
0x93: {  	_ =	swait.ge [sflag:s30], $0x4000  }
0x94: {  	[sflag:s30] =	ssyncset.done $0x0  }
0x95: {  	s13 =	rddreg [dreg:$0x13];
	[sflag:s30] =	ssyncadd.s32 $0xFFFFC000  }
0x96: {  	[spmem:s3] =	stream.indirect.scatter.add.f32 [tilespmem:s24], [sflag:$0x6], $0x80, s13, s21, $0xb8;
	[tilespmem:$0x1CC00] =	vst v63  }
0x97: {  	_ =	swait.ge [sflag:s19], $0x4000  }
0x98: {  	[sflag:s19] =	ssyncset.done $0x0  }
0x99: {  	s14 =	rddreg [dreg:$0x14];
	[sflag:s19] =	ssyncadd.s32 $0xFFFFC000  }
0x9a: {  	[tilespmem:s24], [sflag:$0x2] =	stream.indirect.gather [hbm4b:s1+s21], $0x80, s14, s21, $0xb8;
	[tilespmem:$0x1CC00] =	vst v63  }
0x9b: {  	_ =	swait.ge [sflag:s29], $0x4000  }
0x9c: {  	[sflag:s29] =	ssyncset.done $0x0  }
0x9d: {  	s11 =	rddreg [dreg:$0x15];
	[sflag:s29] =	ssyncadd.s32 $0xFFFFC000  }
0x9e: {  	[spmem:s3] =	stream.indirect.scatter.add.f32 [tilespmem:s22], [sflag:$0x6], $0x80, s11, s21, $0xb8;
	[tilespmem:$0x1CC00] =	vst v63  }
0x9f: {  	_ =	swait.ge [sflag:s19], $0x4000  }
0xa0: {  	[sflag:s19] =	ssyncset.done $0x0  }
0xa1: {  	s12 =	rddreg [dreg:$0x16];
	[sflag:s19] =	ssyncadd.s32 $0xFFFFC000  }
0xa2: {  	[tilespmem:s22], [sflag:$0x1] =	stream.indirect.gather [hbm4b:s1+s21], $0x80, s12, s21, $0xb8;
	[tilespmem:$0x1CC00] =	vst v63  }
0xa3: {  	_ =	swait.ge [sflag:s30], $0x4000  }
0xa4: {  	[sflag:s30] =	ssyncset.done $0x0  }
0xa5: {  	s13 =	rddreg [dreg:$0x17];
	[sflag:s30] =	ssyncadd.s32 $0xFFFFC000  }
0xa6: {  	[spmem:s3] =	stream.indirect.scatter.add.f32 [tilespmem:s24], [sflag:$0x6], $0x80, s13, s21, $0xb8;
	[tilespmem:$0x1CC00] =	vst v63  }
0xa7: {  	_ =	swait.ge [sflag:s19], $0x4000  }
0xa8: {  	[sflag:s19] =	ssyncset.done $0x0  }
0xa9: {  	s14 =	rddreg [dreg:$0x18];
	[sflag:s19] =	ssyncadd.s32 $0xFFFFC000  }
0xaa: {  	[tilespmem:s24], [sflag:$0x2] =	stream.indirect.gather [hbm4b:s1+s21], $0x80, s14, s21, $0xb8;
	[tilespmem:$0x1CC00] =	vst v63  }
0xab: {  	_ =	swait.ge [sflag:s29], $0x4000  }
0xac: {  	[sflag:s29] =	ssyncset.done $0x0  }
0xad: {  	s11 =	rddreg [dreg:$0x19];
	[sflag:s29] =	ssyncadd.s32 $0xFFFFC000  }
0xae: {  	[spmem:s3] =	stream.indirect.scatter.add.f32 [tilespmem:s22], [sflag:$0x6], $0x80, s11, s21, $0xb8;
	[tilespmem:$0x1CC00] =	vst v63  }
0xaf: {  	_ =	swait.ge [sflag:s19], $0x4000  }
0xb0: {  	[sflag:s19] =	ssyncset.done $0x0  }
0xb1: {  	s12 =	rddreg [dreg:$0x1a];
	[sflag:s19] =	ssyncadd.s32 $0xFFFFC000  }
0xb2: {  	[tilespmem:s22], [sflag:$0x1] =	stream.indirect.gather [hbm4b:s1+s21], $0x80, s12, s21, $0xb8;
	[tilespmem:$0x1CC00] =	vst v63  }
0xb3: {  	_ =	swait.ge [sflag:s30], $0x4000  }
0xb4: {  	[sflag:s30] =	ssyncset.done $0x0  }
0xb5: {  	s13 =	rddreg [dreg:$0x1b];
	[sflag:s30] =	ssyncadd.s32 $0xFFFFC000  }
0xb6: {  	[spmem:s3] =	stream.indirect.scatter.add.f32 [tilespmem:s24], [sflag:$0x6], $0x80, s13, s21, $0xb8;
	[tilespmem:$0x1CC00] =	vst v63  }
0xb7: {  	_ =	swait.ge [sflag:s19], $0x4000  }
0xb8: {  	[sflag:s19] =	ssyncset.done $0x0  }
0xb9: {  	s14 =	rddreg [dreg:$0x1c];
	[sflag:s19] =	ssyncadd.s32 $0xFFFFC000  }
0xba: {  	[tilespmem:s24], [sflag:$0x2] =	stream.indirect.gather [hbm4b:s1+s21], $0x80, s14, s21, $0xb8;
	[tilespmem:$0x1CC00] =	vst v63  }
0xbb: {  	_ =	swait.ge [sflag:s0], $0x400  }
0xbc: {  	[sflag:s0] =	ssyncset.done $0x0  }
0xbd: {  	[sflag:s0] =	ssyncadd.s32 $0xFFFFFC00  }
0xbe: {  	_ =	swait.ge [sflag:s0], $0x400  }
0xbf: {  	[sflag:s0] =	ssyncset.done $0x0  }
0xc0: {  	[sflag:s0] =	ssyncadd.s32 $0xFFFFFC00  }
0xc1: {  	_ =	swait.ge [sflag:s29], $0x4000  }
0xc2: {  	[sflag:s29] =	ssyncset.done $0x0  }
0xc3: {  	[sflag:s29] =	ssyncadd.s32 $0xFFFFC000  }
0xc4: {  	[spmem:s3] =	stream.indirect.scatter.add.f32 [tilespmem:s22], [sflag:$0x6], $0x80, s2, s21, $0xb8;
	[tilespmem:$0x1CC00] =	vst v63  }
0xc5: {  	_ =	swait.ge [sflag:s19], $0x4000  }
0xc6: {  	[sflag:s19] =	ssyncset.done $0x0  }
0xc7: {  	[sflag:s19] =	ssyncadd.s32 $0xFFFFC000  }
0xc8: {  	[tilespmem:s22], [sflag:$0x1] =	stream.indirect.gather [hbm4b:s1+s21], $0x80, s18, s21, $0xb8;
	[tilespmem:$0x1CC00] =	vst v63  }
0xc9: {  	_ =	swait.ge [sflag:s30], $0x4000  }
0xca: {  	[sflag:s30] =	ssyncset.done $0x0  }
0xcb: {  	[sflag:s30] =	ssyncadd.s32 $0xFFFFC000  }
0xcc: {  	[spmem:s3] =	stream.indirect.scatter.add.f32 [tilespmem:s24], [sflag:$0x6], $0x80, s7, s21, $0xb8;
	[tilespmem:$0x1CC00] =	vst v63  }
0xcd: {  	s11 =	simm.s32 $0x1000;
	_ =	swait.ge [sflag:s19], $0x4000  }
0xce: {  	s12 =	sadd.s32 $0x100, s15;
	s13 =	sadd.s32 $0x100, s16;
	[sflag:s19] =	ssyncset.done $0x0  }
.LBB2_2:
0xcf: {  	[sflag:s19] =	ssyncadd.s32 $0xFFFFC000  }
0xd0: {  	[tilespmem:s24], [sflag:$0x2] =	stream.indirect.gather [hbm4b:s1+s21], $0x80, s23, s21, $0xb8;
	[tilespmem:$0x1CC00] =	vst v63  }
0xd1: {  	_ = 	snop  }
0xd2: {  	[tilespmem:s26], [sflag:$0x4] =	stream.linear.gather [hbm4b:s13+s4], $0x400, $0x38;
	[tilespmem:$0x1CC00] =	vst v63  }
0xd3: {  	_ = 	snop  }
0xd4: {  	[tilespmem:s28], [sflag:$0x4] =	stream.linear.gather [hbm4b:s12+s4], $0x400, $0x38;
	[tilespmem:$0x1CC00] =	vst v63  }
0xd5: {  	_ =	swait.ge [sflag:s29], $0x4000  }
0xd6: {  	[sflag:s29] =	ssyncset.done $0x0  }
0xd7: {  	[sflag:s29] =	ssyncadd.s32 $0xFFFFC000  }
0xd8: {  	[spmem:s3] =	stream.indirect.scatter.add.f32 [tilespmem:s22], [sflag:$0x6], $0x80, s20, s21, $0xb8;
	[tilespmem:$0x1CC00] =	vst v63  }
0xd9: {  	_ =	swait.ge [sflag:s19], $0x4000  }
0xda: {  	[sflag:s19] =	ssyncset.done $0x0  }
0xdb: {  	s14 =	rddreg [dreg:$0x4];
	[sflag:s19] =	ssyncadd.s32 $0xFFFFC000  }
0xdc: {  	[tilespmem:s22], [sflag:$0x1] =	stream.indirect.gather [hbm4b:s1+s21], $0x80, s14, s21, $0xb8;
	[tilespmem:$0x1CC00] =	vst v63  }
0xdd: {  	_ =	swait.ge [sflag:s30], $0x4000  }
0xde: {  	[sflag:s30] =	ssyncset.done $0x0  }
0xdf: {  	s14 =	rddreg [dreg:$0x5];
	[sflag:s30] =	ssyncadd.s32 $0xFFFFC000  }
0xe0: {  	[spmem:s3] =	stream.indirect.scatter.add.f32 [tilespmem:s24], [sflag:$0x6], $0x80, s14, s21, $0xb8;
	[tilespmem:$0x1CC00] =	vst v63  }
0xe1: {  	_ =	swait.ge [sflag:s19], $0x4000  }
0xe2: {  	[sflag:s19] =	ssyncset.done $0x0  }
0xe3: {  	s14 =	rddreg [dreg:$0x6];
	[sflag:s19] =	ssyncadd.s32 $0xFFFFC000  }
0xe4: {  	[tilespmem:s24], [sflag:$0x2] =	stream.indirect.gather [hbm4b:s1+s21], $0x80, s14, s21, $0xb8;
	[tilespmem:$0x1CC00] =	vst v63  }
0xe5: {  	_ =	swait.ge [sflag:s29], $0x4000  }
0xe6: {  	[sflag:s29] =	ssyncset.done $0x0  }
0xe7: {  	s14 =	rddreg [dreg:$0x7];
	[sflag:s29] =	ssyncadd.s32 $0xFFFFC000  }
0xe8: {  	[spmem:s3] =	stream.indirect.scatter.add.f32 [tilespmem:s22], [sflag:$0x6], $0x80, s14, s21, $0xb8;
	[tilespmem:$0x1CC00] =	vst v63  }
0xe9: {  	_ =	swait.ge [sflag:s19], $0x4000  }
0xea: {  	[sflag:s19] =	ssyncset.done $0x0  }
0xeb: {  	s14 =	rddreg [dreg:$0x8];
	[sflag:s19] =	ssyncadd.s32 $0xFFFFC000  }
0xec: {  	[tilespmem:s22], [sflag:$0x1] =	stream.indirect.gather [hbm4b:s1+s21], $0x80, s14, s21, $0xb8;
	[tilespmem:$0x1CC00] =	vst v63  }
0xed: {  	_ =	swait.ge [sflag:s30], $0x4000  }
0xee: {  	[sflag:s30] =	ssyncset.done $0x0  }
0xef: {  	s14 =	rddreg [dreg:$0x9];
	[sflag:s30] =	ssyncadd.s32 $0xFFFFC000  }
0xf0: {  	[spmem:s3] =	stream.indirect.scatter.add.f32 [tilespmem:s24], [sflag:$0x6], $0x80, s14, s21, $0xb8;
	[tilespmem:$0x1CC00] =	vst v63  }
0xf1: {  	_ =	swait.ge [sflag:s19], $0x4000  }
0xf2: {  	[sflag:s19] =	ssyncset.done $0x0  }
0xf3: {  	s14 =	rddreg [dreg:$0xa];
	[sflag:s19] =	ssyncadd.s32 $0xFFFFC000  }
0xf4: {  	[tilespmem:s24], [sflag:$0x2] =	stream.indirect.gather [hbm4b:s1+s21], $0x80, s14, s21, $0xb8;
	[tilespmem:$0x1CC00] =	vst v63  }
0xf5: {  	_ =	swait.ge [sflag:s29], $0x4000  }
0xf6: {  	[sflag:s29] =	ssyncset.done $0x0  }
0xf7: {  	s14 =	rddreg [dreg:$0xb];
	[sflag:s29] =	ssyncadd.s32 $0xFFFFC000  }
0xf8: {  	[spmem:s3] =	stream.indirect.scatter.add.f32 [tilespmem:s22], [sflag:$0x6], $0x80, s14, s21, $0xb8;
	[tilespmem:$0x1CC00] =	vst v63  }
0xf9: {  	_ =	swait.ge [sflag:s19], $0x4000  }
0xfa: {  	[sflag:s19] =	ssyncset.done $0x0  }
0xfb: {  	s14 =	rddreg [dreg:$0xc];
	[sflag:s19] =	ssyncadd.s32 $0xFFFFC000  }
0xfc: {  	[tilespmem:s22], [sflag:$0x1] =	stream.indirect.gather [hbm4b:s1+s21], $0x80, s14, s21, $0xb8;
	[tilespmem:$0x1CC00] =	vst v63  }
0xfd: {  	_ =	swait.ge [sflag:s30], $0x4000  }
0xfe: {  	[sflag:s30] =	ssyncset.done $0x0  }
0xff: {  	s14 =	rddreg [dreg:$0xd];
	[sflag:s30] =	ssyncadd.s32 $0xFFFFC000  }
0x100: {  	[spmem:s3] =	stream.indirect.scatter.add.f32 [tilespmem:s24], [sflag:$0x6], $0x80, s14, s21, $0xb8;
	[tilespmem:$0x1CC00] =	vst v63  }
0x101: {  	_ =	swait.ge [sflag:s19], $0x4000  }
0x102: {  	[sflag:s19] =	ssyncset.done $0x0  }
0x103: {  	s14 =	rddreg [dreg:$0xe];
	[sflag:s19] =	ssyncadd.s32 $0xFFFFC000  }
0x104: {  	[tilespmem:s24], [sflag:$0x2] =	stream.indirect.gather [hbm4b:s1+s21], $0x80, s14, s21, $0xb8;
	[tilespmem:$0x1CC00] =	vst v63  }
0x105: {  	_ =	swait.ge [sflag:s31], $0x400  }
0x106: {  	[sflag:s31] =	ssyncset.done $0x0  }
0x107: {  	[sflag:s31] =	ssyncadd.s32 $0xFFFFFC00  }
0x108: {  	_ =	swait.ge [sflag:s31], $0x400  }
0x109: {  	[sflag:s31] =	ssyncset.done $0x0  }
0x10a: {  	[sflag:s31] =	ssyncadd.s32 $0xFFFFFC00  }
0x10b: {  	_ =	swait.ge [sflag:s29], $0x4000  }
0x10c: {  	[sflag:s29] =	ssyncset.done $0x0  }
0x10d: {  	s14 =	rddreg [dreg:$0xf];
	[sflag:s29] =	ssyncadd.s32 $0xFFFFC000  }
0x10e: {  	[spmem:s3] =	stream.indirect.scatter.add.f32 [tilespmem:s22], [sflag:$0x6], $0x80, s14, s21, $0xb8;
	[tilespmem:$0x1CC00] =	vst v63  }
0x10f: {  	_ =	swait.ge [sflag:s19], $0x4000  }
0x110: {  	[sflag:s19] =	ssyncset.done $0x0  }
0x111: {  	[sflag:s19] =	ssyncadd.s32 $0xFFFFC000  }
0x112: {  	[tilespmem:s22], [sflag:$0x1] =	stream.indirect.gather [hbm4b:s1+s21], $0x80, s26, s21, $0xb8;
	[tilespmem:$0x1CC00] =	vst v63  }
0x113: {  	_ =	swait.ge [sflag:s30], $0x4000  }
0x114: {  	s8 =	smov.u32 s11;
	[sflag:s30] =	ssyncset.done $0x0  }
0x115: {  	p1 =	seq.s32 s8, $0x2800;
	s14 =	rddreg [dreg:$0x10];
	[sflag:s30] =	ssyncadd.s32 $0xFFFFC000  }
0x116: {  	[spmem:s3] =	stream.indirect.scatter.add.f32 [tilespmem:s24], [sflag:$0x6], $0x80, s14, s21, $0xb8;
	[tilespmem:$0x1CC00] =	vst v63  }
0x117: {  	s8 =	simm.s32 @p1 $0x0;
	_ =	swait.ge [sflag:s19], $0x4000  }
0x118: {  	s8 =	sadd.s32 s9, s8;
	[sflag:s19] =	ssyncset.done $0x0  }
0x119: {  	s8 =	sshrl.u32 s8, $0x3;
	s14 =	rddreg [dreg:$0x11];
	[sflag:s19] =	ssyncadd.s32 $0xFFFFC000  }
0x11a: {  	[tilespmem:s24], [sflag:$0x2] =	stream.indirect.gather [hbm4b:s1+s21], $0x80, s14, s21, $0xb8;
	[tilespmem:$0x1CC00] =	vst v63  }
0x11b: {  	s14 =	sadd.s32 s5, s8  }
0x11c: {  	[tilespmem:s18], [sflag:$0x3] =	stream.linear.gather [hbm4b:s14+s4], $0x400, $0x38;
	[tilespmem:$0x1CC00] =	vst v63  }
0x11d: {  	s8 =	sadd.s32 s6, s8  }
0x11e: {  	[tilespmem:s20], [sflag:$0x3] =	stream.linear.gather [hbm4b:s8+s4], $0x400, $0x38;
	[tilespmem:$0x1CC00] =	vst v63  }
0x11f: {  	_ =	swait.ge [sflag:s29], $0x4000  }
0x120: {  	[sflag:s29] =	ssyncset.done $0x0  }
0x121: {  	[sflag:s29] =	ssyncadd.s32 $0xFFFFC000  }
0x122: {  	[spmem:s3] =	stream.indirect.scatter.add.f32 [tilespmem:s22], [sflag:$0x6], $0x80, s28, s21, $0xb8;
	[tilespmem:$0x1CC00] =	vst v63  }
0x123: {  	_ =	swait.ge [sflag:s19], $0x4000  }
0x124: {  	[sflag:s19] =	ssyncset.done $0x0  }
0x125: {  	s14 =	rddreg [dreg:$0x12];
	[sflag:s19] =	ssyncadd.s32 $0xFFFFC000  }
0x126: {  	[tilespmem:s22], [sflag:$0x1] =	stream.indirect.gather [hbm4b:s1+s21], $0x80, s14, s21, $0xb8;
	[tilespmem:$0x1CC00] =	vst v63  }
0x127: {  	_ =	swait.ge [sflag:s30], $0x4000  }
0x128: {  	[sflag:s30] =	ssyncset.done $0x0  }
0x129: {  	s14 =	rddreg [dreg:$0x13];
	[sflag:s30] =	ssyncadd.s32 $0xFFFFC000  }
0x12a: {  	[spmem:s3] =	stream.indirect.scatter.add.f32 [tilespmem:s24], [sflag:$0x6], $0x80, s14, s21, $0xb8;
	[tilespmem:$0x1CC00] =	vst v63  }
0x12b: {  	_ =	swait.ge [sflag:s19], $0x4000  }
0x12c: {  	[sflag:s19] =	ssyncset.done $0x0  }
0x12d: {  	s14 =	rddreg [dreg:$0x14];
	[sflag:s19] =	ssyncadd.s32 $0xFFFFC000  }
0x12e: {  	[tilespmem:s24], [sflag:$0x2] =	stream.indirect.gather [hbm4b:s1+s21], $0x80, s14, s21, $0xb8;
	[tilespmem:$0x1CC00] =	vst v63  }
0x12f: {  	_ =	swait.ge [sflag:s29], $0x4000  }
0x130: {  	[sflag:s29] =	ssyncset.done $0x0  }
0x131: {  	s14 =	rddreg [dreg:$0x15];
	[sflag:s29] =	ssyncadd.s32 $0xFFFFC000  }
0x132: {  	[spmem:s3] =	stream.indirect.scatter.add.f32 [tilespmem:s22], [sflag:$0x6], $0x80, s14, s21, $0xb8;
	[tilespmem:$0x1CC00] =	vst v63  }
0x133: {  	_ =	swait.ge [sflag:s19], $0x4000  }
0x134: {  	[sflag:s19] =	ssyncset.done $0x0  }
0x135: {  	s14 =	rddreg [dreg:$0x16];
	[sflag:s19] =	ssyncadd.s32 $0xFFFFC000  }
0x136: {  	[tilespmem:s22], [sflag:$0x1] =	stream.indirect.gather [hbm4b:s1+s21], $0x80, s14, s21, $0xb8;
	[tilespmem:$0x1CC00] =	vst v63  }
0x137: {  	_ =	swait.ge [sflag:s30], $0x4000  }
0x138: {  	[sflag:s30] =	ssyncset.done $0x0  }
0x139: {  	s14 =	rddreg [dreg:$0x17];
	[sflag:s30] =	ssyncadd.s32 $0xFFFFC000  }
0x13a: {  	[spmem:s3] =	stream.indirect.scatter.add.f32 [tilespmem:s24], [sflag:$0x6], $0x80, s14, s21, $0xb8;
	[tilespmem:$0x1CC00] =	vst v63  }
0x13b: {  	_ =	swait.ge [sflag:s19], $0x4000  }
0x13c: {  	[sflag:s19] =	ssyncset.done $0x0  }
0x13d: {  	s14 =	rddreg [dreg:$0x18];
	[sflag:s19] =	ssyncadd.s32 $0xFFFFC000  }
0x13e: {  	[tilespmem:s24], [sflag:$0x2] =	stream.indirect.gather [hbm4b:s1+s21], $0x80, s14, s21, $0xb8;
	[tilespmem:$0x1CC00] =	vst v63  }
0x13f: {  	_ =	swait.ge [sflag:s29], $0x4000  }
0x140: {  	[sflag:s29] =	ssyncset.done $0x0  }
0x141: {  	s14 =	rddreg [dreg:$0x19];
	[sflag:s29] =	ssyncadd.s32 $0xFFFFC000  }
0x142: {  	[spmem:s3] =	stream.indirect.scatter.add.f32 [tilespmem:s22], [sflag:$0x6], $0x80, s14, s21, $0xb8;
	[tilespmem:$0x1CC00] =	vst v63  }
0x143: {  	_ =	swait.ge [sflag:s19], $0x4000  }
0x144: {  	[sflag:s19] =	ssyncset.done $0x0  }
0x145: {  	s14 =	rddreg [dreg:$0x1a];
	[sflag:s19] =	ssyncadd.s32 $0xFFFFC000  }
0x146: {  	[tilespmem:s22], [sflag:$0x1] =	stream.indirect.gather [hbm4b:s1+s21], $0x80, s14, s21, $0xb8;
	[tilespmem:$0x1CC00] =	vst v63  }
0x147: {  	_ =	swait.ge [sflag:s30], $0x4000  }
0x148: {  	[sflag:s30] =	ssyncset.done $0x0  }
0x149: {  	s14 =	rddreg [dreg:$0x1b];
	[sflag:s30] =	ssyncadd.s32 $0xFFFFC000  }
0x14a: {  	[spmem:s3] =	stream.indirect.scatter.add.f32 [tilespmem:s24], [sflag:$0x6], $0x80, s14, s21, $0xb8;
	[tilespmem:$0x1CC00] =	vst v63  }
0x14b: {  	_ =	swait.ge [sflag:s19], $0x4000  }
0x14c: {  	[sflag:s19] =	ssyncset.done $0x0  }
0x14d: {  	s14 =	rddreg [dreg:$0x1c];
	[sflag:s19] =	ssyncadd.s32 $0xFFFFC000  }
0x14e: {  	[tilespmem:s24], [sflag:$0x2] =	stream.indirect.gather [hbm4b:s1+s21], $0x80, s14, s21, $0xb8;
	[tilespmem:$0x1CC00] =	vst v63  }
0x14f: {  	_ =	swait.ge [sflag:s0], $0x400  }
0x150: {  	[sflag:s0] =	ssyncset.done $0x0  }
0x151: {  	[sflag:s0] =	ssyncadd.s32 $0xFFFFFC00  }
0x152: {  	_ =	swait.ge [sflag:s0], $0x400  }
0x153: {  	[sflag:s0] =	ssyncset.done $0x0  }
0x154: {  	[sflag:s0] =	ssyncadd.s32 $0xFFFFFC00  }
0x155: {  	_ =	swait.ge [sflag:s29], $0x4000  }
0x156: {  	[sflag:s29] =	ssyncset.done $0x0  }
0x157: {  	[sflag:s29] =	ssyncadd.s32 $0xFFFFC000  }
0x158: {  	[spmem:s3] =	stream.indirect.scatter.add.f32 [tilespmem:s22], [sflag:$0x6], $0x80, s2, s21, $0xb8;
	[tilespmem:$0x1CC00] =	vst v63  }
0x159: {  	_ =	swait.ge [sflag:s19], $0x4000  }
0x15a: {  	[sflag:s19] =	ssyncset.done $0x0  }
0x15b: {  	[sflag:s19] =	ssyncadd.s32 $0xFFFFC000  }
0x15c: {  	[tilespmem:s22], [sflag:$0x1] =	stream.indirect.gather [hbm4b:s1+s21], $0x80, s18, s21, $0xb8;
	[tilespmem:$0x1CC00] =	vst v63  }
0x15d: {  	p0 =	sne.s32 s11, $0x2800;
	_ =	swait.ge [sflag:s30], $0x4000  }
.Ltmp0:
0x15e: {  	[sflag:s30] =	ssyncset.done $0x0;
	(pc) =	sbr.rel @p0 .LBB2_2-.Ltmp0, $4  }
0x15f: {  	[sflag:s30] =	ssyncadd.s32 $0xFFFFC000  }
0x160: {  	[spmem:s3] =	stream.indirect.scatter.add.f32 [tilespmem:s24], [sflag:$0x6], $0x80, s7, s21, $0xb8;
	[tilespmem:$0x1CC00] =	vst v63  }
0x161: {  	s11 =	sadd.s32 $0x800, s11;
	_ =	swait.ge [sflag:s19], $0x4000  }
0x162: {  	s13 =	sadd.s32 $0x100, s13;
	s12 =	sadd.s32 $0x100, s12;
	[sflag:s19] =	ssyncset.done $0x0  }
0x163: {  	[sflag:s19] =	ssyncadd.s32 $0xFFFFC000  }
0x164: {  	[tilespmem:s24], [sflag:$0x2] =	stream.indirect.gather [hbm4b:s1+s21], $0x80, s23, s21, $0xb8;
	[tilespmem:$0x1CC00] =	vst v63  }
0x165: {  	_ =	swait.ge [sflag:s29], $0x4000  }
0x166: {  	[sflag:s29] =	ssyncset.done $0x0  }
0x167: {  	[sflag:s29] =	ssyncadd.s32 $0xFFFFC000  }
0x168: {  	_ =	swait.ge [sflag:s30], $0x4000  }
0x169: {  	[sflag:s30] =	ssyncset.done $0x0  }
0x16a: {  	[sflag:s30] =	ssyncadd.s32 $0xFFFFC000  }
0x16b: {  	[bflag:$0x0] =	sbarrier.arrive $0xFFFF  }
0x16c: {  	s11 =	sld [smem:$0x7FC]  }
0x16d: {  	s8 =	rddreg [dreg:$0x1e]  }
0x16e: {  	s8 =	sor.u32 $0x1C06, s8  }
0x16f: {  	[hbm:s11], [sflag:s8] =	dma.local [spmem:s17], $0x2780  }
0x170: {  	_ =	swait.ge [sflag:s19], $0x2780  }
0x171: {  	s14 =	sld [smem:$0x7FD];
	_ =	sdelay $0x1  }
0x172: {  	s10 =	sadd.s32 $0x1, s10  }
0x173: {  	p0 =	sne.s32 s10, s14  }
.Ltmp1:
0x174: {  	_ = 	snop;
	(pc) =	sbr.rel @p0 .LBB2_1-.Ltmp1, $3  }
0x175: {  	_ =	sdelay $0x1  }
0x176: {  	[sflag:s19] =	ssyncset.done $0x0  }
0x177: {  	[sflag:s19] =	ssyncadd.s32 $0xFFFFD880  }
0x178: {  	_ =	sfence.sel $0x180000  }
0x179: {  	[bflag:$0x0] =	sbarrier.arrive $0xFFFF  }
0x17a: {  	_ =	strace $0x90000047  }
0x17b: {  	s0 =	stileid.u32;
	[bflag:$0x2] =	sbarrier.arrive $0xFFFF  }
0x17c: {  	p0 =	sne.s32 s0, $0x0;
	s0 =	rddreg [dreg:$0x3]  }
0x17d: {  	s0 =	sadd.s32 @!p0 $0x100000, s0  }
0x17e: {  	[sflag:s0] =	ssyncadd.tile.s32 @!p0 $0x1;
	_ =	shalt  }
.Lfunc_end2:
_tile_overlayer_lowered:
.L_overlay_start_2:
0x17f: {  	(tag) =	ssettag $0x2  }
0x180: {  	s0 =	rddreg [dreg:$0x0];
	s2 =	stileid.u32  }
0x181: {  	s1 =	rddreg [dreg:$0x1];
	p0 =	sne.s32 s2, $0x0  }
0x182: {  	s3 =	rddreg [dreg:$0x2];
	[bflag:$0x3] =	sbarrier.arrive $0xFFFF;
	s2 =	simm.s32 @!p0 $0x1C06  }
0x183: {  	[timem:s3], [sflag:s2] =	dma.local @!p0 [hbm:s0], s1  }
0x184: {  	s0 =	simm.s32 @!p0 $0x6  }
0x185: {  	_ =	swait.ge @!p0 [sflag:s0], s1  }
0x186: {  	s1 =	ssub.s32 @!p0 $0x0, s1;
	[sflag:s0] =	ssyncset.done @!p0 $0x0  }
0x187: {  	[sflag:s0] =	ssyncadd.s32 @!p0 s1  }
0x188: {  	[bflag:$0x3] =	sbarrier.arrive $0xFFFF  }
0x189: {  	_ =	shalt  }

// kernel: kernel.9.cloned.1.call-start
scs
__scs_entry_jumppad:
0x0: {  	(pc) =	sbr.rel $0x88, $3  }
0x1: {  	(tag) =	ssettag $0x0;
	lr =	simm.s32 $0x1  }
0x2: {  	[smem:$0x3F8B] =	sst lr;
	_ =	strace $0xD0000000  }
0x3: {  	_ = 	snop  }
0x4: {  	_ = 	snop  }
0x5: {  	_ = 	snop  }
0x6: {  	_ = 	snop  }
0x7: {  	_ = 	snop  }
__scs_overlays_trampoline_lowered:
0x8: {  	[smem:$0x3F9A] =	sst s0  }
0x9: {  	[smem:$0x3F9B] =	sst s1  }
0xa: {  	[smem:$0x3F9C] =	sst s2  }
0xb: {  	[smem:$0x3F9D] =	sst s3  }
0xc: {  	[smem:$0x3F9E] =	sst s4  }
0xd: {  	[smem:$0x3F9F] =	sst s5  }
0xe: {  	[smem:$0x3FA0] =	sst s6  }
0xf: {  	[smem:$0x3FA1] =	sst s7  }
0x10: {  	[smem:$0x3FA2] =	sst s8  }
0x11: {  	[smem:$0x3FA3] =	sst s9;
	s0 =	simm.s32 @!p0 $0x0  }
0x12: {  	s1 =	sld [smem:$0x3F89];
	s0 =	simm.s32 @p0 $0x1  }
0x13: {  	[smem:$0x3FA4] =	sst s0;
	s0 =	simm.s32 @!p1 $0x0  }
0x14: {  	s2 =	sld [smem:$0x3F88];
	s0 =	simm.s32 @p1 $0x1  }
0x15: {  	[smem:$0x3FA5] =	sst s0;
	s0 =	simm.s32 @!p2 $0x0  }
0x16: {  	s3 =	sld [smem:$0x3FDB];
	s0 =	simm.s32 @p2 $0x1  }
0x17: {  	s4 =	simm.s32 $0x1BF5;
	[smem:$0x3FA7] =	sst s0  }
0x18: {  	s0 =	sld [smem:$0x3F8A];
	_ =	swait.ge [sflag:s4], $0x0  }
0x19: {  	s7 =	sld [smem:$0x3F8B]  }
0x1a: {  	s8 =	sadd.s32 $0xFFFFE003, lr  }
0x1b: {  	s9 =	sadd.s32 $0xFFFFFEF7, lr;
	s5 =	simm.s32 $0xFFFFFFFF;
	p2 =	slt.u32 s8, $0xFFFFF086  }
0x1c: {  	p1 =	slt.u32 s9, $0xF7A;
	s5 =	simm.s32 @!p2 $0x0  }
0x1d: {  	s5 =	simm.s32 @p1 $0x1;
	p0 =	seq.s32 s7, s2  }
0x1e: {  	s7 =	smul.u32 @!p0 $0xF7A, s2;
	p2 =	seq.s32 @!p0 s5, $0x0  }
0x1f: {  	s9 =	smul.u32 $0xF7A, s1;
	s8 =	simm.s32 @!p0 $0x1BF5;
	p2 =	por !p2, p0  }
0x20: {  	[sflag:s8] =	ssyncset.s32 @!p0 $0xFFFFF086;
	s6 =	sadd.s32 @!p0 s3, s7;
	s7 =	simm.s32 @!p0 $0x108  }
0x21: {  	s3 =	sadd.s32 s3, s9;
	s6 =	sadd.s32 @!p0 $0x88, s6;
	s7 =	simm.s32 @p2 $0x1082  }
0x22: {  	[simem:s7], [sflag:s8] =	dma.local @!p0 [hbm:s6], $0xF7A  }
0x23: {  	s9 =	sor.u32 $0xD0000000, s2;
	s6 =	simm.s32 $0x108;
	_ =	swait.ge @!p0 [sflag:s8], $0x0  }
0x24: {  	s3 =	sadd.s32 $0x88, s3;
	s6 =	simm.s32 @!p1 $0x1082;
	[sflag:s4] =	ssyncset.s32 $0xFFFFF086  }
0x25: {  	[simem:s6], [sflag:s4] =	dma.local [hbm:s3], $0xF7A  }
0x26: {  	[smem:$0x3F8B] =	sst s1;
	(tag) =	ssettag s2;
	_ =	strace s9  }
0x27: {  	s1 =	sld [smem:$0x3F9B]  }
0x28: {  	s2 =	sld [smem:$0x3F9C]  }
0x29: {  	s4 =	sld [smem:$0x3F9E]  }
0x2a: {  	p0 =	seq.s32 s5, $0x0;
	s5 =	sld [smem:$0x3F9F]  }
0x2b: {  	s6 =	sld [smem:$0x3FA0]  }
0x2c: {  	s7 =	sld [smem:$0x3FA1]  }
0x2d: {  	s3 =	simm.s32 $0x108;
	s8 =	sld [smem:$0x3FA2]  }
0x2e: {  	s3 =	simm.s32 @!p0 $0x1082;
	s9 =	sld [smem:$0x3FA3]  }
0x2f: {  	lr =	sadd.s32 s0, s3;
	s0 =	sld [smem:$0x3F9A]  }
0x30: {  	s3 =	sld [smem:$0x3F9D]  }
0x31: {  	[smem:$0x3FA6] =	sst s10  }
0x32: {  	s10 =	sld [smem:$0x3FA4];
	_ =	sdelay $0x3  }
0x33: {  	p0 =	seq.s32 s10, $0x1;
	s10 =	sld [smem:$0x3FA6];
	_ =	sdelay $0x3  }
0x34: {  	[smem:$0x3FA6] =	sst s10  }
0x35: {  	s10 =	sld [smem:$0x3FA5];
	_ =	sdelay $0x3  }
0x36: {  	p1 =	seq.s32 s10, $0x1;
	s10 =	sld [smem:$0x3FA6];
	_ =	sdelay $0x3  }
0x37: {  	[smem:$0x3FA6] =	sst s10  }
0x38: {  	s10 =	sld [smem:$0x3FA7]  }
0x39: {  	_ = 	snop;
	(pc) =	sbr.ind lr, $3  }
0x3a: {  	_ = 	snop  }
0x3b: {  	_ = 	snop  }
0x3c: {  	p2 =	seq.s32 s10, $0x1;
	s10 =	sld [smem:$0x3FA6]  }
0x3d: {  	_ =	shalt  }
0x3e: {  	_ =	shalt  }
0x3f: {  	_ =	shalt  }
0x40: {  	_ =	shalt  }
0x41: {  	_ =	shalt  }
0x42: {  	_ =	shalt  }
0x43: {  	_ =	shalt  }
0x44: {  	_ =	shalt  }
0x45: {  	_ =	shalt  }
0x46: {  	_ =	shalt  }
0x47: {  	_ =	shalt  }
0x48: {  	_ =	shalt  }
0x49: {  	_ =	shalt  }
0x4a: {  	_ =	shalt  }
0x4b: {  	_ =	shalt  }
0x4c: {  	_ =	shalt  }
0x4d: {  	_ =	shalt  }
0x4e: {  	_ =	shalt  }
0x4f: {  	_ =	shalt  }
0x50: {  	_ =	shalt  }
0x51: {  	_ =	shalt  }
0x52: {  	_ =	shalt  }
0x53: {  	_ =	shalt  }
0x54: {  	_ =	shalt  }
0x55: {  	_ =	shalt  }
0x56: {  	_ =	shalt  }
0x57: {  	_ =	shalt  }
0x58: {  	_ =	shalt  }
0x59: {  	_ =	shalt  }
0x5a: {  	_ =	shalt  }
0x5b: {  	_ =	shalt  }
0x5c: {  	_ =	shalt  }
0x5d: {  	_ =	shalt  }
0x5e: {  	_ =	shalt  }
0x5f: {  	_ =	shalt  }
0x60: {  	_ =	shalt  }
0x61: {  	_ =	shalt  }
0x62: {  	_ =	shalt  }
0x63: {  	_ =	shalt  }
0x64: {  	_ =	shalt  }
0x65: {  	_ =	shalt  }
0x66: {  	_ =	shalt  }
0x67: {  	_ =	shalt  }
0x68: {  	_ =	shalt  }
0x69: {  	_ =	shalt  }
0x6a: {  	_ =	shalt  }
0x6b: {  	_ =	shalt  }
0x6c: {  	_ =	shalt  }
0x6d: {  	_ =	shalt  }
0x6e: {  	_ =	shalt  }
0x6f: {  	_ =	shalt  }
0x70: {  	_ =	shalt  }
0x71: {  	_ =	shalt  }
0x72: {  	_ =	shalt  }
0x73: {  	_ =	shalt  }
0x74: {  	_ =	shalt  }
0x75: {  	_ =	shalt  }
0x76: {  	_ =	shalt  }
0x77: {  	_ =	shalt  }
0x78: {  	_ =	shalt  }
0x79: {  	_ =	shalt  }
0x7a: {  	_ =	shalt  }
0x7b: {  	_ =	shalt  }
0x7c: {  	_ =	shalt  }
0x7d: {  	_ =	shalt  }
0x7e: {  	_ =	shalt  }
0x7f: {  	_ =	shalt  }
0x80: {  	_ =	shalt  }
0x81: {  	_ =	shalt  }
0x82: {  	_ =	shalt  }
0x83: {  	_ =	shalt  }
0x84: {  	_ =	shalt  }
0x85: {  	_ =	shalt  }
0x86: {  	_ =	shalt  }
0x87: {  	_ =	shalt  }
.Lfunc_end0:
.L_simem_size_0:
called_computation.1_lowered:
.L_overlay_start_0:
0x88: {  	s2 =	sld [smem:$0x3FD9]  }
0x89: {  	s3 =	sld [smem:$0x3FFE];
	_ =	sdelay $0x1  }
0x8a: {  	s1 =	srdreg.scid  }
0x8b: {  	s0 =	sand.u32 $0x1, s1  }
0x8c: {  	s16 =	sshll.u32 s0, $0xA;
	s2 =	sadd.s32 s3, s2  }
0x8d: {  	s2 =	sadd.s32 s2, s16  }
0x8e: {  	[smem:$0x3FB2] =	sst s2  }
0x8f: {  	_ = 	snop  }
0x90: {  	(tm) =	ssettm $0x1  }
0x91: {  	s17 =	sld [smem:$0x3FFB];
	_ =	sdelay $0x3  }
0x92: {  	_ =	strace s17  }
0x93: {  	s2 =	sld [smem:$0x3FFC];
	_ =	sdelay $0x3  }
0x94: {  	_ =	strace s2  }
0x95: {  	s2 =	sld [smem:$0x3FFD];
	_ =	sdelay $0x3  }
0x96: {  	_ =	strace s2  }
0x97: {  	_ =	strace $0x8FFFFFFF  }
0x98: {  	s18 =	sld [smem:$0x3FDB];
	_ =	sdelay $0x1  }
0x99: {  	s19 =	simm.s32 $_scs_section_size  }
0x9a: {  	s4 =	simm.s32 $_size__tile_overlayer_lowered;
	s5 =	simm.s32 $_tile_overlayer_lowered  }
0x9b: {  	s22 =	simm.s32 $0x1BFF;
	s21 =	sshll.u32 s5, $0x1;
	s2 =	sadd.s32 s19, s18  }
0x9c: {  	s6 =	simm.s32 $0x0;
	s20 =	sshll.u32 s4, $0x1;
	s4 =	sadd.s32 s21, s2  }
0x9d: {  	[timem:s6], [sflag:s22] =	dma.local [hbm:s4], s20  }
0x9e: {  	_ =	swait.ge [sflag:s22], s20  }
0x9f: {  	s3 =	ssub.s32 $0x0, s20;
	[sflag:s22] =	ssyncset.done $0x0  }
0xa0: {  	[sflag:s22] =	ssyncadd.s32 s3;
	_ =	sdelay $0x1  }
0xa1: {  	s23 =	simm.s32 $0x1B8B  }
0xa2: {  	_ =	swait.ge [sflag:s23], $0x1  }
0xa3: {  	[sflag:s23] =	ssyncset.done $0x0  }
0xa4: {  	s25 =	simm.s32 $0x1B8E;
	s24 =	sld [smem:$0x3FFE];
	[sflag:s23] =	ssyncadd.s32 $0xFFFFFFFF  }
0xa5: {  	s26 =	simm.s32 $execute0_lowered;
	[smem:$0x3FD2] =	sst s25  }
0xa6: {  	s4 =	sshll.u32 s26, $0x1;
	_ =	strace $0x80000049;
	[dreg:$0x1] =	wrdreg $0xFFFFFFFF  }
0xa7: {  	s28 =	simm.s32 $_size_execute0_lowered;
	s2 =	sadd.s32 s2, s4;
	[dreg:$0x0] =	wrdreg $0x0  }
0xa8: {  	s4 =	sshll.u32 s28, $0x1;
	[dreg:$0x2] =	wrdreg s2  }
0xa9: {  	[dreg:$0x3] =	wrdreg s4  }
0xaa: {  	[dreg:$0x4] =	wrdreg $0xC0  }
0xab: {  	_ =	task [dreg:s6], $0x5FFFF  }
0xac: {  	[dreg:$0x1] =	wrdreg $0xFFFFFFFF  }
0xad: {  	[dreg:$0x0] =	wrdreg $0x60  }
0xae: {  	[dreg:$0x2] =	wrdreg s24  }
0xaf: {  	[dreg:$0x3] =	wrdreg $0x0  }
0xb0: {  	[dreg:$0x4] =	wrdreg $0x9  }
0xb1: {  	_ =	task.clear_ibuf [dreg:s6], $0x5FFFF;
	_ =	strace $0x90000049  }
0xb2: {  	s29 =	simm.s32 $0x9;
	_ =	strace $0x8000004B  }
0xb3: {  	_ =	swait.ge [sflag:s29], $0x1  }
0xb4: {  	[sflag:s29] =	ssyncadd.s32 $0xFFFFFFFF  }
0xb5: {  	_ =	strace $0x9000004B  }
0xb6: {  	_ =	sfence  }
0xb7: {  	s30 =	sld [smem:$0x0];
	_ =	sdelay $0x2  }
0xb8: {  	s31 =	sshll.u32 s1, $0xD;
	s1 =	sshrl.u32 s1, $0x2  }
0xb9: {  	s3 =	sand.u32 $0x4000, s31;
	s1 =	sadd.s32 s1, s30  }
0xba: {  	s0 =	sor.u32 s3, s0;
	s1 =	sshll.u32 s1, $0x11  }
0xbb: {  	s0 =	sor.u32 s1, s0  }
0xbc: {  	s0 =	sadd.s32 $0x8F2B, s0  }
0xbd: {  	[sflag:s0] =	ssyncadd.remote.s32 $0x1  }
0xbe: {  	_ =	sfence.sel $0xFFFF  }
0xbf: {  	[dreg:$0x0] =	wrdreg $0xFFFFFFFF;
	(pc) =	sbr.abs _section_cstart, $3  }
0xc0: {  	[dreg:$0x1] =	wrdreg $0xFFFFFFFF  }
0xc1: {  	_ =	task.clear_ibuf [dreg:s6], $0x2FFFF;
	_ =	strace $0x9FFFFFFF  }
0xc2: {  	(tm) =	ssettm $0x7FFFFFFF  }
0xc3: {  	_ =	shalt  }
tec
execute0_lowered:
.L_overlay_start_1:
0x0: {  	(tag) =	ssettag $0x1  }
0x1: {  	s0 =	rddreg [dreg:$0x0]  }
0x2: {  	s2 =	rddreg [dreg:$0x1];
	s3 =	simm.s32 $0x0  }
0x3: {  	s12 =	stileid.u32;
	s1 =	srdreg.scid;
	s15 =	simm.s32 $0x13D00  }
0x4: {  	s16 =	simm.s32 $0x14080;
	s17 =	simm.s32 $0x13D80;
	s18 =	simm.s32 $0x14100  }
0x5: {  	s19 =	simm.s32 $0x13E00;
	s21 =	simm.s32 $0x14180;
	[smem:$0x7FF] =	sst s3  }
0x6: {  	s23 =	simm.s32 $0x13E80;
	_ =	strace $0x8000004A;
	[dreg:$0x3] =	wrdreg s15  }
0x7: {  	s25 =	simm.s32 $0x14200;
	s28 =	simm.s32 $0x14800;
	[dreg:$0x4] =	wrdreg s16  }
0x8: {  	s29 =	simm.s32 $0x1;
	s30 =	simm.s32 $0x2;
	[dreg:$0x5] =	wrdreg s17  }
0x9: {  	s31 =	simm.s32 $0x4;
	s7 =	smul.u32 $0x13C00, s12;
	[dreg:$0x6] =	wrdreg s18  }
0xa: {  	s1 =	sand.u32 $0x1, s1;
	s4 =	sadd.s32 $0x3F200, s0;
	[dreg:$0x7] =	wrdreg s19  }
0xb: {  	s5 =	sadd.s32 $0x3A00, s0;
	s10 =	smul.u32 $0x4F000, s12;
	[dreg:$0x8] =	wrdreg s21  }
0xc: {  	s6 =	sadd.s32 $0xDA00, s0;
	s8 =	smul.u32 $0x13C000, s1;
	[dreg:$0x9] =	wrdreg s23  }
0xd: {  	s26 =	ssub.s32 $0x2, s1;
	s14 =	sshll.u32 s1, $0x4;
	[dreg:$0xa] =	wrdreg s25  }
0xe: {  	s1 =	smul.u32 $0x28000, s1;
	s15 =	simm.s32 $0x14480;
	s16 =	simm.s32 $0x14500  }
0xf: {  	s17 =	simm.s32 $0x14880;
	s18 =	simm.s32 $0x14580;
	[dreg:$0x10] =	wrdreg s15  }
0x10: {  	s19 =	simm.s32 $0x14900;
	s21 =	simm.s32 $0x14980;
	[dreg:$0x11] =	wrdreg s16  }
0x11: {  	s23 =	simm.s32 $0x14A00;
	s25 =	simm.s32 $0x14A80;
	[dreg:$0x12] =	wrdreg s17  }
0x12: {  	s9 =	sshrl.u32 s7, $0x3;
	s11 =	sshrl.u32 s26, $0x1;
	[dreg:$0x13] =	wrdreg s18  }
0x13: {  	s13 =	sshrl.u32 s10, $0x2;
	s10 =	sor.u32 s12, s14;
	[dreg:$0x14] =	wrdreg s19  }
0x14: {  	s14 =	simm.s32 $0x14380;
	s18 =	simm.s32 $0x13C00;
	[dreg:$0x16] =	wrdreg s21  }
0x15: {  	s19 =	simm.s32 $0x6;
	s21 =	simm.s32 $0x80;
	[dreg:$0x18] =	wrdreg s23  }
0x16: {  	s23 =	simm.s32 $0x13C80;
	[dreg:$0x1a] =	wrdreg s25;
	s25 =	simm.s32 $0x5  }
0x17: {  	s7 =	sadd.s32 s7, s8;
	s9 =	sadd.s32 s9, s0;
	s8 =	sadd.s32 s13, s2  }
0x18: {  	s13 =	sshll.u32 s12, $0x6;
	s12 =	smul.u32 $0x2800, s12;
	[dreg:$0xf] =	wrdreg s14  }
0x19: {  	s7 =	sshrl.u32 s7, $0x3;
	s9 =	sadd.s32 $0x17A00, s9;
	[dreg:$0x1d] =	wrdreg s13  }
0x1a: {  	s20 =	sor.u32 $0x1C05, s13;
	s13 =	simm.s32 $0x14300;
	[dreg:$0x1c] =	wrdreg s9  }
0x1b: {  	s17 =	sshrl.u32 s8, $0x3;
	s0 =	sadd.s32 s7, s0;
	[dreg:$0x1e] =	wrdreg s20  }
0x1c: {  	s7 =	ssub.s32 s26, s11;
	s26 =	simm.s32 $0x13F00;
	[dreg:$0xe] =	wrdreg s13  }
0x1d: {  	s9 =	smul.u32 $0x2800, s10;
	s10 =	simm.s32 $0x14280;
	[dreg:$0xb] =	wrdreg s26  }
0x1e: {  	s1 =	sadd.s32 s12, s1;
	s20 =	simm.s32 $0x14600;
	[dreg:$0xc] =	wrdreg s10  }
0x1f: {  	s0 =	sadd.s32 $0x66400, s0;
	s7 =	smax.u32 s7, $0x1;
	[dreg:$0x15] =	wrdreg s20  }
0x20: {  	s1 =	sor.u32 $0x400, s1;
	s20 =	simm.s32 $0x14000;
	[smem:$0x7FC] =	sst s0  }
0x21: {  	s26 =	simm.s32 $0x14780;
	s10 =	simm.s32 $0x0;
	[smem:$0x7FD] =	sst s7  }
0x22: {  	s22 =	sshrl.u32 s9, $0x3;
	s1 =	sshrl.u32 s1, $0x3;
	[dreg:$0x1b] =	wrdreg s26  }
0x23: {  	s26 =	simm.s32 $0x14400;
	s0 =	simm.s32 $0x3;
	s24 =	sadd.s32 s5, s22  }
0x24: {  	s7 =	simm.s32 $0x14B80;
	s11 =	sadd.s32 s6, s22;
	[dreg:$0x1f] =	wrdreg s24  }
0x25: {  	s15 =	sadd.s32 s1, s6;
	s22 =	simm.s32 $0x14680;
	[smem:$0x7FB] =	sst s11  }
0x26: {  	s16 =	sadd.s32 s1, s5;
	s11 =	simm.s32 $0x13F80;
	[dreg:$0x17] =	wrdreg s22  }
0x27: {  	s1 =	simm.s32 $0x14B00;
	s24 =	simm.s32 $0x14700;
	[dreg:$0xd] =	wrdreg s11  }
0x28: {  	s22 =	simm.s32 $0x14C00;
	[dreg:$0x19] =	wrdreg s24;
	s24 =	simm.s32 $0x18C00  }
.LBB2_1:
0x29: {  	s8 =	rddreg [dreg:$0x1c]  }
0x2a: {  	s11 =	rddreg [dreg:$0x1e]  }
0x2b: {  	[spmem:s17], [sflag:s11] =	dma.local [hbm:s8], $0x2780  }
0x2c: {  	s8 =	rddreg [dreg:$0x1f]  }
0x2d: {  	[tilespmem:s18], [sflag:$0x6] =	stream.linear.gather [hbm4b:s8+s3], $0x400, $0x38;
	[tilespmem:$0x1CC00] =	vst v63  }
0x2e: {  	_ =	swait.ge [sflag:s19], $0x400  }
0x2f: {  	s11 =	sld [smem:$0x7FB]  }
0x30: {  	[sflag:s19] =	ssyncset.done $0x0  }
0x31: {  	[sflag:s19] =	ssyncadd.s32 $0xFFFFFC00  }
0x32: {  	[tilespmem:s20], [sflag:$0x6] =	stream.linear.gather [hbm4b:s11+s3], $0x400, $0x38;
	[tilespmem:$0x1CC00] =	vst v63  }
0x33: {  	_ =	swait.ge [sflag:s19], $0x400  }
0x34: {  	[sflag:s19] =	ssyncset.done $0x0  }
0x35: {  	[sflag:s19] =	ssyncadd.s32 $0xFFFFFC00  }
0x36: {  	[tilespmem:s22], [sflag:$0x1] =	stream.indirect.gather [hbm4b:s4+s21], $0x80, s18, s21, $0xb8;
	[tilespmem:$0x1CC00] =	vst v63  }
0x37: {  	_ = 	snop  }
0x38: {  	[tilespmem:s24], [sflag:$0x2] =	stream.indirect.gather [hbm4b:s4+s21], $0x80, s23, s21, $0xb8;
	[tilespmem:$0x1CC00] =	vst v63  }
0x39: {  	_ =	swait.ge [sflag:s25], $0x2780  }
0x3a: {  	[sflag:s25] =	ssyncset.done $0x0  }
0x3b: {  	[sflag:s25] =	ssyncadd.s32 $0xFFFFD880  }
0x3c: {  	[bflag:$0x0] =	sbarrier.arrive $0xFFFF  }
0x3d: {  	[tilespmem:s26], [sflag:$0x4] =	stream.linear.gather [hbm4b:s16+s3], $0x400, $0x38;
	[tilespmem:$0x1CC00] =	vst v63  }
0x3e: {  	_ = 	snop  }
0x3f: {  	[tilespmem:s28], [sflag:$0x4] =	stream.linear.gather [hbm4b:s15+s3], $0x400, $0x38;
	[tilespmem:$0x1CC00] =	vst v63  }
0x40: {  	_ =	swait.ge [sflag:s29], $0x4000  }
0x41: {  	[sflag:s29] =	ssyncset.done $0x0  }
0x42: {  	[sflag:s29] =	ssyncadd.s32 $0xFFFFC000  }
0x43: {  	[spmem:s2] =	stream.indirect.scatter.add.f32 [tilespmem:s22], [sflag:$0x6], $0x80, s20, s21, $0xb8;
	[tilespmem:$0x1CC00] =	vst v63  }
0x44: {  	_ =	swait.ge [sflag:s19], $0x4000  }
0x45: {  	[sflag:s19] =	ssyncset.done $0x0  }
0x46: {  	s12 =	rddreg [dreg:$0x3];
	[sflag:s19] =	ssyncadd.s32 $0xFFFFC000  }
0x47: {  	[tilespmem:s22], [sflag:$0x1] =	stream.indirect.gather [hbm4b:s4+s21], $0x80, s12, s21, $0xb8;
	[tilespmem:$0x1CC00] =	vst v63  }
0x48: {  	_ =	swait.ge [sflag:s30], $0x4000  }
0x49: {  	[sflag:s30] =	ssyncset.done $0x0  }
0x4a: {  	s13 =	rddreg [dreg:$0x4];
	[sflag:s30] =	ssyncadd.s32 $0xFFFFC000  }
0x4b: {  	[spmem:s2] =	stream.indirect.scatter.add.f32 [tilespmem:s24], [sflag:$0x6], $0x80, s13, s21, $0xb8;
	[tilespmem:$0x1CC00] =	vst v63  }
0x4c: {  	_ =	swait.ge [sflag:s19], $0x4000  }
0x4d: {  	[sflag:s19] =	ssyncset.done $0x0  }
0x4e: {  	s14 =	rddreg [dreg:$0x5];
	[sflag:s19] =	ssyncadd.s32 $0xFFFFC000  }
0x4f: {  	[tilespmem:s24], [sflag:$0x2] =	stream.indirect.gather [hbm4b:s4+s21], $0x80, s14, s21, $0xb8;
	[tilespmem:$0x1CC00] =	vst v63  }
0x50: {  	_ =	swait.ge [sflag:s29], $0x4000  }
0x51: {  	[sflag:s29] =	ssyncset.done $0x0  }
0x52: {  	s11 =	rddreg [dreg:$0x6];
	[sflag:s29] =	ssyncadd.s32 $0xFFFFC000  }
0x53: {  	[spmem:s2] =	stream.indirect.scatter.add.f32 [tilespmem:s22], [sflag:$0x6], $0x80, s11, s21, $0xb8;
	[tilespmem:$0x1CC00] =	vst v63  }
0x54: {  	_ =	swait.ge [sflag:s19], $0x4000  }
0x55: {  	[sflag:s19] =	ssyncset.done $0x0  }
0x56: {  	s12 =	rddreg [dreg:$0x7];
	[sflag:s19] =	ssyncadd.s32 $0xFFFFC000  }
0x57: {  	[tilespmem:s22], [sflag:$0x1] =	stream.indirect.gather [hbm4b:s4+s21], $0x80, s12, s21, $0xb8;
	[tilespmem:$0x1CC00] =	vst v63  }
0x58: {  	_ =	swait.ge [sflag:s30], $0x4000  }
0x59: {  	[sflag:s30] =	ssyncset.done $0x0  }
0x5a: {  	s13 =	rddreg [dreg:$0x8];
	[sflag:s30] =	ssyncadd.s32 $0xFFFFC000  }
0x5b: {  	[spmem:s2] =	stream.indirect.scatter.add.f32 [tilespmem:s24], [sflag:$0x6], $0x80, s13, s21, $0xb8;
	[tilespmem:$0x1CC00] =	vst v63  }
0x5c: {  	_ =	swait.ge [sflag:s19], $0x4000  }
0x5d: {  	[sflag:s19] =	ssyncset.done $0x0  }
0x5e: {  	s14 =	rddreg [dreg:$0x9];
	[sflag:s19] =	ssyncadd.s32 $0xFFFFC000  }
0x5f: {  	[tilespmem:s24], [sflag:$0x2] =	stream.indirect.gather [hbm4b:s4+s21], $0x80, s14, s21, $0xb8;
	[tilespmem:$0x1CC00] =	vst v63  }
0x60: {  	_ =	swait.ge [sflag:s29], $0x4000  }
0x61: {  	[sflag:s29] =	ssyncset.done $0x0  }
0x62: {  	s11 =	rddreg [dreg:$0xa];
	[sflag:s29] =	ssyncadd.s32 $0xFFFFC000  }
0x63: {  	[spmem:s2] =	stream.indirect.scatter.add.f32 [tilespmem:s22], [sflag:$0x6], $0x80, s11, s21, $0xb8;
	[tilespmem:$0x1CC00] =	vst v63  }
0x64: {  	_ =	swait.ge [sflag:s19], $0x4000  }
0x65: {  	[sflag:s19] =	ssyncset.done $0x0  }
0x66: {  	s12 =	rddreg [dreg:$0xb];
	[sflag:s19] =	ssyncadd.s32 $0xFFFFC000  }
0x67: {  	[tilespmem:s22], [sflag:$0x1] =	stream.indirect.gather [hbm4b:s4+s21], $0x80, s12, s21, $0xb8;
	[tilespmem:$0x1CC00] =	vst v63  }
0x68: {  	_ =	swait.ge [sflag:s30], $0x4000  }
0x69: {  	[sflag:s30] =	ssyncset.done $0x0  }
0x6a: {  	s13 =	rddreg [dreg:$0xc];
	[sflag:s30] =	ssyncadd.s32 $0xFFFFC000  }
0x6b: {  	[spmem:s2] =	stream.indirect.scatter.add.f32 [tilespmem:s24], [sflag:$0x6], $0x80, s13, s21, $0xb8;
	[tilespmem:$0x1CC00] =	vst v63  }
0x6c: {  	_ =	swait.ge [sflag:s19], $0x4000  }
0x6d: {  	[sflag:s19] =	ssyncset.done $0x0  }
0x6e: {  	s14 =	rddreg [dreg:$0xd];
	[sflag:s19] =	ssyncadd.s32 $0xFFFFC000  }
0x6f: {  	[tilespmem:s24], [sflag:$0x2] =	stream.indirect.gather [hbm4b:s4+s21], $0x80, s14, s21, $0xb8;
	[tilespmem:$0x1CC00] =	vst v63  }
0x70: {  	_ =	swait.ge [sflag:s31], $0x400  }
0x71: {  	[sflag:s31] =	ssyncset.done $0x0  }
0x72: {  	[sflag:s31] =	ssyncadd.s32 $0xFFFFFC00  }
0x73: {  	_ =	swait.ge [sflag:s31], $0x400  }
0x74: {  	[sflag:s31] =	ssyncset.done $0x0  }
0x75: {  	[sflag:s31] =	ssyncadd.s32 $0xFFFFFC00  }
0x76: {  	_ =	swait.ge [sflag:s29], $0x4000  }
0x77: {  	[sflag:s29] =	ssyncset.done $0x0  }
0x78: {  	s11 =	rddreg [dreg:$0xe];
	[sflag:s29] =	ssyncadd.s32 $0xFFFFC000  }
0x79: {  	[spmem:s2] =	stream.indirect.scatter.add.f32 [tilespmem:s22], [sflag:$0x6], $0x80, s11, s21, $0xb8;
	[tilespmem:$0x1CC00] =	vst v63  }
0x7a: {  	_ =	swait.ge [sflag:s19], $0x4000  }
0x7b: {  	[sflag:s19] =	ssyncset.done $0x0  }
0x7c: {  	[sflag:s19] =	ssyncadd.s32 $0xFFFFC000  }
0x7d: {  	[tilespmem:s22], [sflag:$0x1] =	stream.indirect.gather [hbm4b:s4+s21], $0x80, s26, s21, $0xb8;
	[tilespmem:$0x1CC00] =	vst v63  }
0x7e: {  	_ =	swait.ge [sflag:s30], $0x4000  }
0x7f: {  	p0 =	por $0x0, $0x0;
	[sflag:s30] =	ssyncset.done $0x0  }
0x80: {  	s8 =	simm.s32 $0x800;
	s12 =	rddreg [dreg:$0xf];
	[sflag:s30] =	ssyncadd.s32 $0xFFFFC000  }
0x81: {  	[spmem:s2] =	stream.indirect.scatter.add.f32 [tilespmem:s24], [sflag:$0x6], $0x80, s12, s21, $0xb8;
	[tilespmem:$0x1CC00] =	vst v63  }
0x82: {  	s8 =	simm.s32 @p0 $0x0;
	_ =	swait.ge [sflag:s19], $0x4000  }
0x83: {  	s8 =	sadd.s32 s9, s8;
	[sflag:s19] =	ssyncset.done $0x0  }
0x84: {  	s8 =	sshrl.u32 s8, $0x3;
	s13 =	rddreg [dreg:$0x10];
	[sflag:s19] =	ssyncadd.s32 $0xFFFFC000  }
0x85: {  	[tilespmem:s24], [sflag:$0x2] =	stream.indirect.gather [hbm4b:s4+s21], $0x80, s13, s21, $0xb8;
	[tilespmem:$0x1CC00] =	vst v63  }
0x86: {  	s14 =	sadd.s32 s5, s8  }
0x87: {  	[tilespmem:s18], [sflag:$0x3] =	stream.linear.gather [hbm4b:s14+s3], $0x400, $0x38;
	[tilespmem:$0x1CC00] =	vst v63  }
0x88: {  	s8 =	sadd.s32 s6, s8  }
0x89: {  	[tilespmem:s20], [sflag:$0x3] =	stream.linear.gather [hbm4b:s8+s3], $0x400, $0x38;
	[tilespmem:$0x1CC00] =	vst v63  }
0x8a: {  	_ =	swait.ge [sflag:s29], $0x4000  }
0x8b: {  	[sflag:s29] =	ssyncset.done $0x0  }
0x8c: {  	[sflag:s29] =	ssyncadd.s32 $0xFFFFC000  }
0x8d: {  	[spmem:s2] =	stream.indirect.scatter.add.f32 [tilespmem:s22], [sflag:$0x6], $0x80, s28, s21, $0xb8;
	[tilespmem:$0x1CC00] =	vst v63  }
0x8e: {  	_ =	swait.ge [sflag:s19], $0x4000  }
0x8f: {  	[sflag:s19] =	ssyncset.done $0x0  }
0x90: {  	s12 =	rddreg [dreg:$0x11];
	[sflag:s19] =	ssyncadd.s32 $0xFFFFC000  }
0x91: {  	[tilespmem:s22], [sflag:$0x1] =	stream.indirect.gather [hbm4b:s4+s21], $0x80, s12, s21, $0xb8;
	[tilespmem:$0x1CC00] =	vst v63  }
0x92: {  	_ =	swait.ge [sflag:s30], $0x4000  }
0x93: {  	[sflag:s30] =	ssyncset.done $0x0  }
0x94: {  	s13 =	rddreg [dreg:$0x12];
	[sflag:s30] =	ssyncadd.s32 $0xFFFFC000  }
0x95: {  	[spmem:s2] =	stream.indirect.scatter.add.f32 [tilespmem:s24], [sflag:$0x6], $0x80, s13, s21, $0xb8;
	[tilespmem:$0x1CC00] =	vst v63  }
0x96: {  	_ =	swait.ge [sflag:s19], $0x4000  }
0x97: {  	[sflag:s19] =	ssyncset.done $0x0  }
0x98: {  	s14 =	rddreg [dreg:$0x13];
	[sflag:s19] =	ssyncadd.s32 $0xFFFFC000  }
0x99: {  	[tilespmem:s24], [sflag:$0x2] =	stream.indirect.gather [hbm4b:s4+s21], $0x80, s14, s21, $0xb8;
	[tilespmem:$0x1CC00] =	vst v63  }
0x9a: {  	_ =	swait.ge [sflag:s29], $0x4000  }
0x9b: {  	[sflag:s29] =	ssyncset.done $0x0  }
0x9c: {  	s11 =	rddreg [dreg:$0x14];
	[sflag:s29] =	ssyncadd.s32 $0xFFFFC000  }
0x9d: {  	[spmem:s2] =	stream.indirect.scatter.add.f32 [tilespmem:s22], [sflag:$0x6], $0x80, s11, s21, $0xb8;
	[tilespmem:$0x1CC00] =	vst v63  }
0x9e: {  	_ =	swait.ge [sflag:s19], $0x4000  }
0x9f: {  	[sflag:s19] =	ssyncset.done $0x0  }
0xa0: {  	s12 =	rddreg [dreg:$0x15];
	[sflag:s19] =	ssyncadd.s32 $0xFFFFC000  }
0xa1: {  	[tilespmem:s22], [sflag:$0x1] =	stream.indirect.gather [hbm4b:s4+s21], $0x80, s12, s21, $0xb8;
	[tilespmem:$0x1CC00] =	vst v63  }
0xa2: {  	_ =	swait.ge [sflag:s30], $0x4000  }
0xa3: {  	[sflag:s30] =	ssyncset.done $0x0  }
0xa4: {  	s13 =	rddreg [dreg:$0x16];
	[sflag:s30] =	ssyncadd.s32 $0xFFFFC000  }
0xa5: {  	[spmem:s2] =	stream.indirect.scatter.add.f32 [tilespmem:s24], [sflag:$0x6], $0x80, s13, s21, $0xb8;
	[tilespmem:$0x1CC00] =	vst v63  }
0xa6: {  	_ =	swait.ge [sflag:s19], $0x4000  }
0xa7: {  	[sflag:s19] =	ssyncset.done $0x0  }
0xa8: {  	s14 =	rddreg [dreg:$0x17];
	[sflag:s19] =	ssyncadd.s32 $0xFFFFC000  }
0xa9: {  	[tilespmem:s24], [sflag:$0x2] =	stream.indirect.gather [hbm4b:s4+s21], $0x80, s14, s21, $0xb8;
	[tilespmem:$0x1CC00] =	vst v63  }
0xaa: {  	_ =	swait.ge [sflag:s29], $0x4000  }
0xab: {  	[sflag:s29] =	ssyncset.done $0x0  }
0xac: {  	s11 =	rddreg [dreg:$0x18];
	[sflag:s29] =	ssyncadd.s32 $0xFFFFC000  }
0xad: {  	[spmem:s2] =	stream.indirect.scatter.add.f32 [tilespmem:s22], [sflag:$0x6], $0x80, s11, s21, $0xb8;
	[tilespmem:$0x1CC00] =	vst v63  }
0xae: {  	_ =	swait.ge [sflag:s19], $0x4000  }
0xaf: {  	[sflag:s19] =	ssyncset.done $0x0  }
0xb0: {  	s12 =	rddreg [dreg:$0x19];
	[sflag:s19] =	ssyncadd.s32 $0xFFFFC000  }
0xb1: {  	[tilespmem:s22], [sflag:$0x1] =	stream.indirect.gather [hbm4b:s4+s21], $0x80, s12, s21, $0xb8;
	[tilespmem:$0x1CC00] =	vst v63  }
0xb2: {  	_ =	swait.ge [sflag:s30], $0x4000  }
0xb3: {  	[sflag:s30] =	ssyncset.done $0x0  }
0xb4: {  	s13 =	rddreg [dreg:$0x1a];
	[sflag:s30] =	ssyncadd.s32 $0xFFFFC000  }
0xb5: {  	[spmem:s2] =	stream.indirect.scatter.add.f32 [tilespmem:s24], [sflag:$0x6], $0x80, s13, s21, $0xb8;
	[tilespmem:$0x1CC00] =	vst v63  }
0xb6: {  	_ =	swait.ge [sflag:s19], $0x4000  }
0xb7: {  	[sflag:s19] =	ssyncset.done $0x0  }
0xb8: {  	s14 =	rddreg [dreg:$0x1b];
	[sflag:s19] =	ssyncadd.s32 $0xFFFFC000  }
0xb9: {  	[tilespmem:s24], [sflag:$0x2] =	stream.indirect.gather [hbm4b:s4+s21], $0x80, s14, s21, $0xb8;
	[tilespmem:$0x1CC00] =	vst v63  }
0xba: {  	_ =	swait.ge [sflag:s0], $0x400  }
0xbb: {  	[sflag:s0] =	ssyncset.done $0x0  }
0xbc: {  	[sflag:s0] =	ssyncadd.s32 $0xFFFFFC00  }
0xbd: {  	_ =	swait.ge [sflag:s0], $0x400  }
0xbe: {  	[sflag:s0] =	ssyncset.done $0x0  }
0xbf: {  	[sflag:s0] =	ssyncadd.s32 $0xFFFFFC00  }
0xc0: {  	_ =	swait.ge [sflag:s29], $0x4000  }
0xc1: {  	[sflag:s29] =	ssyncset.done $0x0  }
0xc2: {  	[sflag:s29] =	ssyncadd.s32 $0xFFFFC000  }
0xc3: {  	[spmem:s2] =	stream.indirect.scatter.add.f32 [tilespmem:s22], [sflag:$0x6], $0x80, s1, s21, $0xb8;
	[tilespmem:$0x1CC00] =	vst v63  }
0xc4: {  	_ =	swait.ge [sflag:s19], $0x4000  }
0xc5: {  	[sflag:s19] =	ssyncset.done $0x0  }
0xc6: {  	[sflag:s19] =	ssyncadd.s32 $0xFFFFC000  }
0xc7: {  	[tilespmem:s22], [sflag:$0x1] =	stream.indirect.gather [hbm4b:s4+s21], $0x80, s18, s21, $0xb8;
	[tilespmem:$0x1CC00] =	vst v63  }
0xc8: {  	_ =	swait.ge [sflag:s30], $0x4000  }
0xc9: {  	[sflag:s30] =	ssyncset.done $0x0  }
0xca: {  	[sflag:s30] =	ssyncadd.s32 $0xFFFFC000  }
0xcb: {  	[spmem:s2] =	stream.indirect.scatter.add.f32 [tilespmem:s24], [sflag:$0x6], $0x80, s7, s21, $0xb8;
	[tilespmem:$0x1CC00] =	vst v63  }
0xcc: {  	s11 =	simm.s32 $0x1000;
	_ =	swait.ge [sflag:s19], $0x4000  }
0xcd: {  	s12 =	sadd.s32 $0x100, s15;
	s13 =	sadd.s32 $0x100, s16;
	[sflag:s19] =	ssyncset.done $0x0  }
.LBB2_2:
0xce: {  	[sflag:s19] =	ssyncadd.s32 $0xFFFFC000  }
0xcf: {  	[tilespmem:s24], [sflag:$0x2] =	stream.indirect.gather [hbm4b:s4+s21], $0x80, s23, s21, $0xb8;
	[tilespmem:$0x1CC00] =	vst v63  }
0xd0: {  	_ = 	snop  }
0xd1: {  	[tilespmem:s26], [sflag:$0x4] =	stream.linear.gather [hbm4b:s13+s3], $0x400, $0x38;
	[tilespmem:$0x1CC00] =	vst v63  }
0xd2: {  	_ = 	snop  }
0xd3: {  	[tilespmem:s28], [sflag:$0x4] =	stream.linear.gather [hbm4b:s12+s3], $0x400, $0x38;
	[tilespmem:$0x1CC00] =	vst v63  }
0xd4: {  	_ =	swait.ge [sflag:s29], $0x4000  }
0xd5: {  	[sflag:s29] =	ssyncset.done $0x0  }
0xd6: {  	[sflag:s29] =	ssyncadd.s32 $0xFFFFC000  }
0xd7: {  	[spmem:s2] =	stream.indirect.scatter.add.f32 [tilespmem:s22], [sflag:$0x6], $0x80, s20, s21, $0xb8;
	[tilespmem:$0x1CC00] =	vst v63  }
0xd8: {  	_ =	swait.ge [sflag:s19], $0x4000  }
0xd9: {  	[sflag:s19] =	ssyncset.done $0x0  }
0xda: {  	s14 =	rddreg [dreg:$0x3];
	[sflag:s19] =	ssyncadd.s32 $0xFFFFC000  }
0xdb: {  	[tilespmem:s22], [sflag:$0x1] =	stream.indirect.gather [hbm4b:s4+s21], $0x80, s14, s21, $0xb8;
	[tilespmem:$0x1CC00] =	vst v63  }
0xdc: {  	_ =	swait.ge [sflag:s30], $0x4000  }
0xdd: {  	[sflag:s30] =	ssyncset.done $0x0  }
0xde: {  	s14 =	rddreg [dreg:$0x4];
	[sflag:s30] =	ssyncadd.s32 $0xFFFFC000  }
0xdf: {  	[spmem:s2] =	stream.indirect.scatter.add.f32 [tilespmem:s24], [sflag:$0x6], $0x80, s14, s21, $0xb8;
	[tilespmem:$0x1CC00] =	vst v63  }
0xe0: {  	_ =	swait.ge [sflag:s19], $0x4000  }
0xe1: {  	[sflag:s19] =	ssyncset.done $0x0  }
0xe2: {  	s14 =	rddreg [dreg:$0x5];
	[sflag:s19] =	ssyncadd.s32 $0xFFFFC000  }
0xe3: {  	[tilespmem:s24], [sflag:$0x2] =	stream.indirect.gather [hbm4b:s4+s21], $0x80, s14, s21, $0xb8;
	[tilespmem:$0x1CC00] =	vst v63  }
0xe4: {  	_ =	swait.ge [sflag:s29], $0x4000  }
0xe5: {  	[sflag:s29] =	ssyncset.done $0x0  }
0xe6: {  	s14 =	rddreg [dreg:$0x6];
	[sflag:s29] =	ssyncadd.s32 $0xFFFFC000  }
0xe7: {  	[spmem:s2] =	stream.indirect.scatter.add.f32 [tilespmem:s22], [sflag:$0x6], $0x80, s14, s21, $0xb8;
	[tilespmem:$0x1CC00] =	vst v63  }
0xe8: {  	_ =	swait.ge [sflag:s19], $0x4000  }
0xe9: {  	[sflag:s19] =	ssyncset.done $0x0  }
0xea: {  	s14 =	rddreg [dreg:$0x7];
	[sflag:s19] =	ssyncadd.s32 $0xFFFFC000  }
0xeb: {  	[tilespmem:s22], [sflag:$0x1] =	stream.indirect.gather [hbm4b:s4+s21], $0x80, s14, s21, $0xb8;
	[tilespmem:$0x1CC00] =	vst v63  }
0xec: {  	_ =	swait.ge [sflag:s30], $0x4000  }
0xed: {  	[sflag:s30] =	ssyncset.done $0x0  }
0xee: {  	s14 =	rddreg [dreg:$0x8];
	[sflag:s30] =	ssyncadd.s32 $0xFFFFC000  }
0xef: {  	[spmem:s2] =	stream.indirect.scatter.add.f32 [tilespmem:s24], [sflag:$0x6], $0x80, s14, s21, $0xb8;
	[tilespmem:$0x1CC00] =	vst v63  }
0xf0: {  	_ =	swait.ge [sflag:s19], $0x4000  }
0xf1: {  	[sflag:s19] =	ssyncset.done $0x0  }
0xf2: {  	s14 =	rddreg [dreg:$0x9];
	[sflag:s19] =	ssyncadd.s32 $0xFFFFC000  }
0xf3: {  	[tilespmem:s24], [sflag:$0x2] =	stream.indirect.gather [hbm4b:s4+s21], $0x80, s14, s21, $0xb8;
	[tilespmem:$0x1CC00] =	vst v63  }
0xf4: {  	_ =	swait.ge [sflag:s29], $0x4000  }
0xf5: {  	[sflag:s29] =	ssyncset.done $0x0  }
0xf6: {  	s14 =	rddreg [dreg:$0xa];
	[sflag:s29] =	ssyncadd.s32 $0xFFFFC000  }
0xf7: {  	[spmem:s2] =	stream.indirect.scatter.add.f32 [tilespmem:s22], [sflag:$0x6], $0x80, s14, s21, $0xb8;
	[tilespmem:$0x1CC00] =	vst v63  }
0xf8: {  	_ =	swait.ge [sflag:s19], $0x4000  }
0xf9: {  	[sflag:s19] =	ssyncset.done $0x0  }
0xfa: {  	s14 =	rddreg [dreg:$0xb];
	[sflag:s19] =	ssyncadd.s32 $0xFFFFC000  }
0xfb: {  	[tilespmem:s22], [sflag:$0x1] =	stream.indirect.gather [hbm4b:s4+s21], $0x80, s14, s21, $0xb8;
	[tilespmem:$0x1CC00] =	vst v63  }
0xfc: {  	_ =	swait.ge [sflag:s30], $0x4000  }
0xfd: {  	[sflag:s30] =	ssyncset.done $0x0  }
0xfe: {  	s14 =	rddreg [dreg:$0xc];
	[sflag:s30] =	ssyncadd.s32 $0xFFFFC000  }
0xff: {  	[spmem:s2] =	stream.indirect.scatter.add.f32 [tilespmem:s24], [sflag:$0x6], $0x80, s14, s21, $0xb8;
	[tilespmem:$0x1CC00] =	vst v63  }
0x100: {  	_ =	swait.ge [sflag:s19], $0x4000  }
0x101: {  	[sflag:s19] =	ssyncset.done $0x0  }
0x102: {  	s14 =	rddreg [dreg:$0xd];
	[sflag:s19] =	ssyncadd.s32 $0xFFFFC000  }
0x103: {  	[tilespmem:s24], [sflag:$0x2] =	stream.indirect.gather [hbm4b:s4+s21], $0x80, s14, s21, $0xb8;
	[tilespmem:$0x1CC00] =	vst v63  }
0x104: {  	_ =	swait.ge [sflag:s31], $0x400  }
0x105: {  	[sflag:s31] =	ssyncset.done $0x0  }
0x106: {  	[sflag:s31] =	ssyncadd.s32 $0xFFFFFC00  }
0x107: {  	_ =	swait.ge [sflag:s31], $0x400  }
0x108: {  	[sflag:s31] =	ssyncset.done $0x0  }
0x109: {  	[sflag:s31] =	ssyncadd.s32 $0xFFFFFC00  }
0x10a: {  	_ =	swait.ge [sflag:s29], $0x4000  }
0x10b: {  	[sflag:s29] =	ssyncset.done $0x0  }
0x10c: {  	s14 =	rddreg [dreg:$0xe];
	[sflag:s29] =	ssyncadd.s32 $0xFFFFC000  }
0x10d: {  	[spmem:s2] =	stream.indirect.scatter.add.f32 [tilespmem:s22], [sflag:$0x6], $0x80, s14, s21, $0xb8;
	[tilespmem:$0x1CC00] =	vst v63  }
0x10e: {  	_ =	swait.ge [sflag:s19], $0x4000  }
0x10f: {  	[sflag:s19] =	ssyncset.done $0x0  }
0x110: {  	[sflag:s19] =	ssyncadd.s32 $0xFFFFC000  }
0x111: {  	[tilespmem:s22], [sflag:$0x1] =	stream.indirect.gather [hbm4b:s4+s21], $0x80, s26, s21, $0xb8;
	[tilespmem:$0x1CC00] =	vst v63  }
0x112: {  	_ =	swait.ge [sflag:s30], $0x4000  }
0x113: {  	s8 =	smov.u32 s11;
	[sflag:s30] =	ssyncset.done $0x0  }
0x114: {  	p1 =	seq.s32 s8, $0x2800;
	s14 =	rddreg [dreg:$0xf];
	[sflag:s30] =	ssyncadd.s32 $0xFFFFC000  }
0x115: {  	[spmem:s2] =	stream.indirect.scatter.add.f32 [tilespmem:s24], [sflag:$0x6], $0x80, s14, s21, $0xb8;
	[tilespmem:$0x1CC00] =	vst v63  }
0x116: {  	s8 =	simm.s32 @p1 $0x0;
	_ =	swait.ge [sflag:s19], $0x4000  }
0x117: {  	s8 =	sadd.s32 s9, s8;
	[sflag:s19] =	ssyncset.done $0x0  }
0x118: {  	s8 =	sshrl.u32 s8, $0x3;
	s14 =	rddreg [dreg:$0x10];
	[sflag:s19] =	ssyncadd.s32 $0xFFFFC000  }
0x119: {  	[tilespmem:s24], [sflag:$0x2] =	stream.indirect.gather [hbm4b:s4+s21], $0x80, s14, s21, $0xb8;
	[tilespmem:$0x1CC00] =	vst v63  }
0x11a: {  	s14 =	sadd.s32 s5, s8  }
0x11b: {  	[tilespmem:s18], [sflag:$0x3] =	stream.linear.gather [hbm4b:s14+s3], $0x400, $0x38;
	[tilespmem:$0x1CC00] =	vst v63  }
0x11c: {  	s8 =	sadd.s32 s6, s8  }
0x11d: {  	[tilespmem:s20], [sflag:$0x3] =	stream.linear.gather [hbm4b:s8+s3], $0x400, $0x38;
	[tilespmem:$0x1CC00] =	vst v63  }
0x11e: {  	_ =	swait.ge [sflag:s29], $0x4000  }
0x11f: {  	[sflag:s29] =	ssyncset.done $0x0  }
0x120: {  	[sflag:s29] =	ssyncadd.s32 $0xFFFFC000  }
0x121: {  	[spmem:s2] =	stream.indirect.scatter.add.f32 [tilespmem:s22], [sflag:$0x6], $0x80, s28, s21, $0xb8;
	[tilespmem:$0x1CC00] =	vst v63  }
0x122: {  	_ =	swait.ge [sflag:s19], $0x4000  }
0x123: {  	[sflag:s19] =	ssyncset.done $0x0  }
0x124: {  	s14 =	rddreg [dreg:$0x11];
	[sflag:s19] =	ssyncadd.s32 $0xFFFFC000  }
0x125: {  	[tilespmem:s22], [sflag:$0x1] =	stream.indirect.gather [hbm4b:s4+s21], $0x80, s14, s21, $0xb8;
	[tilespmem:$0x1CC00] =	vst v63  }
0x126: {  	_ =	swait.ge [sflag:s30], $0x4000  }
0x127: {  	[sflag:s30] =	ssyncset.done $0x0  }
0x128: {  	s14 =	rddreg [dreg:$0x12];
	[sflag:s30] =	ssyncadd.s32 $0xFFFFC000  }
0x129: {  	[spmem:s2] =	stream.indirect.scatter.add.f32 [tilespmem:s24], [sflag:$0x6], $0x80, s14, s21, $0xb8;
	[tilespmem:$0x1CC00] =	vst v63  }
0x12a: {  	_ =	swait.ge [sflag:s19], $0x4000  }
0x12b: {  	[sflag:s19] =	ssyncset.done $0x0  }
0x12c: {  	s14 =	rddreg [dreg:$0x13];
	[sflag:s19] =	ssyncadd.s32 $0xFFFFC000  }
0x12d: {  	[tilespmem:s24], [sflag:$0x2] =	stream.indirect.gather [hbm4b:s4+s21], $0x80, s14, s21, $0xb8;
	[tilespmem:$0x1CC00] =	vst v63  }
0x12e: {  	_ =	swait.ge [sflag:s29], $0x4000  }
0x12f: {  	[sflag:s29] =	ssyncset.done $0x0  }
0x130: {  	s14 =	rddreg [dreg:$0x14];
	[sflag:s29] =	ssyncadd.s32 $0xFFFFC000  }
0x131: {  	[spmem:s2] =	stream.indirect.scatter.add.f32 [tilespmem:s22], [sflag:$0x6], $0x80, s14, s21, $0xb8;
	[tilespmem:$0x1CC00] =	vst v63  }
0x132: {  	_ =	swait.ge [sflag:s19], $0x4000  }
0x133: {  	[sflag:s19] =	ssyncset.done $0x0  }
0x134: {  	s14 =	rddreg [dreg:$0x15];
	[sflag:s19] =	ssyncadd.s32 $0xFFFFC000  }
0x135: {  	[tilespmem:s22], [sflag:$0x1] =	stream.indirect.gather [hbm4b:s4+s21], $0x80, s14, s21, $0xb8;
	[tilespmem:$0x1CC00] =	vst v63  }
0x136: {  	_ =	swait.ge [sflag:s30], $0x4000  }
0x137: {  	[sflag:s30] =	ssyncset.done $0x0  }
0x138: {  	s14 =	rddreg [dreg:$0x16];
	[sflag:s30] =	ssyncadd.s32 $0xFFFFC000  }
0x139: {  	[spmem:s2] =	stream.indirect.scatter.add.f32 [tilespmem:s24], [sflag:$0x6], $0x80, s14, s21, $0xb8;
	[tilespmem:$0x1CC00] =	vst v63  }
0x13a: {  	_ =	swait.ge [sflag:s19], $0x4000  }
0x13b: {  	[sflag:s19] =	ssyncset.done $0x0  }
0x13c: {  	s14 =	rddreg [dreg:$0x17];
	[sflag:s19] =	ssyncadd.s32 $0xFFFFC000  }
0x13d: {  	[tilespmem:s24], [sflag:$0x2] =	stream.indirect.gather [hbm4b:s4+s21], $0x80, s14, s21, $0xb8;
	[tilespmem:$0x1CC00] =	vst v63  }
0x13e: {  	_ =	swait.ge [sflag:s29], $0x4000  }
0x13f: {  	[sflag:s29] =	ssyncset.done $0x0  }
0x140: {  	s14 =	rddreg [dreg:$0x18];
	[sflag:s29] =	ssyncadd.s32 $0xFFFFC000  }
0x141: {  	[spmem:s2] =	stream.indirect.scatter.add.f32 [tilespmem:s22], [sflag:$0x6], $0x80, s14, s21, $0xb8;
	[tilespmem:$0x1CC00] =	vst v63  }
0x142: {  	_ =	swait.ge [sflag:s19], $0x4000  }
0x143: {  	[sflag:s19] =	ssyncset.done $0x0  }
0x144: {  	s14 =	rddreg [dreg:$0x19];
	[sflag:s19] =	ssyncadd.s32 $0xFFFFC000  }
0x145: {  	[tilespmem:s22], [sflag:$0x1] =	stream.indirect.gather [hbm4b:s4+s21], $0x80, s14, s21, $0xb8;
	[tilespmem:$0x1CC00] =	vst v63  }
0x146: {  	_ =	swait.ge [sflag:s30], $0x4000  }
0x147: {  	[sflag:s30] =	ssyncset.done $0x0  }
0x148: {  	s14 =	rddreg [dreg:$0x1a];
	[sflag:s30] =	ssyncadd.s32 $0xFFFFC000  }
0x149: {  	[spmem:s2] =	stream.indirect.scatter.add.f32 [tilespmem:s24], [sflag:$0x6], $0x80, s14, s21, $0xb8;
	[tilespmem:$0x1CC00] =	vst v63  }
0x14a: {  	_ =	swait.ge [sflag:s19], $0x4000  }
0x14b: {  	[sflag:s19] =	ssyncset.done $0x0  }
0x14c: {  	s14 =	rddreg [dreg:$0x1b];
	[sflag:s19] =	ssyncadd.s32 $0xFFFFC000  }
0x14d: {  	[tilespmem:s24], [sflag:$0x2] =	stream.indirect.gather [hbm4b:s4+s21], $0x80, s14, s21, $0xb8;
	[tilespmem:$0x1CC00] =	vst v63  }
0x14e: {  	_ =	swait.ge [sflag:s0], $0x400  }
0x14f: {  	[sflag:s0] =	ssyncset.done $0x0  }
0x150: {  	[sflag:s0] =	ssyncadd.s32 $0xFFFFFC00  }
0x151: {  	_ =	swait.ge [sflag:s0], $0x400  }
0x152: {  	[sflag:s0] =	ssyncset.done $0x0  }
0x153: {  	[sflag:s0] =	ssyncadd.s32 $0xFFFFFC00  }
0x154: {  	_ =	swait.ge [sflag:s29], $0x4000  }
0x155: {  	[sflag:s29] =	ssyncset.done $0x0  }
0x156: {  	[sflag:s29] =	ssyncadd.s32 $0xFFFFC000  }
0x157: {  	[spmem:s2] =	stream.indirect.scatter.add.f32 [tilespmem:s22], [sflag:$0x6], $0x80, s1, s21, $0xb8;
	[tilespmem:$0x1CC00] =	vst v63  }
0x158: {  	_ =	swait.ge [sflag:s19], $0x4000  }
0x159: {  	[sflag:s19] =	ssyncset.done $0x0  }
0x15a: {  	[sflag:s19] =	ssyncadd.s32 $0xFFFFC000  }
0x15b: {  	[tilespmem:s22], [sflag:$0x1] =	stream.indirect.gather [hbm4b:s4+s21], $0x80, s18, s21, $0xb8;
	[tilespmem:$0x1CC00] =	vst v63  }
0x15c: {  	p0 =	sne.s32 s11, $0x2800;
	_ =	swait.ge [sflag:s30], $0x4000  }
.Ltmp0:
0x15d: {  	[sflag:s30] =	ssyncset.done $0x0;
	(pc) =	sbr.rel @p0 .LBB2_2-.Ltmp0, $4  }
0x15e: {  	[sflag:s30] =	ssyncadd.s32 $0xFFFFC000  }
0x15f: {  	[spmem:s2] =	stream.indirect.scatter.add.f32 [tilespmem:s24], [sflag:$0x6], $0x80, s7, s21, $0xb8;
	[tilespmem:$0x1CC00] =	vst v63  }
0x160: {  	s11 =	sadd.s32 $0x800, s11;
	_ =	swait.ge [sflag:s19], $0x4000  }
0x161: {  	s13 =	sadd.s32 $0x100, s13;
	s12 =	sadd.s32 $0x100, s12;
	[sflag:s19] =	ssyncset.done $0x0  }
0x162: {  	[sflag:s19] =	ssyncadd.s32 $0xFFFFC000  }
0x163: {  	[tilespmem:s24], [sflag:$0x2] =	stream.indirect.gather [hbm4b:s4+s21], $0x80, s23, s21, $0xb8;
	[tilespmem:$0x1CC00] =	vst v63  }
0x164: {  	_ =	swait.ge [sflag:s29], $0x4000  }
0x165: {  	[sflag:s29] =	ssyncset.done $0x0  }
0x166: {  	[sflag:s29] =	ssyncadd.s32 $0xFFFFC000  }
0x167: {  	_ =	swait.ge [sflag:s30], $0x4000  }
0x168: {  	[sflag:s30] =	ssyncset.done $0x0  }
0x169: {  	[sflag:s30] =	ssyncadd.s32 $0xFFFFC000  }
0x16a: {  	[bflag:$0x0] =	sbarrier.arrive $0xFFFF  }
0x16b: {  	s11 =	sld [smem:$0x7FC]  }
0x16c: {  	s8 =	rddreg [dreg:$0x1d]  }
0x16d: {  	s8 =	sor.u32 $0x1C06, s8  }
0x16e: {  	[hbm:s11], [sflag:s8] =	dma.local [spmem:s17], $0x2780  }
0x16f: {  	_ =	swait.ge [sflag:s19], $0x2780  }
0x170: {  	s14 =	sld [smem:$0x7FD];
	_ =	sdelay $0x1  }
0x171: {  	s10 =	sadd.s32 $0x1, s10  }
0x172: {  	p0 =	sne.s32 s10, s14  }
.Ltmp1:
0x173: {  	_ = 	snop;
	(pc) =	sbr.rel @p0 .LBB2_1-.Ltmp1, $3  }
0x174: {  	_ =	sdelay $0x1  }
0x175: {  	[sflag:s19] =	ssyncset.done $0x0  }
0x176: {  	[sflag:s19] =	ssyncadd.s32 $0xFFFFD880  }
0x177: {  	_ =	sfence.sel $0x180000  }
0x178: {  	[bflag:$0x0] =	sbarrier.arrive $0xFFFF  }
0x179: {  	_ =	strace $0x9000004A  }
0x17a: {  	s0 =	stileid.u32;
	[bflag:$0x2] =	sbarrier.arrive $0xFFFF  }
0x17b: {  	p0 =	sne.s32 s0, $0x0;
	s0 =	rddreg [dreg:$0x2]  }
0x17c: {  	s0 =	sadd.s32 @!p0 $0x100000, s0  }
0x17d: {  	[sflag:s0] =	ssyncadd.tile.s32 @!p0 $0x1;
	_ =	shalt  }
.Lfunc_end2:
_tile_overlayer_lowered:
.L_overlay_start_2:
0x17e: {  	(tag) =	ssettag $0x2  }
0x17f: {  	s0 =	rddreg [dreg:$0x0];
	s2 =	stileid.u32  }
0x180: {  	s1 =	rddreg [dreg:$0x1];
	p0 =	sne.s32 s2, $0x0  }
0x181: {  	s3 =	rddreg [dreg:$0x2];
	[bflag:$0x3] =	sbarrier.arrive $0xFFFF;
	s2 =	simm.s32 @!p0 $0x1C06  }
0x182: {  	[timem:s3], [sflag:s2] =	dma.local @!p0 [hbm:s0], s1  }
0x183: {  	s0 =	simm.s32 @!p0 $0x6  }
0x184: {  	_ =	swait.ge @!p0 [sflag:s0], s1  }
0x185: {  	s1 =	ssub.s32 @!p0 $0x0, s1;
	[sflag:s0] =	ssyncset.done @!p0 $0x0  }
0x186: {  	[sflag:s0] =	ssyncadd.s32 @!p0 s1  }
0x187: {  	[bflag:$0x3] =	sbarrier.arrive $0xFFFF  }
0x188: {  	_ =	shalt  }

</sc_bundles>
